<compile_context>
chip_gen: v7x
topology: tpu7x:2x2x1
jax: 0.10.2.dev20260603
libtpu: 0.0.44.dev20260713+nightly
codegen_flags: <defaults>
</compile_context>

<pallas_src>
import functools

import jax
import jax.numpy as jnp
from jax import lax
from jax.experimental import pallas as pl
from jax.experimental.pallas import tpu as pltpu
from jax.experimental.pallas import tpu_sc as plsc

D_MODEL_H = 768
N_EXP_H = 64
NEG_INF_H = float("-inf")
CHUNKS_H = ((16384, 4096), (16384, 4096))

_INFO = plsc.get_sparse_core_info()
_NW = _INFO.num_cores * _INFO.num_subcores
_L = _INFO.num_lanes


def _matmul_block(w_ref, x_ref, out_ref, *, slabs, toks):
    logits_t = lax.dot_general(
        w_ref[...], x_ref[...], (((1,), (1,)), ((), ())),
        preferred_element_type=jnp.float32)
    for j in range(slabs):
        out_ref[j] = logits_t[:, j * toks:(j + 1) * toks]


def _tc_logits(x_flat, W, start_tok, n_c, T, toks):
    slabs = T // toks
    tiles = n_c // T
    tile0 = start_tok // T
    out = pl.pallas_call(
        functools.partial(_matmul_block, slabs=slabs, toks=toks),
        grid=(tiles,),
        in_specs=[
            pl.BlockSpec((N_EXP_H, D_MODEL_H), lambda i: (0, 0)),
            pl.BlockSpec((T, D_MODEL_H), lambda i, t0=tile0: (i + t0, 0)),
        ],
        out_specs=pl.BlockSpec((slabs, N_EXP_H, toks), lambda i: (i, 0, 0)),
        out_shape=jax.ShapeDtypeStruct(
            (n_c // toks, N_EXP_H, toks), jnp.float32),
    )(W, x_flat)
    return out.reshape(n_c // toks, N_EXP_H * toks)


def _sc_body(logits_hbm, g1_hbm, g2_hbm, i1_hbm, i2_hbm, buf, g1b, g2b,
             i1b, i2b, *, toks):
    wid = lax.axis_index("s") * _INFO.num_cores + lax.axis_index("c")
    pltpu.sync_copy(logits_hbm.at[wid], buf)

    def blk_body(blk, _):
        o = blk * _L
        m1 = buf[pl.ds(o, _L)]
        a1 = jnp.zeros((_L,), jnp.int32)
        m2 = jnp.full((_L,), NEG_INF_H, jnp.float32)
        a2 = jnp.zeros((_L,), jnp.int32)
        for e in range(1, N_EXP_H):
            l = buf[pl.ds(e * toks + o, _L)]
            es = jnp.full((_L,), e, jnp.int32)
            gt1 = l > m1
            gt2 = l > m2
            m2n = jnp.maximum(m2, jnp.minimum(l, m1))
            a2 = jnp.where(gt1, a1, jnp.where(gt2, es, a2))
            m1 = jnp.maximum(m1, l)
            a1 = jnp.where(gt1, es, a1)
            m2 = m2n
        ex = jnp.exp(m2 - m1)
        g1 = 1.0 / (1.0 + ex)
        g1b[pl.ds(o, _L)] = g1
        g2b[pl.ds(o, _L)] = 1.0 - g1
        i1b[pl.ds(o, _L)] = a1
        i2b[pl.ds(o, _L)] = a2
        return ()

    lax.fori_loop(0, toks // _L, blk_body, ())
    base = wid * toks
    pltpu.sync_copy(g1b, g1_hbm.at[pl.ds(base, toks)])
    pltpu.sync_copy(g2b, g2_hbm.at[pl.ds(base, toks)])
    pltpu.sync_copy(i1b, i1_hbm.at[pl.ds(base, toks)])
    pltpu.sync_copy(i2b, i2_hbm.at[pl.ds(base, toks)])


def _sc_top2(logits_slabs, toks):
    n_tok = _NW * toks
    mesh = plsc.VectorSubcoreMesh(core_axis_name="c", subcore_axis_name="s")
    f = pl.kernel(
        functools.partial(_sc_body, toks=toks),
        mesh=mesh,
        out_type=[
            jax.ShapeDtypeStruct((n_tok,), jnp.float32),
            jax.ShapeDtypeStruct((n_tok,), jnp.float32),
            jax.ShapeDtypeStruct((n_tok,), jnp.int32),
            jax.ShapeDtypeStruct((n_tok,), jnp.int32),
        ],
        scratch_types=[
            pltpu.VMEM((N_EXP_H * toks,), jnp.float32),
            pltpu.VMEM((toks,), jnp.float32),
            pltpu.VMEM((toks,), jnp.float32),
            pltpu.VMEM((toks,), jnp.int32),
            pltpu.VMEM((toks,), jnp.int32),
        ],
    )
    return f(logits_slabs)


def kernel(x, W):
    B, S, D = x.shape
    n_tok = B * S
    xf = x.reshape(n_tok, D)
    parts = []
    start = 0
    for n_c, T in CHUNKS_H:
        toks = n_c // _NW
        parts.append(_sc_top2(_tc_logits(xf, W, start, n_c, T, toks), toks))
        start += n_c
    g1 = jnp.concatenate([p[0] for p in parts])
    g2 = jnp.concatenate([p[1] for p in parts])
    i1 = jnp.concatenate([p[2] for p in parts])
    i2 = jnp.concatenate([p[3] for p in parts])
    gates = jnp.stack([g1, g2], axis=-1).reshape(B, S, 2)
    idx = jnp.stack([i1, i2], axis=-1).reshape(B, S, 2)
    return gates, idx

# --- scband reference (transcript-rebuilt; emitter-appended) ---
"""Pipeline reference for scband-top-krouter-84817014161792 (READ-ONLY COPY).

The authoritative reference and input builder live on the scoring server;
editing this copy changes nothing except your own understanding.
"""

import jax, jax.numpy as jnp
import numpy as np

D_MODEL = 768
N_EXPERTS = 64
TOP_K = 2

def setup_inputs(seed: int = 0) -> dict:
    key = jax.random.key(seed)
    k1, k2 = jax.random.split(key)
    x = jax.random.normal(k1, (4, 8192, D_MODEL), dtype=jnp.float32)
    # nn.Linear(d_model, n_experts, bias=False) weight: [n_experts, d_model]
    W = jax.random.normal(k2, (N_EXPERTS, D_MODEL), dtype=jnp.float32) * (1.0 / np.sqrt(D_MODEL))
    return {"x": x, "W": W}

def reference(x, W):
    # gate_logits = x @ W.T : [B, S, n_experts]
    gate_logits = jnp.einsum('bsd,ed->bse', x, W)
    gate_probs = jax.nn.softmax(gate_logits, axis=-1)
    topk_gates, topk_indices = jax.lax.top_k(gate_probs, TOP_K)
    gates = topk_gates / jnp.sum(topk_gates, axis=-1, keepdims=True)
    return (gates, topk_indices)

if __name__ == "__main__":
    import jax
    _d = setup_inputs()
    print(jax.jit(kernel)(*tuple(_d.values())))

</pallas_src>

<mosaic_0001>
#map = affine_map<(d0, d1) -> (0, 0)>
#map1 = affine_map<(d0, d1) -> (0)>
module attributes {stable_mosaic.version = 14 : i64} {
  func.func @_sc_body(%arg0: i32, %arg1: i32, %arg2: memref<32x32768xf32, #tpu.memory_space<hbm>>, %arg3: memref<16384xf32, #tpu.memory_space<hbm>>, %arg4: memref<16384xf32, #tpu.memory_space<hbm>>, %arg5: memref<16384xi32, #tpu.memory_space<hbm>>, %arg6: memref<16384xi32, #tpu.memory_space<hbm>>, %arg7: memref<32768xf32, #tpu.memory_space<vmem>>, %arg8: memref<512xf32, #tpu.memory_space<vmem>>, %arg9: memref<512xf32, #tpu.memory_space<vmem>>, %arg10: memref<512xi32, #tpu.memory_space<vmem>>, %arg11: memref<512xi32, #tpu.memory_space<vmem>>) attributes {dimension_semantics = [#tpu.dimension_semantics<core_parallel>, #tpu.dimension_semantics<subcore_parallel>], iteration_bounds = array<i64: 2, 16>, scalar_prefetch = 0 : i64, scratch_operands = 5 : i64, tpu.core_type = #tpu.core_type<sc_vector_subcore>, window_params = [{transform_indices = #map}, {transform_indices = #map1}, {transform_indices = #map1}, {transform_indices = #map1}, {transform_indices = #map1}]} {
    %mul3A = arith.constant 2 : i32
    %mul3A_0 = arith.muli %arg1, %mul3A : i32
    %add3A = arith.addi %mul3A_0, %arg0 : i32
    "tpu.region"() ({
      %run_scoped3A = tpu.sem_alloc : memref<!tpu.dma_semaphore, #tpu.memory_space<semaphore_mem>>
      %dma_start3A = arith.constant 0 : i32
      %dma_start3A_7 = tpu.memref_slice %arg2[%add3A, %dma_start3A] : memref<32x32768xf32, #tpu.memory_space<hbm>> -> memref<1x32768xf32, #tpu.memory_space<hbm>>
      %dma_start3A_8 = tpu.memref_squeeze %dma_start3A_7 : memref<1x32768xf32, #tpu.memory_space<hbm>> -> memref<32768xf32, #tpu.memory_space<hbm>>
      %dma_start3A_9 = arith.constant 0 : i32
      %dma_start3A_10 = tpu.memref_slice %arg2[%add3A, %dma_start3A_9] : memref<32x32768xf32, #tpu.memory_space<hbm>> -> memref<1x32768xf32, #tpu.memory_space<hbm>>
      %dma_start3A_11 = tpu.memref_squeeze %dma_start3A_10 : memref<1x32768xf32, #tpu.memory_space<hbm>> -> memref<32768xf32, #tpu.memory_space<hbm>>
      tpu.enqueue_dma source(%dma_start3A_11 : memref<32768xf32, #tpu.memory_space<hbm>>) target(%arg7 : memref<32768xf32, #tpu.memory_space<vmem>>) target_semaphore(%run_scoped3A : memref<!tpu.dma_semaphore, #tpu.memory_space<semaphore_mem>>)
      %dma_wait3A = arith.constant 0 : i32
      %dma_wait3A_12 = tpu.memref_slice %arg2[%add3A, %dma_wait3A] : memref<32x32768xf32, #tpu.memory_space<hbm>> -> memref<1x32768xf32, #tpu.memory_space<hbm>>
      %dma_wait3A_13 = tpu.memref_squeeze %dma_wait3A_12 : memref<1x32768xf32, #tpu.memory_space<hbm>> -> memref<32768xf32, #tpu.memory_space<hbm>>
      %dma_wait3A_14 = arith.constant 0 : i32
      %dma_wait3A_15 = tpu.memref_slice %arg2[%add3A, %dma_wait3A_14] : memref<32x32768xf32, #tpu.memory_space<hbm>> -> memref<1x32768xf32, #tpu.memory_space<hbm>>
      %dma_wait3A_16 = tpu.memref_squeeze %dma_wait3A_15 : memref<1x32768xf32, #tpu.memory_space<hbm>> -> memref<32768xf32, #tpu.memory_space<hbm>>
      tpu.wait_dma2 semaphore(%run_scoped3A : memref<!tpu.dma_semaphore, #tpu.memory_space<semaphore_mem>>) src(%dma_wait3A_16 : memref<32768xf32, #tpu.memory_space<hbm>>) dst(%arg7 : memref<32768xf32, #tpu.memory_space<vmem>>)
      tpu.yield
    }) : () -> ()
    %scan3A = arith.constant 0 : i32
    %scan3A_1 = arith.constant 32 : i32
    %scan3A_2 = arith.addi %scan3A, %scan3A_1 : i32
    %scan3A_3 = arith.constant 1 : i32
    scf.for %scan3A_7 = %scan3A to %scan3A_2 step %scan3A_3  : i32 {
      %mul3A_8 = arith.constant 16 : i32
      %mul3A_9 = arith.muli %scan3A_7, %mul3A_8 : i32
      %get3A = arith.index_cast %mul3A_9 : i32 to index
      %get3A_10 = tpu.vector_load %arg7[%get3A] {strides = array<i32>} : memref<32768xf32, #tpu.memory_space<vmem>>, vector<16xf32>,
      %get3A_11 = vector.shape_cast %get3A_10 : vector<16xf32> to vector<16xf32>
      %broadcast_in_dim3A = arith.constant 0 : i32
      %broadcast_in_dim3A_12 = vector.broadcast %broadcast_in_dim3A : i32 to vector<16xi32>
      %broadcast_in_dim3A_13 = arith.constant 0xFF800000 : f32
      %broadcast_in_dim3A_14 = vector.broadcast %broadcast_in_dim3A_13 : f32 to vector<16xf32>
      %broadcast_in_dim3A_15 = arith.constant 0 : i32
      %broadcast_in_dim3A_16 = vector.broadcast %broadcast_in_dim3A_15 : i32 to vector<16xi32>
      %add3A_17 = arith.constant 512 : i32
      %add3A_18 = arith.addi %add3A_17, %mul3A_9 : i32
      %get3A_19 = arith.index_cast %add3A_18 : i32 to index
      %get3A_20 = tpu.vector_load %arg7[%get3A_19] {strides = array<i32>} : memref<32768xf32, #tpu.memory_space<vmem>>, vector<16xf32>,
      %get3A_21 = vector.shape_cast %get3A_20 : vector<16xf32> to vector<16xf32>
      %broadcast_in_dim3A_22 = arith.constant 1 : i32
      %broadcast_in_dim3A_23 = vector.broadcast %broadcast_in_dim3A_22 : i32 to vector<16xi32>
      %gt3A = arith.cmpf ogt, %get3A_21, %get3A_11 : vector<16xf32>
      %gt3A_24 = arith.cmpf ogt, %get3A_21, %broadcast_in_dim3A_14 : vector<16xf32>
      %min3A = arith.minimumf %get3A_21, %get3A_11 : vector<16xf32>
      %max3A = arith.maximumf %broadcast_in_dim3A_14, %min3A : vector<16xf32>
      %select_n3A = arith.select %gt3A_24, %broadcast_in_dim3A_23, %broadcast_in_dim3A_16 : vector<16xi1>, vector<16xi32>
      %select_n3A_25 = arith.select %gt3A, %broadcast_in_dim3A_12, %select_n3A : vector<16xi1>, vector<16xi32>
      %max3A_26 = arith.maximumf %get3A_11, %get3A_21 : vector<16xf32>
      %select_n3A_27 = arith.select %gt3A, %broadcast_in_dim3A_23, %broadcast_in_dim3A_12 : vector<16xi1>, vector<16xi32>
      %add3A_28 = arith.constant 1024 : i32
      %add3A_29 = arith.addi %add3A_28, %mul3A_9 : i32
      %get3A_30 = arith.index_cast %add3A_29 : i32 to index
      %get3A_31 = tpu.vector_load %arg7[%get3A_30] {strides = array<i32>} : memref<32768xf32, #tpu.memory_space<vmem>>, vector<16xf32>,
      %get3A_32 = vector.shape_cast %get3A_31 : vector<16xf32> to vector<16xf32>
      %broadcast_in_dim3A_33 = arith.constant 2 : i32
      %broadcast_in_dim3A_34 = vector.broadcast %broadcast_in_dim3A_33 : i32 to vector<16xi32>
      %gt3A_35 = arith.cmpf ogt, %get3A_32, %max3A_26 : vector<16xf32>
      %gt3A_36 = arith.cmpf ogt, %get3A_32, %max3A : vector<16xf32>
      %min3A_37 = arith.minimumf %get3A_32, %max3A_26 : vector<16xf32>
      %max3A_38 = arith.maximumf %max3A, %min3A_37 : vector<16xf32>
      %select_n3A_39 = arith.select %gt3A_36, %broadcast_in_dim3A_34, %select_n3A_25 : vector<16xi1>, vector<16xi32>
      %select_n3A_40 = arith.select %gt3A_35, %select_n3A_27, %select_n3A_39 : vector<16xi1>, vector<16xi32>
      %max3A_41 = arith.maximumf %max3A_26, %get3A_32 : vector<16xf32>
      %select_n3A_42 = arith.select %gt3A_35, %broadcast_in_dim3A_34, %select_n3A_27 : vector<16xi1>, vector<16xi32>
      %add3A_43 = arith.constant 1536 : i32
      %add3A_44 = arith.addi %add3A_43, %mul3A_9 : i32
      %get3A_45 = arith.index_cast %add3A_44 : i32 to index
      %get3A_46 = tpu.vector_load %arg7[%get3A_45] {strides = array<i32>} : memref<32768xf32, #tpu.memory_space<vmem>>, vector<16xf32>,
      %get3A_47 = vector.shape_cast %get3A_46 : vector<16xf32> to vector<16xf32>
      %broadcast_in_dim3A_48 = arith.constant 3 : i32
      %broadcast_in_dim3A_49 = vector.broadcast %broadcast_in_dim3A_48 : i32 to vector<16xi32>
      %gt3A_50 = arith.cmpf ogt, %get3A_47, %max3A_41 : vector<16xf32>
      %gt3A_51 = arith.cmpf ogt, %get3A_47, %max3A_38 : vector<16xf32>
      %min3A_52 = arith.minimumf %get3A_47, %max3A_41 : vector<16xf32>
      %max3A_53 = arith.maximumf %max3A_38, %min3A_52 : vector<16xf32>
      %select_n3A_54 = arith.select %gt3A_51, %broadcast_in_dim3A_49, %select_n3A_40 : vector<16xi1>, vector<16xi32>
      %select_n3A_55 = arith.select %gt3A_50, %select_n3A_42, %select_n3A_54 : vector<16xi1>, vector<16xi32>
      %max3A_56 = arith.maximumf %max3A_41, %get3A_47 : vector<16xf32>
      %select_n3A_57 = arith.select %gt3A_50, %broadcast_in_dim3A_49, %select_n3A_42 : vector<16xi1>, vector<16xi32>
      %add3A_58 = arith.constant 2048 : i32
      %add3A_59 = arith.addi %add3A_58, %mul3A_9 : i32
      %get3A_60 = arith.index_cast %add3A_59 : i32 to index
      %get3A_61 = tpu.vector_load %arg7[%get3A_60] {strides = array<i32>} : memref<32768xf32, #tpu.memory_space<vmem>>, vector<16xf32>,
      %get3A_62 = vector.shape_cast %get3A_61 : vector<16xf32> to vector<16xf32>
      %broadcast_in_dim3A_63 = arith.constant 4 : i32
      %broadcast_in_dim3A_64 = vector.broadcast %broadcast_in_dim3A_63 : i32 to vector<16xi32>
      %gt3A_65 = arith.cmpf ogt, %get3A_62, %max3A_56 : vector<16xf32>
      %gt3A_66 = arith.cmpf ogt, %get3A_62, %max3A_53 : vector<16xf32>
      %min3A_67 = arith.minimumf %get3A_62, %max3A_56 : vector<16xf32>
      %max3A_68 = arith.maximumf %max3A_53, %min3A_67 : vector<16xf32>
      %select_n3A_69 = arith.select %gt3A_66, %broadcast_in_dim3A_64, %select_n3A_55 : vector<16xi1>, vector<16xi32>
      %select_n3A_70 = arith.select %gt3A_65, %select_n3A_57, %select_n3A_69 : vector<16xi1>, vector<16xi32>
      %max3A_71 = arith.maximumf %max3A_56, %get3A_62 : vector<16xf32>
      %select_n3A_72 = arith.select %gt3A_65, %broadcast_in_dim3A_64, %select_n3A_57 : vector<16xi1>, vector<16xi32>
      %add3A_73 = arith.constant 2560 : i32
      %add3A_74 = arith.addi %add3A_73, %mul3A_9 : i32
      %get3A_75 = arith.index_cast %add3A_74 : i32 to index
      %get3A_76 = tpu.vector_load %arg7[%get3A_75] {strides = array<i32>} : memref<32768xf32, #tpu.memory_space<vmem>>, vector<16xf32>,
      %get3A_77 = vector.shape_cast %get3A_76 : vector<16xf32> to vector<16xf32>
      %broadcast_in_dim3A_78 = arith.constant 5 : i32
      %broadcast_in_dim3A_79 = vector.broadcast %broadcast_in_dim3A_78 : i32 to vector<16xi32>
      %gt3A_80 = arith.cmpf ogt, %get3A_77, %max3A_71 : vector<16xf32>
      %gt3A_81 = arith.cmpf ogt, %get3A_77, %max3A_68 : vector<16xf32>
      %min3A_82 = arith.minimumf %get3A_77, %max3A_71 : vector<16xf32>
      %max3A_83 = arith.maximumf %max3A_68, %min3A_82 : vector<16xf32>
      %select_n3A_84 = arith.select %gt3A_81, %broadcast_in_dim3A_79, %select_n3A_70 : vector<16xi1>, vector<16xi32>
      %select_n3A_85 = arith.select %gt3A_80, %select_n3A_72, %select_n3A_84 : vector<16xi1>, vector<16xi32>
      %max3A_86 = arith.maximumf %max3A_71, %get3A_77 : vector<16xf32>
      %select_n3A_87 = arith.select %gt3A_80, %broadcast_in_dim3A_79, %select_n3A_72 : vector<16xi1>, vector<16xi32>
      %add3A_88 = arith.constant 3072 : i32
      %add3A_89 = arith.addi %add3A_88, %mul3A_9 : i32
      %get3A_90 = arith.index_cast %add3A_89 : i32 to index
      %get3A_91 = tpu.vector_load %arg7[%get3A_90] {strides = array<i32>} : memref<32768xf32, #tpu.memory_space<vmem>>, vector<16xf32>,
      %get3A_92 = vector.shape_cast %get3A_91 : vector<16xf32> to vector<16xf32>
      %broadcast_in_dim3A_93 = arith.constant 6 : i32
      %broadcast_in_dim3A_94 = vector.broadcast %broadcast_in_dim3A_93 : i32 to vector<16xi32>
      %gt3A_95 = arith.cmpf ogt, %get3A_92, %max3A_86 : vector<16xf32>
      %gt3A_96 = arith.cmpf ogt, %get3A_92, %max3A_83 : vector<16xf32>
      %min3A_97 = arith.minimumf %get3A_92, %max3A_86 : vector<16xf32>
      %max3A_98 = arith.maximumf %max3A_83, %min3A_97 : vector<16xf32>
      %select_n3A_99 = arith.select %gt3A_96, %broadcast_in_dim3A_94, %select_n3A_85 : vector<16xi1>, vector<16xi32>
      %select_n3A_100 = arith.select %gt3A_95, %select_n3A_87, %select_n3A_99 : vector<16xi1>, vector<16xi32>
      %max3A_101 = arith.maximumf %max3A_86, %get3A_92 : vector<16xf32>
      %select_n3A_102 = arith.select %gt3A_95, %broadcast_in_dim3A_94, %select_n3A_87 : vector<16xi1>, vector<16xi32>
      %add3A_103 = arith.constant 3584 : i32
      %add3A_104 = arith.addi %add3A_103, %mul3A_9 : i32
      %get3A_105 = arith.index_cast %add3A_104 : i32 to index
      %get3A_106 = tpu.vector_load %arg7[%get3A_105] {strides = array<i32>} : memref<32768xf32, #tpu.memory_space<vmem>>, vector<16xf32>,
      %get3A_107 = vector.shape_cast %get3A_106 : vector<16xf32> to vector<16xf32>
      %broadcast_in_dim3A_108 = arith.constant 7 : i32
      %broadcast_in_dim3A_109 = vector.broadcast %broadcast_in_dim3A_108 : i32 to vector<16xi32>
      %gt3A_110 = arith.cmpf ogt, %get3A_107, %max3A_101 : vector<16xf32>
      %gt3A_111 = arith.cmpf ogt, %get3A_107, %max3A_98 : vector<16xf32>
      %min3A_112 = arith.minimumf %get3A_107, %max3A_101 : vector<16xf32>
      %max3A_113 = arith.maximumf %max3A_98, %min3A_112 : vector<16xf32>
      %select_n3A_114 = arith.select %gt3A_111, %broadcast_in_dim3A_109, %select_n3A_100 : vector<16xi1>, vector<16xi32>
      %select_n3A_115 = arith.select %gt3A_110, %select_n3A_102, %select_n3A_114 : vector<16xi1>, vector<16xi32>
      %max3A_116 = arith.maximumf %max3A_101, %get3A_107 : vector<16xf32>
      %select_n3A_117 = arith.select %gt3A_110, %broadcast_in_dim3A_109, %select_n3A_102 : vector<16xi1>, vector<16xi32>
      %add3A_118 = arith.constant 4096 : i32
      %add3A_119 = arith.addi %add3A_118, %mul3A_9 : i32
      %get3A_120 = arith.index_cast %add3A_119 : i32 to index
      %get3A_121 = tpu.vector_load %arg7[%get3A_120] {strides = array<i32>} : memref<32768xf32, #tpu.memory_space<vmem>>, vector<16xf32>,
      %get3A_122 = vector.shape_cast %get3A_121 : vector<16xf32> to vector<16xf32>
      %broadcast_in_dim3A_123 = arith.constant 8 : i32
      %broadcast_in_dim3A_124 = vector.broadcast %broadcast_in_dim3A_123 : i32 to vector<16xi32>
      %gt3A_125 = arith.cmpf ogt, %get3A_122, %max3A_116 : vector<16xf32>
      %gt3A_126 = arith.cmpf ogt, %get3A_122, %max3A_113 : vector<16xf32>
      %min3A_127 = arith.minimumf %get3A_122, %max3A_116 : vector<16xf32>
      %max3A_128 = arith.maximumf %max3A_113, %min3A_127 : vector<16xf32>
      %select_n3A_129 = arith.select %gt3A_126, %broadcast_in_dim3A_124, %select_n3A_115 : vector<16xi1>, vector<16xi32>
      %select_n3A_130 = arith.select %gt3A_125, %select_n3A_117, %select_n3A_129 : vector<16xi1>, vector<16xi32>
      %max3A_131 = arith.maximumf %max3A_116, %get3A_122 : vector<16xf32>
      %select_n3A_132 = arith.select %gt3A_125, %broadcast_in_dim3A_124, %select_n3A_117 : vector<16xi1>, vector<16xi32>
      %add3A_133 = arith.constant 4608 : i32
      %add3A_134 = arith.addi %add3A_133, %mul3A_9 : i32
      %get3A_135 = arith.index_cast %add3A_134 : i32 to index
      %get3A_136 = tpu.vector_load %arg7[%get3A_135] {strides = array<i32>} : memref<32768xf32, #tpu.memory_space<vmem>>, vector<16xf32>,
      %get3A_137 = vector.shape_cast %get3A_136 : vector<16xf32> to vector<16xf32>
      %broadcast_in_dim3A_138 = arith.constant 9 : i32
      %broadcast_in_dim3A_139 = vector.broadcast %broadcast_in_dim3A_138 : i32 to vector<16xi32>
      %gt3A_140 = arith.cmpf ogt, %get3A_137, %max3A_131 : vector<16xf32>
      %gt3A_141 = arith.cmpf ogt, %get3A_137, %max3A_128 : vector<16xf32>
      %min3A_142 = arith.minimumf %get3A_137, %max3A_131 : vector<16xf32>
      %max3A_143 = arith.maximumf %max3A_128, %min3A_142 : vector<16xf32>
      %select_n3A_144 = arith.select %gt3A_141, %broadcast_in_dim3A_139, %select_n3A_130 : vector<16xi1>, vector<16xi32>
      %select_n3A_145 = arith.select %gt3A_140, %select_n3A_132, %select_n3A_144 : vector<16xi1>, vector<16xi32>
      %max3A_146 = arith.maximumf %max3A_131, %get3A_137 : vector<16xf32>
      %select_n3A_147 = arith.select %gt3A_140, %broadcast_in_dim3A_139, %select_n3A_132 : vector<16xi1>, vector<16xi32>
      %add3A_148 = arith.constant 5120 : i32
      %add3A_149 = arith.addi %add3A_148, %mul3A_9 : i32
      %get3A_150 = arith.index_cast %add3A_149 : i32 to index
      %get3A_151 = tpu.vector_load %arg7[%get3A_150] {strides = array<i32>} : memref<32768xf32, #tpu.memory_space<vmem>>, vector<16xf32>,
      %get3A_152 = vector.shape_cast %get3A_151 : vector<16xf32> to vector<16xf32>
      %broadcast_in_dim3A_153 = arith.constant 10 : i32
      %broadcast_in_dim3A_154 = vector.broadcast %broadcast_in_dim3A_153 : i32 to vector<16xi32>
      %gt3A_155 = arith.cmpf ogt, %get3A_152, %max3A_146 : vector<16xf32>
      %gt3A_156 = arith.cmpf ogt, %get3A_152, %max3A_143 : vector<16xf32>
      %min3A_157 = arith.minimumf %get3A_152, %max3A_146 : vector<16xf32>
      %max3A_158 = arith.maximumf %max3A_143, %min3A_157 : vector<16xf32>
      %select_n3A_159 = arith.select %gt3A_156, %broadcast_in_dim3A_154, %select_n3A_145 : vector<16xi1>, vector<16xi32>
      %select_n3A_160 = arith.select %gt3A_155, %select_n3A_147, %select_n3A_159 : vector<16xi1>, vector<16xi32>
      %max3A_161 = arith.maximumf %max3A_146, %get3A_152 : vector<16xf32>
      %select_n3A_162 = arith.select %gt3A_155, %broadcast_in_dim3A_154, %select_n3A_147 : vector<16xi1>, vector<16xi32>
      %add3A_163 = arith.constant 5632 : i32
      %add3A_164 = arith.addi %add3A_163, %mul3A_9 : i32
      %get3A_165 = arith.index_cast %add3A_164 : i32 to index
      %get3A_166 = tpu.vector_load %arg7[%get3A_165] {strides = array<i32>} : memref<32768xf32, #tpu.memory_space<vmem>>, vector<16xf32>,
      %get3A_167 = vector.shape_cast %get3A_166 : vector<16xf32> to vector<16xf32>
      %broadcast_in_dim3A_168 = arith.constant 11 : i32
      %broadcast_in_dim3A_169 = vector.broadcast %broadcast_in_dim3A_168 : i32 to vector<16xi32>
      %gt3A_170 = arith.cmpf ogt, %get3A_167, %max3A_161 : vector<16xf32>
      %gt3A_171 = arith.cmpf ogt, %get3A_167, %max3A_158 : vector<16xf32>
      %min3A_172 = arith.minimumf %get3A_167, %max3A_161 : vector<16xf32>
      %max3A_173 = arith.maximumf %max3A_158, %min3A_172 : vector<16xf32>
      %select_n3A_174 = arith.select %gt3A_171, %broadcast_in_dim3A_169, %select_n3A_160 : vector<16xi1>, vector<16xi32>
      %select_n3A_175 = arith.select %gt3A_170, %select_n3A_162, %select_n3A_174 : vector<16xi1>, vector<16xi32>
      %max3A_176 = arith.maximumf %max3A_161, %get3A_167 : vector<16xf32>
      %select_n3A_177 = arith.select %gt3A_170, %broadcast_in_dim3A_169, %select_n3A_162 : vector<16xi1>, vector<16xi32>
      %add3A_178 = arith.constant 6144 : i32
      %add3A_179 = arith.addi %add3A_178, %mul3A_9 : i32
      %get3A_180 = arith.index_cast %add3A_179 : i32 to index
      %get3A_181 = tpu.vector_load %arg7[%get3A_180] {strides = array<i32>} : memref<32768xf32, #tpu.memory_space<vmem>>, vector<16xf32>,
      %get3A_182 = vector.shape_cast %get3A_181 : vector<16xf32> to vector<16xf32>
      %broadcast_in_dim3A_183 = arith.constant 12 : i32
      %broadcast_in_dim3A_184 = vector.broadcast %broadcast_in_dim3A_183 : i32 to vector<16xi32>
      %gt3A_185 = arith.cmpf ogt, %get3A_182, %max3A_176 : vector<16xf32>
      %gt3A_186 = arith.cmpf ogt, %get3A_182, %max3A_173 : vector<16xf32>
      %min3A_187 = arith.minimumf %get3A_182, %max3A_176 : vector<16xf32>
      %max3A_188 = arith.maximumf %max3A_173, %min3A_187 : vector<16xf32>
      %select_n3A_189 = arith.select %gt3A_186, %broadcast_in_dim3A_184, %select_n3A_175 : vector<16xi1>, vector<16xi32>
      %select_n3A_190 = arith.select %gt3A_185, %select_n3A_177, %select_n3A_189 : vector<16xi1>, vector<16xi32>
      %max3A_191 = arith.maximumf %max3A_176, %get3A_182 : vector<16xf32>
      %select_n3A_192 = arith.select %gt3A_185, %broadcast_in_dim3A_184, %select_n3A_177 : vector<16xi1>, vector<16xi32>
      %add3A_193 = arith.constant 6656 : i32
      %add3A_194 = arith.addi %add3A_193, %mul3A_9 : i32
      %get3A_195 = arith.index_cast %add3A_194 : i32 to index
      %get3A_196 = tpu.vector_load %arg7[%get3A_195] {strides = array<i32>} : memref<32768xf32, #tpu.memory_space<vmem>>, vector<16xf32>,
      %get3A_197 = vector.shape_cast %get3A_196 : vector<16xf32> to vector<16xf32>
      %broadcast_in_dim3A_198 = arith.constant 13 : i32
      %broadcast_in_dim3A_199 = vector.broadcast %broadcast_in_dim3A_198 : i32 to vector<16xi32>
      %gt3A_200 = arith.cmpf ogt, %get3A_197, %max3A_191 : vector<16xf32>
      %gt3A_201 = arith.cmpf ogt, %get3A_197, %max3A_188 : vector<16xf32>
      %min3A_202 = arith.minimumf %get3A_197, %max3A_191 : vector<16xf32>
      %max3A_203 = arith.maximumf %max3A_188, %min3A_202 : vector<16xf32>
      %select_n3A_204 = arith.select %gt3A_201, %broadcast_in_dim3A_199, %select_n3A_190 : vector<16xi1>, vector<16xi32>
      %select_n3A_205 = arith.select %gt3A_200, %select_n3A_192, %select_n3A_204 : vector<16xi1>, vector<16xi32>
      %max3A_206 = arith.maximumf %max3A_191, %get3A_197 : vector<16xf32>
      %select_n3A_207 = arith.select %gt3A_200, %broadcast_in_dim3A_199, %select_n3A_192 : vector<16xi1>, vector<16xi32>
      %add3A_208 = arith.constant 7168 : i32
      %add3A_209 = arith.addi %add3A_208, %mul3A_9 : i32
      %get3A_210 = arith.index_cast %add3A_209 : i32 to index
      %get3A_211 = tpu.vector_load %arg7[%get3A_210] {strides = array<i32>} : memref<32768xf32, #tpu.memory_space<vmem>>, vector<16xf32>,
      %get3A_212 = vector.shape_cast %get3A_211 : vector<16xf32> to vector<16xf32>
      %broadcast_in_dim3A_213 = arith.constant 14 : i32
      %broadcast_in_dim3A_214 = vector.broadcast %broadcast_in_dim3A_213 : i32 to vector<16xi32>
      %gt3A_215 = arith.cmpf ogt, %get3A_212, %max3A_206 : vector<16xf32>
      %gt3A_216 = arith.cmpf ogt, %get3A_212, %max3A_203 : vector<16xf32>
      %min3A_217 = arith.minimumf %get3A_212, %max3A_206 : vector<16xf32>
      %max3A_218 = arith.maximumf %max3A_203, %min3A_217 : vector<16xf32>
      %select_n3A_219 = arith.select %gt3A_216, %broadcast_in_dim3A_214, %select_n3A_205 : vector<16xi1>, vector<16xi32>
      %select_n3A_220 = arith.select %gt3A_215, %select_n3A_207, %select_n3A_219 : vector<16xi1>, vector<16xi32>
      %max3A_221 = arith.maximumf %max3A_206, %get3A_212 : vector<16xf32>
      %select_n3A_222 = arith.select %gt3A_215, %broadcast_in_dim3A_214, %select_n3A_207 : vector<16xi1>, vector<16xi32>
      %add3A_223 = arith.constant 7680 : i32
      %add3A_224 = arith.addi %add3A_223, %mul3A_9 : i32
      %get3A_225 = arith.index_cast %add3A_224 : i32 to index
      %get3A_226 = tpu.vector_load %arg7[%get3A_225] {strides = array<i32>} : memref<32768xf32, #tpu.memory_space<vmem>>, vector<16xf32>,
      %get3A_227 = vector.shape_cast %get3A_226 : vector<16xf32> to vector<16xf32>
      %broadcast_in_dim3A_228 = arith.constant 15 : i32
      %broadcast_in_dim3A_229 = vector.broadcast %broadcast_in_dim3A_228 : i32 to vector<16xi32>
      %gt3A_230 = arith.cmpf ogt, %get3A_227, %max3A_221 : vector<16xf32>
      %gt3A_231 = arith.cmpf ogt, %get3A_227, %max3A_218 : vector<16xf32>
      %min3A_232 = arith.minimumf %get3A_227, %max3A_221 : vector<16xf32>
      %max3A_233 = arith.maximumf %max3A_218, %min3A_232 : vector<16xf32>
      %select_n3A_234 = arith.select %gt3A_231, %broadcast_in_dim3A_229, %select_n3A_220 : vector<16xi1>, vector<16xi32>
      %select_n3A_235 = arith.select %gt3A_230, %select_n3A_222, %select_n3A_234 : vector<16xi1>, vector<16xi32>
      %max3A_236 = arith.maximumf %max3A_221, %get3A_227 : vector<16xf32>
      %select_n3A_237 = arith.select %gt3A_230, %broadcast_in_dim3A_229, %select_n3A_222 : vector<16xi1>, vector<16xi32>
      %add3A_238 = arith.constant 8192 : i32
      %add3A_239 = arith.addi %add3A_238, %mul3A_9 : i32
      %get3A_240 = arith.index_cast %add3A_239 : i32 to index
      %get3A_241 = tpu.vector_load %arg7[%get3A_240] {strides = array<i32>} : memref<32768xf32, #tpu.memory_space<vmem>>, vector<16xf32>,
      %get3A_242 = vector.shape_cast %get3A_241 : vector<16xf32> to vector<16xf32>
      %broadcast_in_dim3A_243 = arith.constant 16 : i32
      %broadcast_in_dim3A_244 = vector.broadcast %broadcast_in_dim3A_243 : i32 to vector<16xi32>
      %gt3A_245 = arith.cmpf ogt, %get3A_242, %max3A_236 : vector<16xf32>
      %gt3A_246 = arith.cmpf ogt, %get3A_242, %max3A_233 : vector<16xf32>
      %min3A_247 = arith.minimumf %get3A_242, %max3A_236 : vector<16xf32>
      %max3A_248 = arith.maximumf %max3A_233, %min3A_247 : vector<16xf32>
      %select_n3A_249 = arith.select %gt3A_246, %broadcast_in_dim3A_244, %select_n3A_235 : vector<16xi1>, vector<16xi32>
      %select_n3A_250 = arith.select %gt3A_245, %select_n3A_237, %select_n3A_249 : vector<16xi1>, vector<16xi32>
      %max3A_251 = arith.maximumf %max3A_236, %get3A_242 : vector<16xf32>
      %select_n3A_252 = arith.select %gt3A_245, %broadcast_in_dim3A_244, %select_n3A_237 : vector<16xi1>, vector<16xi32>
      %add3A_253 = arith.constant 8704 : i32
      %add3A_254 = arith.addi %add3A_253, %mul3A_9 : i32
      %get3A_255 = arith.index_cast %add3A_254 : i32 to index
      %get3A_256 = tpu.vector_load %arg7[%get3A_255] {strides = array<i32>} : memref<32768xf32, #tpu.memory_space<vmem>>, vector<16xf32>,
      %get3A_257 = vector.shape_cast %get3A_256 : vector<16xf32> to vector<16xf32>
      %broadcast_in_dim3A_258 = arith.constant 17 : i32
      %broadcast_in_dim3A_259 = vector.broadcast %broadcast_in_dim3A_258 : i32 to vector<16xi32>
      %gt3A_260 = arith.cmpf ogt, %get3A_257, %max3A_251 : vector<16xf32>
      %gt3A_261 = arith.cmpf ogt, %get3A_257, %max3A_248 : vector<16xf32>
      %min3A_262 = arith.minimumf %get3A_257, %max3A_251 : vector<16xf32>
      %max3A_263 = arith.maximumf %max3A_248, %min3A_262 : vector<16xf32>
      %select_n3A_264 = arith.select %gt3A_261, %broadcast_in_dim3A_259, %select_n3A_250 : vector<16xi1>, vector<16xi32>
      %select_n3A_265 = arith.select %gt3A_260, %select_n3A_252, %select_n3A_264 : vector<16xi1>, vector<16xi32>
      %max3A_266 = arith.maximumf %max3A_251, %get3A_257 : vector<16xf32>
      %select_n3A_267 = arith.select %gt3A_260, %broadcast_in_dim3A_259, %select_n3A_252 : vector<16xi1>, vector<16xi32>
      %add3A_268 = arith.constant 9216 : i32
      %add3A_269 = arith.addi %add3A_268, %mul3A_9 : i32
      %get3A_270 = arith.index_cast %add3A_269 : i32 to index
      %get3A_271 = tpu.vector_load %arg7[%get3A_270] {strides = array<i32>} : memref<32768xf32, #tpu.memory_space<vmem>>, vector<16xf32>,
      %get3A_272 = vector.shape_cast %get3A_271 : vector<16xf32> to vector<16xf32>
      %broadcast_in_dim3A_273 = arith.constant 18 : i32
      %broadcast_in_dim3A_274 = vector.broadcast %broadcast_in_dim3A_273 : i32 to vector<16xi32>
      %gt3A_275 = arith.cmpf ogt, %get3A_272, %max3A_266 : vector<16xf32>
      %gt3A_276 = arith.cmpf ogt, %get3A_272, %max3A_263 : vector<16xf32>
      %min3A_277 = arith.minimumf %get3A_272, %max3A_266 : vector<16xf32>
      %max3A_278 = arith.maximumf %max3A_263, %min3A_277 : vector<16xf32>
      %select_n3A_279 = arith.select %gt3A_276, %broadcast_in_dim3A_274, %select_n3A_265 : vector<16xi1>, vector<16xi32>
      %select_n3A_280 = arith.select %gt3A_275, %select_n3A_267, %select_n3A_279 : vector<16xi1>, vector<16xi32>
      %max3A_281 = arith.maximumf %max3A_266, %get3A_272 : vector<16xf32>
      %select_n3A_282 = arith.select %gt3A_275, %broadcast_in_dim3A_274, %select_n3A_267 : vector<16xi1>, vector<16xi32>
      %add3A_283 = arith.constant 9728 : i32
      %add3A_284 = arith.addi %add3A_283, %mul3A_9 : i32
      %get3A_285 = arith.index_cast %add3A_284 : i32 to index
      %get3A_286 = tpu.vector_load %arg7[%get3A_285] {strides = array<i32>} : memref<32768xf32, #tpu.memory_space<vmem>>, vector<16xf32>,
      %get3A_287 = vector.shape_cast %get3A_286 : vector<16xf32> to vector<16xf32>
      %broadcast_in_dim3A_288 = arith.constant 19 : i32
      %broadcast_in_dim3A_289 = vector.broadcast %broadcast_in_dim3A_288 : i32 to vector<16xi32>
      %gt3A_290 = arith.cmpf ogt, %get3A_287, %max3A_281 : vector<16xf32>
      %gt3A_291 = arith.cmpf ogt, %get3A_287, %max3A_278 : vector<16xf32>
      %min3A_292 = arith.minimumf %get3A_287, %max3A_281 : vector<16xf32>
      %max3A_293 = arith.maximumf %max3A_278, %min3A_292 : vector<16xf32>
      %select_n3A_294 = arith.select %gt3A_291, %broadcast_in_dim3A_289, %select_n3A_280 : vector<16xi1>, vector<16xi32>
      %select_n3A_295 = arith.select %gt3A_290, %select_n3A_282, %select_n3A_294 : vector<16xi1>, vector<16xi32>
      %max3A_296 = arith.maximumf %max3A_281, %get3A_287 : vector<16xf32>
      %select_n3A_297 = arith.select %gt3A_290, %broadcast_in_dim3A_289, %select_n3A_282 : vector<16xi1>, vector<16xi32>
      %add3A_298 = arith.constant 10240 : i32
      %add3A_299 = arith.addi %add3A_298, %mul3A_9 : i32
      %get3A_300 = arith.index_cast %add3A_299 : i32 to index
      %get3A_301 = tpu.vector_load %arg7[%get3A_300] {strides = array<i32>} : memref<32768xf32, #tpu.memory_space<vmem>>, vector<16xf32>,
      %get3A_302 = vector.shape_cast %get3A_301 : vector<16xf32> to vector<16xf32>
      %broadcast_in_dim3A_303 = arith.constant 20 : i32
      %broadcast_in_dim3A_304 = vector.broadcast %broadcast_in_dim3A_303 : i32 to vector<16xi32>
      %gt3A_305 = arith.cmpf ogt, %get3A_302, %max3A_296 : vector<16xf32>
      %gt3A_306 = arith.cmpf ogt, %get3A_302, %max3A_293 : vector<16xf32>
      %min3A_307 = arith.minimumf %get3A_302, %max3A_296 : vector<16xf32>
      %max3A_308 = arith.maximumf %max3A_293, %min3A_307 : vector<16xf32>
      %select_n3A_309 = arith.select %gt3A_306, %broadcast_in_dim3A_304, %select_n3A_295 : vector<16xi1>, vector<16xi32>
      %select_n3A_310 = arith.select %gt3A_305, %select_n3A_297, %select_n3A_309 : vector<16xi1>, vector<16xi32>
      %max3A_311 = arith.maximumf %max3A_296, %get3A_302 : vector<16xf32>
      %select_n3A_312 = arith.select %gt3A_305, %broadcast_in_dim3A_304, %select_n3A_297 : vector<16xi1>, vector<16xi32>
      %add3A_313 = arith.constant 10752 : i32
      %add3A_314 = arith.addi %add3A_313, %mul3A_9 : i32
      %get3A_315 = arith.index_cast %add3A_314 : i32 to index
      %get3A_316 = tpu.vector_load %arg7[%get3A_315] {strides = array<i32>} : memref<32768xf32, #tpu.memory_space<vmem>>, vector<16xf32>,
      %get3A_317 = vector.shape_cast %get3A_316 : vector<16xf32> to vector<16xf32>
      %broadcast_in_dim3A_318 = arith.constant 21 : i32
      %broadcast_in_dim3A_319 = vector.broadcast %broadcast_in_dim3A_318 : i32 to vector<16xi32>
      %gt3A_320 = arith.cmpf ogt, %get3A_317, %max3A_311 : vector<16xf32>
      %gt3A_321 = arith.cmpf ogt, %get3A_317, %max3A_308 : vector<16xf32>
      %min3A_322 = arith.minimumf %get3A_317, %max3A_311 : vector<16xf32>
      %max3A_323 = arith.maximumf %max3A_308, %min3A_322 : vector<16xf32>
      %select_n3A_324 = arith.select %gt3A_321, %broadcast_in_dim3A_319, %select_n3A_310 : vector<16xi1>, vector<16xi32>
      %select_n3A_325 = arith.select %gt3A_320, %select_n3A_312, %select_n3A_324 : vector<16xi1>, vector<16xi32>
      %max3A_326 = arith.maximumf %max3A_311, %get3A_317 : vector<16xf32>
      %select_n3A_327 = arith.select %gt3A_320, %broadcast_in_dim3A_319, %select_n3A_312 : vector<16xi1>, vector<16xi32>
      %add3A_328 = arith.constant 11264 : i32
      %add3A_329 = arith.addi %add3A_328, %mul3A_9 : i32
      %get3A_330 = arith.index_cast %add3A_329 : i32 to index
      %get3A_331 = tpu.vector_load %arg7[%get3A_330] {strides = array<i32>} : memref<32768xf32, #tpu.memory_space<vmem>>, vector<16xf32>,
      %get3A_332 = vector.shape_cast %get3A_331 : vector<16xf32> to vector<16xf32>
      %broadcast_in_dim3A_333 = arith.constant 22 : i32
      %broadcast_in_dim3A_334 = vector.broadcast %broadcast_in_dim3A_333 : i32 to vector<16xi32>
      %gt3A_335 = arith.cmpf ogt, %get3A_332, %max3A_326 : vector<16xf32>
      %gt3A_336 = arith.cmpf ogt, %get3A_332, %max3A_323 : vector<16xf32>
      %min3A_337 = arith.minimumf %get3A_332, %max3A_326 : vector<16xf32>
      %max3A_338 = arith.maximumf %max3A_323, %min3A_337 : vector<16xf32>
      %select_n3A_339 = arith.select %gt3A_336, %broadcast_in_dim3A_334, %select_n3A_325 : vector<16xi1>, vector<16xi32>
      %select_n3A_340 = arith.select %gt3A_335, %select_n3A_327, %select_n3A_339 : vector<16xi1>, vector<16xi32>
      %max3A_341 = arith.maximumf %max3A_326, %get3A_332 : vector<16xf32>
      %select_n3A_342 = arith.select %gt3A_335, %broadcast_in_dim3A_334, %select_n3A_327 : vector<16xi1>, vector<16xi32>
      %add3A_343 = arith.constant 11776 : i32
      %add3A_344 = arith.addi %add3A_343, %mul3A_9 : i32
      %get3A_345 = arith.index_cast %add3A_344 : i32 to index
      %get3A_346 = tpu.vector_load %arg7[%get3A_345] {strides = array<i32>} : memref<32768xf32, #tpu.memory_space<vmem>>, vector<16xf32>,
      %get3A_347 = vector.shape_cast %get3A_346 : vector<16xf32> to vector<16xf32>
      %broadcast_in_dim3A_348 = arith.constant 23 : i32
      %broadcast_in_dim3A_349 = vector.broadcast %broadcast_in_dim3A_348 : i32 to vector<16xi32>
      %gt3A_350 = arith.cmpf ogt, %get3A_347, %max3A_341 : vector<16xf32>
      %gt3A_351 = arith.cmpf ogt, %get3A_347, %max3A_338 : vector<16xf32>
      %min3A_352 = arith.minimumf %get3A_347, %max3A_341 : vector<16xf32>
      %max3A_353 = arith.maximumf %max3A_338, %min3A_352 : vector<16xf32>
      %select_n3A_354 = arith.select %gt3A_351, %broadcast_in_dim3A_349, %select_n3A_340 : vector<16xi1>, vector<16xi32>
      %select_n3A_355 = arith.select %gt3A_350, %select_n3A_342, %select_n3A_354 : vector<16xi1>, vector<16xi32>
      %max3A_356 = arith.maximumf %max3A_341, %get3A_347 : vector<16xf32>
      %select_n3A_357 = arith.select %gt3A_350, %broadcast_in_dim3A_349, %select_n3A_342 : vector<16xi1>, vector<16xi32>
      %add3A_358 = arith.constant 12288 : i32
      %add3A_359 = arith.addi %add3A_358, %mul3A_9 : i32
      %get3A_360 = arith.index_cast %add3A_359 : i32 to index
      %get3A_361 = tpu.vector_load %arg7[%get3A_360] {strides = array<i32>} : memref<32768xf32, #tpu.memory_space<vmem>>, vector<16xf32>,
      %get3A_362 = vector.shape_cast %get3A_361 : vector<16xf32> to vector<16xf32>
      %broadcast_in_dim3A_363 = arith.constant 24 : i32
      %broadcast_in_dim3A_364 = vector.broadcast %broadcast_in_dim3A_363 : i32 to vector<16xi32>
      %gt3A_365 = arith.cmpf ogt, %get3A_362, %max3A_356 : vector<16xf32>
      %gt3A_366 = arith.cmpf ogt, %get3A_362, %max3A_353 : vector<16xf32>
      %min3A_367 = arith.minimumf %get3A_362, %max3A_356 : vector<16xf32>
      %max3A_368 = arith.maximumf %max3A_353, %min3A_367 : vector<16xf32>
      %select_n3A_369 = arith.select %gt3A_366, %broadcast_in_dim3A_364, %select_n3A_355 : vector<16xi1>, vector<16xi32>
      %select_n3A_370 = arith.select %gt3A_365, %select_n3A_357, %select_n3A_369 : vector<16xi1>, vector<16xi32>
      %max3A_371 = arith.maximumf %max3A_356, %get3A_362 : vector<16xf32>
      %select_n3A_372 = arith.select %gt3A_365, %broadcast_in_dim3A_364, %select_n3A_357 : vector<16xi1>, vector<16xi32>
      %add3A_373 = arith.constant 12800 : i32
      %add3A_374 = arith.addi %add3A_373, %mul3A_9 : i32
      %get3A_375 = arith.index_cast %add3A_374 : i32 to index
      %get3A_376 = tpu.vector_load %arg7[%get3A_375] {strides = array<i32>} : memref<32768xf32, #tpu.memory_space<vmem>>, vector<16xf32>,
      %get3A_377 = vector.shape_cast %get3A_376 : vector<16xf32> to vector<16xf32>
      %broadcast_in_dim3A_378 = arith.constant 25 : i32
      %broadcast_in_dim3A_379 = vector.broadcast %broadcast_in_dim3A_378 : i32 to vector<16xi32>
      %gt3A_380 = arith.cmpf ogt, %get3A_377, %max3A_371 : vector<16xf32>
      %gt3A_381 = arith.cmpf ogt, %get3A_377, %max3A_368 : vector<16xf32>
      %min3A_382 = arith.minimumf %get3A_377, %max3A_371 : vector<16xf32>
      %max3A_383 = arith.maximumf %max3A_368, %min3A_382 : vector<16xf32>
      %select_n3A_384 = arith.select %gt3A_381, %broadcast_in_dim3A_379, %select_n3A_370 : vector<16xi1>, vector<16xi32>
      %select_n3A_385 = arith.select %gt3A_380, %select_n3A_372, %select_n3A_384 : vector<16xi1>, vector<16xi32>
      %max3A_386 = arith.maximumf %max3A_371, %get3A_377 : vector<16xf32>
      %select_n3A_387 = arith.select %gt3A_380, %broadcast_in_dim3A_379, %select_n3A_372 : vector<16xi1>, vector<16xi32>
      %add3A_388 = arith.constant 13312 : i32
      %add3A_389 = arith.addi %add3A_388, %mul3A_9 : i32
      %get3A_390 = arith.index_cast %add3A_389 : i32 to index
      %get3A_391 = tpu.vector_load %arg7[%get3A_390] {strides = array<i32>} : memref<32768xf32, #tpu.memory_space<vmem>>, vector<16xf32>,
      %get3A_392 = vector.shape_cast %get3A_391 : vector<16xf32> to vector<16xf32>
      %broadcast_in_dim3A_393 = arith.constant 26 : i32
      %broadcast_in_dim3A_394 = vector.broadcast %broadcast_in_dim3A_393 : i32 to vector<16xi32>
      %gt3A_395 = arith.cmpf ogt, %get3A_392, %max3A_386 : vector<16xf32>
      %gt3A_396 = arith.cmpf ogt, %get3A_392, %max3A_383 : vector<16xf32>
      %min3A_397 = arith.minimumf %get3A_392, %max3A_386 : vector<16xf32>
      %max3A_398 = arith.maximumf %max3A_383, %min3A_397 : vector<16xf32>
      %select_n3A_399 = arith.select %gt3A_396, %broadcast_in_dim3A_394, %select_n3A_385 : vector<16xi1>, vector<16xi32>
      %select_n3A_400 = arith.select %gt3A_395, %select_n3A_387, %select_n3A_399 : vector<16xi1>, vector<16xi32>
      %max3A_401 = arith.maximumf %max3A_386, %get3A_392 : vector<16xf32>
      %select_n3A_402 = arith.select %gt3A_395, %broadcast_in_dim3A_394, %select_n3A_387 : vector<16xi1>, vector<16xi32>
      %add3A_403 = arith.constant 13824 : i32
      %add3A_404 = arith.addi %add3A_403, %mul3A_9 : i32
      %get3A_405 = arith.index_cast %add3A_404 : i32 to index
      %get3A_406 = tpu.vector_load %arg7[%get3A_405] {strides = array<i32>} : memref<32768xf32, #tpu.memory_space<vmem>>, vector<16xf32>,
      %get3A_407 = vector.shape_cast %get3A_406 : vector<16xf32> to vector<16xf32>
      %broadcast_in_dim3A_408 = arith.constant 27 : i32
      %broadcast_in_dim3A_409 = vector.broadcast %broadcast_in_dim3A_408 : i32 to vector<16xi32>
      %gt3A_410 = arith.cmpf ogt, %get3A_407, %max3A_401 : vector<16xf32>
      %gt3A_411 = arith.cmpf ogt, %get3A_407, %max3A_398 : vector<16xf32>
      %min3A_412 = arith.minimumf %get3A_407, %max3A_401 : vector<16xf32>
      %max3A_413 = arith.maximumf %max3A_398, %min3A_412 : vector<16xf32>
      %select_n3A_414 = arith.select %gt3A_411, %broadcast_in_dim3A_409, %select_n3A_400 : vector<16xi1>, vector<16xi32>
      %select_n3A_415 = arith.select %gt3A_410, %select_n3A_402, %select_n3A_414 : vector<16xi1>, vector<16xi32>
      %max3A_416 = arith.maximumf %max3A_401, %get3A_407 : vector<16xf32>
      %select_n3A_417 = arith.select %gt3A_410, %broadcast_in_dim3A_409, %select_n3A_402 : vector<16xi1>, vector<16xi32>
      %add3A_418 = arith.constant 14336 : i32
      %add3A_419 = arith.addi %add3A_418, %mul3A_9 : i32
      %get3A_420 = arith.index_cast %add3A_419 : i32 to index
      %get3A_421 = tpu.vector_load %arg7[%get3A_420] {strides = array<i32>} : memref<32768xf32, #tpu.memory_space<vmem>>, vector<16xf32>,
      %get3A_422 = vector.shape_cast %get3A_421 : vector<16xf32> to vector<16xf32>
      %broadcast_in_dim3A_423 = arith.constant 28 : i32
      %broadcast_in_dim3A_424 = vector.broadcast %broadcast_in_dim3A_423 : i32 to vector<16xi32>
      %gt3A_425 = arith.cmpf ogt, %get3A_422, %max3A_416 : vector<16xf32>
      %gt3A_426 = arith.cmpf ogt, %get3A_422, %max3A_413 : vector<16xf32>
      %min3A_427 = arith.minimumf %get3A_422, %max3A_416 : vector<16xf32>
      %max3A_428 = arith.maximumf %max3A_413, %min3A_427 : vector<16xf32>
      %select_n3A_429 = arith.select %gt3A_426, %broadcast_in_dim3A_424, %select_n3A_415 : vector<16xi1>, vector<16xi32>
      %select_n3A_430 = arith.select %gt3A_425, %select_n3A_417, %select_n3A_429 : vector<16xi1>, vector<16xi32>
      %max3A_431 = arith.maximumf %max3A_416, %get3A_422 : vector<16xf32>
      %select_n3A_432 = arith.select %gt3A_425, %broadcast_in_dim3A_424, %select_n3A_417 : vector<16xi1>, vector<16xi32>
      %add3A_433 = arith.constant 14848 : i32
      %add3A_434 = arith.addi %add3A_433, %mul3A_9 : i32
      %get3A_435 = arith.index_cast %add3A_434 : i32 to index
      %get3A_436 = tpu.vector_load %arg7[%get3A_435] {strides = array<i32>} : memref<32768xf32, #tpu.memory_space<vmem>>, vector<16xf32>,
      %get3A_437 = vector.shape_cast %get3A_436 : vector<16xf32> to vector<16xf32>
      %broadcast_in_dim3A_438 = arith.constant 29 : i32
      %broadcast_in_dim3A_439 = vector.broadcast %broadcast_in_dim3A_438 : i32 to vector<16xi32>
      %gt3A_440 = arith.cmpf ogt, %get3A_437, %max3A_431 : vector<16xf32>
      %gt3A_441 = arith.cmpf ogt, %get3A_437, %max3A_428 : vector<16xf32>
      %min3A_442 = arith.minimumf %get3A_437, %max3A_431 : vector<16xf32>
      %max3A_443 = arith.maximumf %max3A_428, %min3A_442 : vector<16xf32>
      %select_n3A_444 = arith.select %gt3A_441, %broadcast_in_dim3A_439, %select_n3A_430 : vector<16xi1>, vector<16xi32>
      %select_n3A_445 = arith.select %gt3A_440, %select_n3A_432, %select_n3A_444 : vector<16xi1>, vector<16xi32>
      %max3A_446 = arith.maximumf %max3A_431, %get3A_437 : vector<16xf32>
      %select_n3A_447 = arith.select %gt3A_440, %broadcast_in_dim3A_439, %select_n3A_432 : vector<16xi1>, vector<16xi32>
      %add3A_448 = arith.constant 15360 : i32
      %add3A_449 = arith.addi %add3A_448, %mul3A_9 : i32
      %get3A_450 = arith.index_cast %add3A_449 : i32 to index
      %get3A_451 = tpu.vector_load %arg7[%get3A_450] {strides = array<i32>} : memref<32768xf32, #tpu.memory_space<vmem>>, vector<16xf32>,
      %get3A_452 = vector.shape_cast %get3A_451 : vector<16xf32> to vector<16xf32>
      %broadcast_in_dim3A_453 = arith.constant 30 : i32
      %broadcast_in_dim3A_454 = vector.broadcast %broadcast_in_dim3A_453 : i32 to vector<16xi32>
      %gt3A_455 = arith.cmpf ogt, %get3A_452, %max3A_446 : vector<16xf32>
      %gt3A_456 = arith.cmpf ogt, %get3A_452, %max3A_443 : vector<16xf32>
      %min3A_457 = arith.minimumf %get3A_452, %max3A_446 : vector<16xf32>
      %max3A_458 = arith.maximumf %max3A_443, %min3A_457 : vector<16xf32>
      %select_n3A_459 = arith.select %gt3A_456, %broadcast_in_dim3A_454, %select_n3A_445 : vector<16xi1>, vector<16xi32>
      %select_n3A_460 = arith.select %gt3A_455, %select_n3A_447, %select_n3A_459 : vector<16xi1>, vector<16xi32>
      %max3A_461 = arith.maximumf %max3A_446, %get3A_452 : vector<16xf32>
      %select_n3A_462 = arith.select %gt3A_455, %broadcast_in_dim3A_454, %select_n3A_447 : vector<16xi1>, vector<16xi32>
      %add3A_463 = arith.constant 15872 : i32
      %add3A_464 = arith.addi %add3A_463, %mul3A_9 : i32
      %get3A_465 = arith.index_cast %add3A_464 : i32 to index
      %get3A_466 = tpu.vector_load %arg7[%get3A_465] {strides = array<i32>} : memref<32768xf32, #tpu.memory_space<vmem>>, vector<16xf32>,
      %get3A_467 = vector.shape_cast %get3A_466 : vector<16xf32> to vector<16xf32>
      %broadcast_in_dim3A_468 = arith.constant 31 : i32
      %broadcast_in_dim3A_469 = vector.broadcast %broadcast_in_dim3A_468 : i32 to vector<16xi32>
      %gt3A_470 = arith.cmpf ogt, %get3A_467, %max3A_461 : vector<16xf32>
      %gt3A_471 = arith.cmpf ogt, %get3A_467, %max3A_458 : vector<16xf32>
      %min3A_472 = arith.minimumf %get3A_467, %max3A_461 : vector<16xf32>
      %max3A_473 = arith.maximumf %max3A_458, %min3A_472 : vector<16xf32>
      %select_n3A_474 = arith.select %gt3A_471, %broadcast_in_dim3A_469, %select_n3A_460 : vector<16xi1>, vector<16xi32>
      %select_n3A_475 = arith.select %gt3A_470, %select_n3A_462, %select_n3A_474 : vector<16xi1>, vector<16xi32>
      %max3A_476 = arith.maximumf %max3A_461, %get3A_467 : vector<16xf32>
      %select_n3A_477 = arith.select %gt3A_470, %broadcast_in_dim3A_469, %select_n3A_462 : vector<16xi1>, vector<16xi32>
      %add3A_478 = arith.constant 16384 : i32
      %add3A_479 = arith.addi %add3A_478, %mul3A_9 : i32
      %get3A_480 = arith.index_cast %add3A_479 : i32 to index
      %get3A_481 = tpu.vector_load %arg7[%get3A_480] {strides = array<i32>} : memref<32768xf32, #tpu.memory_space<vmem>>, vector<16xf32>,
      %get3A_482 = vector.shape_cast %get3A_481 : vector<16xf32> to vector<16xf32>
      %broadcast_in_dim3A_483 = arith.constant 32 : i32
      %broadcast_in_dim3A_484 = vector.broadcast %broadcast_in_dim3A_483 : i32 to vector<16xi32>
      %gt3A_485 = arith.cmpf ogt, %get3A_482, %max3A_476 : vector<16xf32>
      %gt3A_486 = arith.cmpf ogt, %get3A_482, %max3A_473 : vector<16xf32>
      %min3A_487 = arith.minimumf %get3A_482, %max3A_476 : vector<16xf32>
      %max3A_488 = arith.maximumf %max3A_473, %min3A_487 : vector<16xf32>
      %select_n3A_489 = arith.select %gt3A_486, %broadcast_in_dim3A_484, %select_n3A_475 : vector<16xi1>, vector<16xi32>
      %select_n3A_490 = arith.select %gt3A_485, %select_n3A_477, %select_n3A_489 : vector<16xi1>, vector<16xi32>
      %max3A_491 = arith.maximumf %max3A_476, %get3A_482 : vector<16xf32>
      %select_n3A_492 = arith.select %gt3A_485, %broadcast_in_dim3A_484, %select_n3A_477 : vector<16xi1>, vector<16xi32>
      %add3A_493 = arith.constant 16896 : i32
      %add3A_494 = arith.addi %add3A_493, %mul3A_9 : i32
      %get3A_495 = arith.index_cast %add3A_494 : i32 to index
      %get3A_496 = tpu.vector_load %arg7[%get3A_495] {strides = array<i32>} : memref<32768xf32, #tpu.memory_space<vmem>>, vector<16xf32>,
      %get3A_497 = vector.shape_cast %get3A_496 : vector<16xf32> to vector<16xf32>
      %broadcast_in_dim3A_498 = arith.constant 33 : i32
      %broadcast_in_dim3A_499 = vector.broadcast %broadcast_in_dim3A_498 : i32 to vector<16xi32>
      %gt3A_500 = arith.cmpf ogt, %get3A_497, %max3A_491 : vector<16xf32>
      %gt3A_501 = arith.cmpf ogt, %get3A_497, %max3A_488 : vector<16xf32>
      %min3A_502 = arith.minimumf %get3A_497, %max3A_491 : vector<16xf32>
      %max3A_503 = arith.maximumf %max3A_488, %min3A_502 : vector<16xf32>
      %select_n3A_504 = arith.select %gt3A_501, %broadcast_in_dim3A_499, %select_n3A_490 : vector<16xi1>, vector<16xi32>
      %select_n3A_505 = arith.select %gt3A_500, %select_n3A_492, %select_n3A_504 : vector<16xi1>, vector<16xi32>
      %max3A_506 = arith.maximumf %max3A_491, %get3A_497 : vector<16xf32>
      %select_n3A_507 = arith.select %gt3A_500, %broadcast_in_dim3A_499, %select_n3A_492 : vector<16xi1>, vector<16xi32>
      %add3A_508 = arith.constant 17408 : i32
      %add3A_509 = arith.addi %add3A_508, %mul3A_9 : i32
      %get3A_510 = arith.index_cast %add3A_509 : i32 to index
      %get3A_511 = tpu.vector_load %arg7[%get3A_510] {strides = array<i32>} : memref<32768xf32, #tpu.memory_space<vmem>>, vector<16xf32>,
      %get3A_512 = vector.shape_cast %get3A_511 : vector<16xf32> to vector<16xf32>
      %broadcast_in_dim3A_513 = arith.constant 34 : i32
      %broadcast_in_dim3A_514 = vector.broadcast %broadcast_in_dim3A_513 : i32 to vector<16xi32>
      %gt3A_515 = arith.cmpf ogt, %get3A_512, %max3A_506 : vector<16xf32>
      %gt3A_516 = arith.cmpf ogt, %get3A_512, %max3A_503 : vector<16xf32>
      %min3A_517 = arith.minimumf %get3A_512, %max3A_506 : vector<16xf32>
      %max3A_518 = arith.maximumf %max3A_503, %min3A_517 : vector<16xf32>
      %select_n3A_519 = arith.select %gt3A_516, %broadcast_in_dim3A_514, %select_n3A_505 : vector<16xi1>, vector<16xi32>
      %select_n3A_520 = arith.select %gt3A_515, %select_n3A_507, %select_n3A_519 : vector<16xi1>, vector<16xi32>
      %max3A_521 = arith.maximumf %max3A_506, %get3A_512 : vector<16xf32>
      %select_n3A_522 = arith.select %gt3A_515, %broadcast_in_dim3A_514, %select_n3A_507 : vector<16xi1>, vector<16xi32>
      %add3A_523 = arith.constant 17920 : i32
      %add3A_524 = arith.addi %add3A_523, %mul3A_9 : i32
      %get3A_525 = arith.index_cast %add3A_524 : i32 to index
      %get3A_526 = tpu.vector_load %arg7[%get3A_525] {strides = array<i32>} : memref<32768xf32, #tpu.memory_space<vmem>>, vector<16xf32>,
      %get3A_527 = vector.shape_cast %get3A_526 : vector<16xf32> to vector<16xf32>
      %broadcast_in_dim3A_528 = arith.constant 35 : i32
      %broadcast_in_dim3A_529 = vector.broadcast %broadcast_in_dim3A_528 : i32 to vector<16xi32>
      %gt3A_530 = arith.cmpf ogt, %get3A_527, %max3A_521 : vector<16xf32>
      %gt3A_531 = arith.cmpf ogt, %get3A_527, %max3A_518 : vector<16xf32>
      %min3A_532 = arith.minimumf %get3A_527, %max3A_521 : vector<16xf32>
      %max3A_533 = arith.maximumf %max3A_518, %min3A_532 : vector<16xf32>
      %select_n3A_534 = arith.select %gt3A_531, %broadcast_in_dim3A_529, %select_n3A_520 : vector<16xi1>, vector<16xi32>
      %select_n3A_535 = arith.select %gt3A_530, %select_n3A_522, %select_n3A_534 : vector<16xi1>, vector<16xi32>
      %max3A_536 = arith.maximumf %max3A_521, %get3A_527 : vector<16xf32>
      %select_n3A_537 = arith.select %gt3A_530, %broadcast_in_dim3A_529, %select_n3A_522 : vector<16xi1>, vector<16xi32>
      %add3A_538 = arith.constant 18432 : i32
      %add3A_539 = arith.addi %add3A_538, %mul3A_9 : i32
      %get3A_540 = arith.index_cast %add3A_539 : i32 to index
      %get3A_541 = tpu.vector_load %arg7[%get3A_540] {strides = array<i32>} : memref<32768xf32, #tpu.memory_space<vmem>>, vector<16xf32>,
      %get3A_542 = vector.shape_cast %get3A_541 : vector<16xf32> to vector<16xf32>
      %broadcast_in_dim3A_543 = arith.constant 36 : i32
      %broadcast_in_dim3A_544 = vector.broadcast %broadcast_in_dim3A_543 : i32 to vector<16xi32>
      %gt3A_545 = arith.cmpf ogt, %get3A_542, %max3A_536 : vector<16xf32>
      %gt3A_546 = arith.cmpf ogt, %get3A_542, %max3A_533 : vector<16xf32>
      %min3A_547 = arith.minimumf %get3A_542, %max3A_536 : vector<16xf32>
      %max3A_548 = arith.maximumf %max3A_533, %min3A_547 : vector<16xf32>
      %select_n3A_549 = arith.select %gt3A_546, %broadcast_in_dim3A_544, %select_n3A_535 : vector<16xi1>, vector<16xi32>
      %select_n3A_550 = arith.select %gt3A_545, %select_n3A_537, %select_n3A_549 : vector<16xi1>, vector<16xi32>
      %max3A_551 = arith.maximumf %max3A_536, %get3A_542 : vector<16xf32>
      %select_n3A_552 = arith.select %gt3A_545, %broadcast_in_dim3A_544, %select_n3A_537 : vector<16xi1>, vector<16xi32>
      %add3A_553 = arith.constant 18944 : i32
      %add3A_554 = arith.addi %add3A_553, %mul3A_9 : i32
      %get3A_555 = arith.index_cast %add3A_554 : i32 to index
      %get3A_556 = tpu.vector_load %arg7[%get3A_555] {strides = array<i32>} : memref<32768xf32, #tpu.memory_space<vmem>>, vector<16xf32>,
      %get3A_557 = vector.shape_cast %get3A_556 : vector<16xf32> to vector<16xf32>
      %broadcast_in_dim3A_558 = arith.constant 37 : i32
      %broadcast_in_dim3A_559 = vector.broadcast %broadcast_in_dim3A_558 : i32 to vector<16xi32>
      %gt3A_560 = arith.cmpf ogt, %get3A_557, %max3A_551 : vector<16xf32>
      %gt3A_561 = arith.cmpf ogt, %get3A_557, %max3A_548 : vector<16xf32>
      %min3A_562 = arith.minimumf %get3A_557, %max3A_551 : vector<16xf32>
      %max3A_563 = arith.maximumf %max3A_548, %min3A_562 : vector<16xf32>
      %select_n3A_564 = arith.select %gt3A_561, %broadcast_in_dim3A_559, %select_n3A_550 : vector<16xi1>, vector<16xi32>
      %select_n3A_565 = arith.select %gt3A_560, %select_n3A_552, %select_n3A_564 : vector<16xi1>, vector<16xi32>
      %max3A_566 = arith.maximumf %max3A_551, %get3A_557 : vector<16xf32>
      %select_n3A_567 = arith.select %gt3A_560, %broadcast_in_dim3A_559, %select_n3A_552 : vector<16xi1>, vector<16xi32>
      %add3A_568 = arith.constant 19456 : i32
      %add3A_569 = arith.addi %add3A_568, %mul3A_9 : i32
      %get3A_570 = arith.index_cast %add3A_569 : i32 to index
      %get3A_571 = tpu.vector_load %arg7[%get3A_570] {strides = array<i32>} : memref<32768xf32, #tpu.memory_space<vmem>>, vector<16xf32>,
      %get3A_572 = vector.shape_cast %get3A_571 : vector<16xf32> to vector<16xf32>
      %broadcast_in_dim3A_573 = arith.constant 38 : i32
      %broadcast_in_dim3A_574 = vector.broadcast %broadcast_in_dim3A_573 : i32 to vector<16xi32>
      %gt3A_575 = arith.cmpf ogt, %get3A_572, %max3A_566 : vector<16xf32>
      %gt3A_576 = arith.cmpf ogt, %get3A_572, %max3A_563 : vector<16xf32>
      %min3A_577 = arith.minimumf %get3A_572, %max3A_566 : vector<16xf32>
      %max3A_578 = arith.maximumf %max3A_563, %min3A_577 : vector<16xf32>
      %select_n3A_579 = arith.select %gt3A_576, %broadcast_in_dim3A_574, %select_n3A_565 : vector<16xi1>, vector<16xi32>
      %select_n3A_580 = arith.select %gt3A_575, %select_n3A_567, %select_n3A_579 : vector<16xi1>, vector<16xi32>
      %max3A_581 = arith.maximumf %max3A_566, %get3A_572 : vector<16xf32>
      %select_n3A_582 = arith.select %gt3A_575, %broadcast_in_dim3A_574, %select_n3A_567 : vector<16xi1>, vector<16xi32>
      %add3A_583 = arith.constant 19968 : i32
      %add3A_584 = arith.addi %add3A_583, %mul3A_9 : i32
      %get3A_585 = arith.index_cast %add3A_584 : i32 to index
      %get3A_586 = tpu.vector_load %arg7[%get3A_585] {strides = array<i32>} : memref<32768xf32, #tpu.memory_space<vmem>>, vector<16xf32>,
      %get3A_587 = vector.shape_cast %get3A_586 : vector<16xf32> to vector<16xf32>
      %broadcast_in_dim3A_588 = arith.constant 39 : i32
      %broadcast_in_dim3A_589 = vector.broadcast %broadcast_in_dim3A_588 : i32 to vector<16xi32>
      %gt3A_590 = arith.cmpf ogt, %get3A_587, %max3A_581 : vector<16xf32>
      %gt3A_591 = arith.cmpf ogt, %get3A_587, %max3A_578 : vector<16xf32>
      %min3A_592 = arith.minimumf %get3A_587, %max3A_581 : vector<16xf32>
      %max3A_593 = arith.maximumf %max3A_578, %min3A_592 : vector<16xf32>
      %select_n3A_594 = arith.select %gt3A_591, %broadcast_in_dim3A_589, %select_n3A_580 : vector<16xi1>, vector<16xi32>
      %select_n3A_595 = arith.select %gt3A_590, %select_n3A_582, %select_n3A_594 : vector<16xi1>, vector<16xi32>
      %max3A_596 = arith.maximumf %max3A_581, %get3A_587 : vector<16xf32>
      %select_n3A_597 = arith.select %gt3A_590, %broadcast_in_dim3A_589, %select_n3A_582 : vector<16xi1>, vector<16xi32>
      %add3A_598 = arith.constant 20480 : i32
      %add3A_599 = arith.addi %add3A_598, %mul3A_9 : i32
      %get3A_600 = arith.index_cast %add3A_599 : i32 to index
      %get3A_601 = tpu.vector_load %arg7[%get3A_600] {strides = array<i32>} : memref<32768xf32, #tpu.memory_space<vmem>>, vector<16xf32>,
      %get3A_602 = vector.shape_cast %get3A_601 : vector<16xf32> to vector<16xf32>
      %broadcast_in_dim3A_603 = arith.constant 40 : i32
      %broadcast_in_dim3A_604 = vector.broadcast %broadcast_in_dim3A_603 : i32 to vector<16xi32>
      %gt3A_605 = arith.cmpf ogt, %get3A_602, %max3A_596 : vector<16xf32>
      %gt3A_606 = arith.cmpf ogt, %get3A_602, %max3A_593 : vector<16xf32>
      %min3A_607 = arith.minimumf %get3A_602, %max3A_596 : vector<16xf32>
      %max3A_608 = arith.maximumf %max3A_593, %min3A_607 : vector<16xf32>
      %select_n3A_609 = arith.select %gt3A_606, %broadcast_in_dim3A_604, %select_n3A_595 : vector<16xi1>, vector<16xi32>
      %select_n3A_610 = arith.select %gt3A_605, %select_n3A_597, %select_n3A_609 : vector<16xi1>, vector<16xi32>
      %max3A_611 = arith.maximumf %max3A_596, %get3A_602 : vector<16xf32>
      %select_n3A_612 = arith.select %gt3A_605, %broadcast_in_dim3A_604, %select_n3A_597 : vector<16xi1>, vector<16xi32>
      %add3A_613 = arith.constant 20992 : i32
      %add3A_614 = arith.addi %add3A_613, %mul3A_9 : i32
      %get3A_615 = arith.index_cast %add3A_614 : i32 to index
      %get3A_616 = tpu.vector_load %arg7[%get3A_615] {strides = array<i32>} : memref<32768xf32, #tpu.memory_space<vmem>>, vector<16xf32>,
      %get3A_617 = vector.shape_cast %get3A_616 : vector<16xf32> to vector<16xf32>
      %broadcast_in_dim3A_618 = arith.constant 41 : i32
      %broadcast_in_dim3A_619 = vector.broadcast %broadcast_in_dim3A_618 : i32 to vector<16xi32>
      %gt3A_620 = arith.cmpf ogt, %get3A_617, %max3A_611 : vector<16xf32>
      %gt3A_621 = arith.cmpf ogt, %get3A_617, %max3A_608 : vector<16xf32>
      %min3A_622 = arith.minimumf %get3A_617, %max3A_611 : vector<16xf32>
      %max3A_623 = arith.maximumf %max3A_608, %min3A_622 : vector<16xf32>
      %select_n3A_624 = arith.select %gt3A_621, %broadcast_in_dim3A_619, %select_n3A_610 : vector<16xi1>, vector<16xi32>
      %select_n3A_625 = arith.select %gt3A_620, %select_n3A_612, %select_n3A_624 : vector<16xi1>, vector<16xi32>
      %max3A_626 = arith.maximumf %max3A_611, %get3A_617 : vector<16xf32>
      %select_n3A_627 = arith.select %gt3A_620, %broadcast_in_dim3A_619, %select_n3A_612 : vector<16xi1>, vector<16xi32>
      %add3A_628 = arith.constant 21504 : i32
      %add3A_629 = arith.addi %add3A_628, %mul3A_9 : i32
      %get3A_630 = arith.index_cast %add3A_629 : i32 to index
      %get3A_631 = tpu.vector_load %arg7[%get3A_630] {strides = array<i32>} : memref<32768xf32, #tpu.memory_space<vmem>>, vector<16xf32>,
      %get3A_632 = vector.shape_cast %get3A_631 : vector<16xf32> to vector<16xf32>
      %broadcast_in_dim3A_633 = arith.constant 42 : i32
      %broadcast_in_dim3A_634 = vector.broadcast %broadcast_in_dim3A_633 : i32 to vector<16xi32>
      %gt3A_635 = arith.cmpf ogt, %get3A_632, %max3A_626 : vector<16xf32>
      %gt3A_636 = arith.cmpf ogt, %get3A_632, %max3A_623 : vector<16xf32>
      %min3A_637 = arith.minimumf %get3A_632, %max3A_626 : vector<16xf32>
      %max3A_638 = arith.maximumf %max3A_623, %min3A_637 : vector<16xf32>
      %select_n3A_639 = arith.select %gt3A_636, %broadcast_in_dim3A_634, %select_n3A_625 : vector<16xi1>, vector<16xi32>
      %select_n3A_640 = arith.select %gt3A_635, %select_n3A_627, %select_n3A_639 : vector<16xi1>, vector<16xi32>
      %max3A_641 = arith.maximumf %max3A_626, %get3A_632 : vector<16xf32>
      %select_n3A_642 = arith.select %gt3A_635, %broadcast_in_dim3A_634, %select_n3A_627 : vector<16xi1>, vector<16xi32>
      %add3A_643 = arith.constant 22016 : i32
      %add3A_644 = arith.addi %add3A_643, %mul3A_9 : i32
      %get3A_645 = arith.index_cast %add3A_644 : i32 to index
      %get3A_646 = tpu.vector_load %arg7[%get3A_645] {strides = array<i32>} : memref<32768xf32, #tpu.memory_space<vmem>>, vector<16xf32>,
      %get3A_647 = vector.shape_cast %get3A_646 : vector<16xf32> to vector<16xf32>
      %broadcast_in_dim3A_648 = arith.constant 43 : i32
      %broadcast_in_dim3A_649 = vector.broadcast %broadcast_in_dim3A_648 : i32 to vector<16xi32>
      %gt3A_650 = arith.cmpf ogt, %get3A_647, %max3A_641 : vector<16xf32>
      %gt3A_651 = arith.cmpf ogt, %get3A_647, %max3A_638 : vector<16xf32>
      %min3A_652 = arith.minimumf %get3A_647, %max3A_641 : vector<16xf32>
      %max3A_653 = arith.maximumf %max3A_638, %min3A_652 : vector<16xf32>
      %select_n3A_654 = arith.select %gt3A_651, %broadcast_in_dim3A_649, %select_n3A_640 : vector<16xi1>, vector<16xi32>
      %select_n3A_655 = arith.select %gt3A_650, %select_n3A_642, %select_n3A_654 : vector<16xi1>, vector<16xi32>
      %max3A_656 = arith.maximumf %max3A_641, %get3A_647 : vector<16xf32>
      %select_n3A_657 = arith.select %gt3A_650, %broadcast_in_dim3A_649, %select_n3A_642 : vector<16xi1>, vector<16xi32>
      %add3A_658 = arith.constant 22528 : i32
      %add3A_659 = arith.addi %add3A_658, %mul3A_9 : i32
      %get3A_660 = arith.index_cast %add3A_659 : i32 to index
      %get3A_661 = tpu.vector_load %arg7[%get3A_660] {strides = array<i32>} : memref<32768xf32, #tpu.memory_space<vmem>>, vector<16xf32>,
      %get3A_662 = vector.shape_cast %get3A_661 : vector<16xf32> to vector<16xf32>
      %broadcast_in_dim3A_663 = arith.constant 44 : i32
      %broadcast_in_dim3A_664 = vector.broadcast %broadcast_in_dim3A_663 : i32 to vector<16xi32>
      %gt3A_665 = arith.cmpf ogt, %get3A_662, %max3A_656 : vector<16xf32>
      %gt3A_666 = arith.cmpf ogt, %get3A_662, %max3A_653 : vector<16xf32>
      %min3A_667 = arith.minimumf %get3A_662, %max3A_656 : vector<16xf32>
      %max3A_668 = arith.maximumf %max3A_653, %min3A_667 : vector<16xf32>
      %select_n3A_669 = arith.select %gt3A_666, %broadcast_in_dim3A_664, %select_n3A_655 : vector<16xi1>, vector<16xi32>
      %select_n3A_670 = arith.select %gt3A_665, %select_n3A_657, %select_n3A_669 : vector<16xi1>, vector<16xi32>
      %max3A_671 = arith.maximumf %max3A_656, %get3A_662 : vector<16xf32>
      %select_n3A_672 = arith.select %gt3A_665, %broadcast_in_dim3A_664, %select_n3A_657 : vector<16xi1>, vector<16xi32>
      %add3A_673 = arith.constant 23040 : i32
      %add3A_674 = arith.addi %add3A_673, %mul3A_9 : i32
      %get3A_675 = arith.index_cast %add3A_674 : i32 to index
      %get3A_676 = tpu.vector_load %arg7[%get3A_675] {strides = array<i32>} : memref<32768xf32, #tpu.memory_space<vmem>>, vector<16xf32>,
      %get3A_677 = vector.shape_cast %get3A_676 : vector<16xf32> to vector<16xf32>
      %broadcast_in_dim3A_678 = arith.constant 45 : i32
      %broadcast_in_dim3A_679 = vector.broadcast %broadcast_in_dim3A_678 : i32 to vector<16xi32>
      %gt3A_680 = arith.cmpf ogt, %get3A_677, %max3A_671 : vector<16xf32>
      %gt3A_681 = arith.cmpf ogt, %get3A_677, %max3A_668 : vector<16xf32>
      %min3A_682 = arith.minimumf %get3A_677, %max3A_671 : vector<16xf32>
      %max3A_683 = arith.maximumf %max3A_668, %min3A_682 : vector<16xf32>
      %select_n3A_684 = arith.select %gt3A_681, %broadcast_in_dim3A_679, %select_n3A_670 : vector<16xi1>, vector<16xi32>
      %select_n3A_685 = arith.select %gt3A_680, %select_n3A_672, %select_n3A_684 : vector<16xi1>, vector<16xi32>
      %max3A_686 = arith.maximumf %max3A_671, %get3A_677 : vector<16xf32>
      %select_n3A_687 = arith.select %gt3A_680, %broadcast_in_dim3A_679, %select_n3A_672 : vector<16xi1>, vector<16xi32>
      %add3A_688 = arith.constant 23552 : i32
      %add3A_689 = arith.addi %add3A_688, %mul3A_9 : i32
      %get3A_690 = arith.index_cast %add3A_689 : i32 to index
      %get3A_691 = tpu.vector_load %arg7[%get3A_690] {strides = array<i32>} : memref<32768xf32, #tpu.memory_space<vmem>>, vector<16xf32>,
      %get3A_692 = vector.shape_cast %get3A_691 : vector<16xf32> to vector<16xf32>
      %broadcast_in_dim3A_693 = arith.constant 46 : i32
      %broadcast_in_dim3A_694 = vector.broadcast %broadcast_in_dim3A_693 : i32 to vector<16xi32>
      %gt3A_695 = arith.cmpf ogt, %get3A_692, %max3A_686 : vector<16xf32>
      %gt3A_696 = arith.cmpf ogt, %get3A_692, %max3A_683 : vector<16xf32>
      %min3A_697 = arith.minimumf %get3A_692, %max3A_686 : vector<16xf32>
      %max3A_698 = arith.maximumf %max3A_683, %min3A_697 : vector<16xf32>
      %select_n3A_699 = arith.select %gt3A_696, %broadcast_in_dim3A_694, %select_n3A_685 : vector<16xi1>, vector<16xi32>
      %select_n3A_700 = arith.select %gt3A_695, %select_n3A_687, %select_n3A_699 : vector<16xi1>, vector<16xi32>
      %max3A_701 = arith.maximumf %max3A_686, %get3A_692 : vector<16xf32>
      %select_n3A_702 = arith.select %gt3A_695, %broadcast_in_dim3A_694, %select_n3A_687 : vector<16xi1>, vector<16xi32>
      %add3A_703 = arith.constant 24064 : i32
      %add3A_704 = arith.addi %add3A_703, %mul3A_9 : i32
      %get3A_705 = arith.index_cast %add3A_704 : i32 to index
      %get3A_706 = tpu.vector_load %arg7[%get3A_705] {strides = array<i32>} : memref<32768xf32, #tpu.memory_space<vmem>>, vector<16xf32>,
      %get3A_707 = vector.shape_cast %get3A_706 : vector<16xf32> to vector<16xf32>
      %broadcast_in_dim3A_708 = arith.constant 47 : i32
      %broadcast_in_dim3A_709 = vector.broadcast %broadcast_in_dim3A_708 : i32 to vector<16xi32>
      %gt3A_710 = arith.cmpf ogt, %get3A_707, %max3A_701 : vector<16xf32>
      %gt3A_711 = arith.cmpf ogt, %get3A_707, %max3A_698 : vector<16xf32>
      %min3A_712 = arith.minimumf %get3A_707, %max3A_701 : vector<16xf32>
      %max3A_713 = arith.maximumf %max3A_698, %min3A_712 : vector<16xf32>
      %select_n3A_714 = arith.select %gt3A_711, %broadcast_in_dim3A_709, %select_n3A_700 : vector<16xi1>, vector<16xi32>
      %select_n3A_715 = arith.select %gt3A_710, %select_n3A_702, %select_n3A_714 : vector<16xi1>, vector<16xi32>
      %max3A_716 = arith.maximumf %max3A_701, %get3A_707 : vector<16xf32>
      %select_n3A_717 = arith.select %gt3A_710, %broadcast_in_dim3A_709, %select_n3A_702 : vector<16xi1>, vector<16xi32>
      %add3A_718 = arith.constant 24576 : i32
      %add3A_719 = arith.addi %add3A_718, %mul3A_9 : i32
      %get3A_720 = arith.index_cast %add3A_719 : i32 to index
      %get3A_721 = tpu.vector_load %arg7[%get3A_720] {strides = array<i32>} : memref<32768xf32, #tpu.memory_space<vmem>>, vector<16xf32>,
      %get3A_722 = vector.shape_cast %get3A_721 : vector<16xf32> to vector<16xf32>
      %broadcast_in_dim3A_723 = arith.constant 48 : i32
      %broadcast_in_dim3A_724 = vector.broadcast %broadcast_in_dim3A_723 : i32 to vector<16xi32>
      %gt3A_725 = arith.cmpf ogt, %get3A_722, %max3A_716 : vector<16xf32>
      %gt3A_726 = arith.cmpf ogt, %get3A_722, %max3A_713 : vector<16xf32>
      %min3A_727 = arith.minimumf %get3A_722, %max3A_716 : vector<16xf32>
      %max3A_728 = arith.maximumf %max3A_713, %min3A_727 : vector<16xf32>
      %select_n3A_729 = arith.select %gt3A_726, %broadcast_in_dim3A_724, %select_n3A_715 : vector<16xi1>, vector<16xi32>
      %select_n3A_730 = arith.select %gt3A_725, %select_n3A_717, %select_n3A_729 : vector<16xi1>, vector<16xi32>
      %max3A_731 = arith.maximumf %max3A_716, %get3A_722 : vector<16xf32>
      %select_n3A_732 = arith.select %gt3A_725, %broadcast_in_dim3A_724, %select_n3A_717 : vector<16xi1>, vector<16xi32>
      %add3A_733 = arith.constant 25088 : i32
      %add3A_734 = arith.addi %add3A_733, %mul3A_9 : i32
      %get3A_735 = arith.index_cast %add3A_734 : i32 to index
      %get3A_736 = tpu.vector_load %arg7[%get3A_735] {strides = array<i32>} : memref<32768xf32, #tpu.memory_space<vmem>>, vector<16xf32>,
      %get3A_737 = vector.shape_cast %get3A_736 : vector<16xf32> to vector<16xf32>
      %broadcast_in_dim3A_738 = arith.constant 49 : i32
      %broadcast_in_dim3A_739 = vector.broadcast %broadcast_in_dim3A_738 : i32 to vector<16xi32>
      %gt3A_740 = arith.cmpf ogt, %get3A_737, %max3A_731 : vector<16xf32>
      %gt3A_741 = arith.cmpf ogt, %get3A_737, %max3A_728 : vector<16xf32>
      %min3A_742 = arith.minimumf %get3A_737, %max3A_731 : vector<16xf32>
      %max3A_743 = arith.maximumf %max3A_728, %min3A_742 : vector<16xf32>
      %select_n3A_744 = arith.select %gt3A_741, %broadcast_in_dim3A_739, %select_n3A_730 : vector<16xi1>, vector<16xi32>
      %select_n3A_745 = arith.select %gt3A_740, %select_n3A_732, %select_n3A_744 : vector<16xi1>, vector<16xi32>
      %max3A_746 = arith.maximumf %max3A_731, %get3A_737 : vector<16xf32>
      %select_n3A_747 = arith.select %gt3A_740, %broadcast_in_dim3A_739, %select_n3A_732 : vector<16xi1>, vector<16xi32>
      %add3A_748 = arith.constant 25600 : i32
      %add3A_749 = arith.addi %add3A_748, %mul3A_9 : i32
      %get3A_750 = arith.index_cast %add3A_749 : i32 to index
      %get3A_751 = tpu.vector_load %arg7[%get3A_750] {strides = array<i32>} : memref<32768xf32, #tpu.memory_space<vmem>>, vector<16xf32>,
      %get3A_752 = vector.shape_cast %get3A_751 : vector<16xf32> to vector<16xf32>
      %broadcast_in_dim3A_753 = arith.constant 50 : i32
      %broadcast_in_dim3A_754 = vector.broadcast %broadcast_in_dim3A_753 : i32 to vector<16xi32>
      %gt3A_755 = arith.cmpf ogt, %get3A_752, %max3A_746 : vector<16xf32>
      %gt3A_756 = arith.cmpf ogt, %get3A_752, %max3A_743 : vector<16xf32>
      %min3A_757 = arith.minimumf %get3A_752, %max3A_746 : vector<16xf32>
      %max3A_758 = arith.maximumf %max3A_743, %min3A_757 : vector<16xf32>
      %select_n3A_759 = arith.select %gt3A_756, %broadcast_in_dim3A_754, %select_n3A_745 : vector<16xi1>, vector<16xi32>
      %select_n3A_760 = arith.select %gt3A_755, %select_n3A_747, %select_n3A_759 : vector<16xi1>, vector<16xi32>
      %max3A_761 = arith.maximumf %max3A_746, %get3A_752 : vector<16xf32>
      %select_n3A_762 = arith.select %gt3A_755, %broadcast_in_dim3A_754, %select_n3A_747 : vector<16xi1>, vector<16xi32>
      %add3A_763 = arith.constant 26112 : i32
      %add3A_764 = arith.addi %add3A_763, %mul3A_9 : i32
      %get3A_765 = arith.index_cast %add3A_764 : i32 to index
      %get3A_766 = tpu.vector_load %arg7[%get3A_765] {strides = array<i32>} : memref<32768xf32, #tpu.memory_space<vmem>>, vector<16xf32>,
      %get3A_767 = vector.shape_cast %get3A_766 : vector<16xf32> to vector<16xf32>
      %broadcast_in_dim3A_768 = arith.constant 51 : i32
      %broadcast_in_dim3A_769 = vector.broadcast %broadcast_in_dim3A_768 : i32 to vector<16xi32>
      %gt3A_770 = arith.cmpf ogt, %get3A_767, %max3A_761 : vector<16xf32>
      %gt3A_771 = arith.cmpf ogt, %get3A_767, %max3A_758 : vector<16xf32>
      %min3A_772 = arith.minimumf %get3A_767, %max3A_761 : vector<16xf32>
      %max3A_773 = arith.maximumf %max3A_758, %min3A_772 : vector<16xf32>
      %select_n3A_774 = arith.select %gt3A_771, %broadcast_in_dim3A_769, %select_n3A_760 : vector<16xi1>, vector<16xi32>
      %select_n3A_775 = arith.select %gt3A_770, %select_n3A_762, %select_n3A_774 : vector<16xi1>, vector<16xi32>
      %max3A_776 = arith.maximumf %max3A_761, %get3A_767 : vector<16xf32>
      %select_n3A_777 = arith.select %gt3A_770, %broadcast_in_dim3A_769, %select_n3A_762 : vector<16xi1>, vector<16xi32>
      %add3A_778 = arith.constant 26624 : i32
      %add3A_779 = arith.addi %add3A_778, %mul3A_9 : i32
      %get3A_780 = arith.index_cast %add3A_779 : i32 to index
      %get3A_781 = tpu.vector_load %arg7[%get3A_780] {strides = array<i32>} : memref<32768xf32, #tpu.memory_space<vmem>>, vector<16xf32>,
      %get3A_782 = vector.shape_cast %get3A_781 : vector<16xf32> to vector<16xf32>
      %broadcast_in_dim3A_783 = arith.constant 52 : i32
      %broadcast_in_dim3A_784 = vector.broadcast %broadcast_in_dim3A_783 : i32 to vector<16xi32>
      %gt3A_785 = arith.cmpf ogt, %get3A_782, %max3A_776 : vector<16xf32>
      %gt3A_786 = arith.cmpf ogt, %get3A_782, %max3A_773 : vector<16xf32>
      %min3A_787 = arith.minimumf %get3A_782, %max3A_776 : vector<16xf32>
      %max3A_788 = arith.maximumf %max3A_773, %min3A_787 : vector<16xf32>
      %select_n3A_789 = arith.select %gt3A_786, %broadcast_in_dim3A_784, %select_n3A_775 : vector<16xi1>, vector<16xi32>
      %select_n3A_790 = arith.select %gt3A_785, %select_n3A_777, %select_n3A_789 : vector<16xi1>, vector<16xi32>
      %max3A_791 = arith.maximumf %max3A_776, %get3A_782 : vector<16xf32>
      %select_n3A_792 = arith.select %gt3A_785, %broadcast_in_dim3A_784, %select_n3A_777 : vector<16xi1>, vector<16xi32>
      %add3A_793 = arith.constant 27136 : i32
      %add3A_794 = arith.addi %add3A_793, %mul3A_9 : i32
      %get3A_795 = arith.index_cast %add3A_794 : i32 to index
      %get3A_796 = tpu.vector_load %arg7[%get3A_795] {strides = array<i32>} : memref<32768xf32, #tpu.memory_space<vmem>>, vector<16xf32>,
      %get3A_797 = vector.shape_cast %get3A_796 : vector<16xf32> to vector<16xf32>
      %broadcast_in_dim3A_798 = arith.constant 53 : i32
      %broadcast_in_dim3A_799 = vector.broadcast %broadcast_in_dim3A_798 : i32 to vector<16xi32>
      %gt3A_800 = arith.cmpf ogt, %get3A_797, %max3A_791 : vector<16xf32>
      %gt3A_801 = arith.cmpf ogt, %get3A_797, %max3A_788 : vector<16xf32>
      %min3A_802 = arith.minimumf %get3A_797, %max3A_791 : vector<16xf32>
      %max3A_803 = arith.maximumf %max3A_788, %min3A_802 : vector<16xf32>
      %select_n3A_804 = arith.select %gt3A_801, %broadcast_in_dim3A_799, %select_n3A_790 : vector<16xi1>, vector<16xi32>
      %select_n3A_805 = arith.select %gt3A_800, %select_n3A_792, %select_n3A_804 : vector<16xi1>, vector<16xi32>
      %max3A_806 = arith.maximumf %max3A_791, %get3A_797 : vector<16xf32>
      %select_n3A_807 = arith.select %gt3A_800, %broadcast_in_dim3A_799, %select_n3A_792 : vector<16xi1>, vector<16xi32>
      %add3A_808 = arith.constant 27648 : i32
      %add3A_809 = arith.addi %add3A_808, %mul3A_9 : i32
      %get3A_810 = arith.index_cast %add3A_809 : i32 to index
      %get3A_811 = tpu.vector_load %arg7[%get3A_810] {strides = array<i32>} : memref<32768xf32, #tpu.memory_space<vmem>>, vector<16xf32>,
      %get3A_812 = vector.shape_cast %get3A_811 : vector<16xf32> to vector<16xf32>
      %broadcast_in_dim3A_813 = arith.constant 54 : i32
      %broadcast_in_dim3A_814 = vector.broadcast %broadcast_in_dim3A_813 : i32 to vector<16xi32>
      %gt3A_815 = arith.cmpf ogt, %get3A_812, %max3A_806 : vector<16xf32>
      %gt3A_816 = arith.cmpf ogt, %get3A_812, %max3A_803 : vector<16xf32>
      %min3A_817 = arith.minimumf %get3A_812, %max3A_806 : vector<16xf32>
      %max3A_818 = arith.maximumf %max3A_803, %min3A_817 : vector<16xf32>
      %select_n3A_819 = arith.select %gt3A_816, %broadcast_in_dim3A_814, %select_n3A_805 : vector<16xi1>, vector<16xi32>
      %select_n3A_820 = arith.select %gt3A_815, %select_n3A_807, %select_n3A_819 : vector<16xi1>, vector<16xi32>
      %max3A_821 = arith.maximumf %max3A_806, %get3A_812 : vector<16xf32>
      %select_n3A_822 = arith.select %gt3A_815, %broadcast_in_dim3A_814, %select_n3A_807 : vector<16xi1>, vector<16xi32>
      %add3A_823 = arith.constant 28160 : i32
      %add3A_824 = arith.addi %add3A_823, %mul3A_9 : i32
      %get3A_825 = arith.index_cast %add3A_824 : i32 to index
      %get3A_826 = tpu.vector_load %arg7[%get3A_825] {strides = array<i32>} : memref<32768xf32, #tpu.memory_space<vmem>>, vector<16xf32>,
      %get3A_827 = vector.shape_cast %get3A_826 : vector<16xf32> to vector<16xf32>
      %broadcast_in_dim3A_828 = arith.constant 55 : i32
      %broadcast_in_dim3A_829 = vector.broadcast %broadcast_in_dim3A_828 : i32 to vector<16xi32>
      %gt3A_830 = arith.cmpf ogt, %get3A_827, %max3A_821 : vector<16xf32>
      %gt3A_831 = arith.cmpf ogt, %get3A_827, %max3A_818 : vector<16xf32>
      %min3A_832 = arith.minimumf %get3A_827, %max3A_821 : vector<16xf32>
      %max3A_833 = arith.maximumf %max3A_818, %min3A_832 : vector<16xf32>
      %select_n3A_834 = arith.select %gt3A_831, %broadcast_in_dim3A_829, %select_n3A_820 : vector<16xi1>, vector<16xi32>
      %select_n3A_835 = arith.select %gt3A_830, %select_n3A_822, %select_n3A_834 : vector<16xi1>, vector<16xi32>
      %max3A_836 = arith.maximumf %max3A_821, %get3A_827 : vector<16xf32>
      %select_n3A_837 = arith.select %gt3A_830, %broadcast_in_dim3A_829, %select_n3A_822 : vector<16xi1>, vector<16xi32>
      %add3A_838 = arith.constant 28672 : i32
      %add3A_839 = arith.addi %add3A_838, %mul3A_9 : i32
      %get3A_840 = arith.index_cast %add3A_839 : i32 to index
      %get3A_841 = tpu.vector_load %arg7[%get3A_840] {strides = array<i32>} : memref<32768xf32, #tpu.memory_space<vmem>>, vector<16xf32>,
      %get3A_842 = vector.shape_cast %get3A_841 : vector<16xf32> to vector<16xf32>
      %broadcast_in_dim3A_843 = arith.constant 56 : i32
      %broadcast_in_dim3A_844 = vector.broadcast %broadcast_in_dim3A_843 : i32 to vector<16xi32>
      %gt3A_845 = arith.cmpf ogt, %get3A_842, %max3A_836 : vector<16xf32>
      %gt3A_846 = arith.cmpf ogt, %get3A_842, %max3A_833 : vector<16xf32>
      %min3A_847 = arith.minimumf %get3A_842, %max3A_836 : vector<16xf32>
      %max3A_848 = arith.maximumf %max3A_833, %min3A_847 : vector<16xf32>
      %select_n3A_849 = arith.select %gt3A_846, %broadcast_in_dim3A_844, %select_n3A_835 : vector<16xi1>, vector<16xi32>
      %select_n3A_850 = arith.select %gt3A_845, %select_n3A_837, %select_n3A_849 : vector<16xi1>, vector<16xi32>
      %max3A_851 = arith.maximumf %max3A_836, %get3A_842 : vector<16xf32>
      %select_n3A_852 = arith.select %gt3A_845, %broadcast_in_dim3A_844, %select_n3A_837 : vector<16xi1>, vector<16xi32>
      %add3A_853 = arith.constant 29184 : i32
      %add3A_854 = arith.addi %add3A_853, %mul3A_9 : i32
      %get3A_855 = arith.index_cast %add3A_854 : i32 to index
      %get3A_856 = tpu.vector_load %arg7[%get3A_855] {strides = array<i32>} : memref<32768xf32, #tpu.memory_space<vmem>>, vector<16xf32>,
      %get3A_857 = vector.shape_cast %get3A_856 : vector<16xf32> to vector<16xf32>
      %broadcast_in_dim3A_858 = arith.constant 57 : i32
      %broadcast_in_dim3A_859 = vector.broadcast %broadcast_in_dim3A_858 : i32 to vector<16xi32>
      %gt3A_860 = arith.cmpf ogt, %get3A_857, %max3A_851 : vector<16xf32>
      %gt3A_861 = arith.cmpf ogt, %get3A_857, %max3A_848 : vector<16xf32>
      %min3A_862 = arith.minimumf %get3A_857, %max3A_851 : vector<16xf32>
      %max3A_863 = arith.maximumf %max3A_848, %min3A_862 : vector<16xf32>
      %select_n3A_864 = arith.select %gt3A_861, %broadcast_in_dim3A_859, %select_n3A_850 : vector<16xi1>, vector<16xi32>
      %select_n3A_865 = arith.select %gt3A_860, %select_n3A_852, %select_n3A_864 : vector<16xi1>, vector<16xi32>
      %max3A_866 = arith.maximumf %max3A_851, %get3A_857 : vector<16xf32>
      %select_n3A_867 = arith.select %gt3A_860, %broadcast_in_dim3A_859, %select_n3A_852 : vector<16xi1>, vector<16xi32>
      %add3A_868 = arith.constant 29696 : i32
      %add3A_869 = arith.addi %add3A_868, %mul3A_9 : i32
      %get3A_870 = arith.index_cast %add3A_869 : i32 to index
      %get3A_871 = tpu.vector_load %arg7[%get3A_870] {strides = array<i32>} : memref<32768xf32, #tpu.memory_space<vmem>>, vector<16xf32>,
      %get3A_872 = vector.shape_cast %get3A_871 : vector<16xf32> to vector<16xf32>
      %broadcast_in_dim3A_873 = arith.constant 58 : i32
      %broadcast_in_dim3A_874 = vector.broadcast %broadcast_in_dim3A_873 : i32 to vector<16xi32>
      %gt3A_875 = arith.cmpf ogt, %get3A_872, %max3A_866 : vector<16xf32>
      %gt3A_876 = arith.cmpf ogt, %get3A_872, %max3A_863 : vector<16xf32>
      %min3A_877 = arith.minimumf %get3A_872, %max3A_866 : vector<16xf32>
      %max3A_878 = arith.maximumf %max3A_863, %min3A_877 : vector<16xf32>
      %select_n3A_879 = arith.select %gt3A_876, %broadcast_in_dim3A_874, %select_n3A_865 : vector<16xi1>, vector<16xi32>
      %select_n3A_880 = arith.select %gt3A_875, %select_n3A_867, %select_n3A_879 : vector<16xi1>, vector<16xi32>
      %max3A_881 = arith.maximumf %max3A_866, %get3A_872 : vector<16xf32>
      %select_n3A_882 = arith.select %gt3A_875, %broadcast_in_dim3A_874, %select_n3A_867 : vector<16xi1>, vector<16xi32>
      %add3A_883 = arith.constant 30208 : i32
      %add3A_884 = arith.addi %add3A_883, %mul3A_9 : i32
      %get3A_885 = arith.index_cast %add3A_884 : i32 to index
      %get3A_886 = tpu.vector_load %arg7[%get3A_885] {strides = array<i32>} : memref<32768xf32, #tpu.memory_space<vmem>>, vector<16xf32>,
      %get3A_887 = vector.shape_cast %get3A_886 : vector<16xf32> to vector<16xf32>
      %broadcast_in_dim3A_888 = arith.constant 59 : i32
      %broadcast_in_dim3A_889 = vector.broadcast %broadcast_in_dim3A_888 : i32 to vector<16xi32>
      %gt3A_890 = arith.cmpf ogt, %get3A_887, %max3A_881 : vector<16xf32>
      %gt3A_891 = arith.cmpf ogt, %get3A_887, %max3A_878 : vector<16xf32>
      %min3A_892 = arith.minimumf %get3A_887, %max3A_881 : vector<16xf32>
      %max3A_893 = arith.maximumf %max3A_878, %min3A_892 : vector<16xf32>
      %select_n3A_894 = arith.select %gt3A_891, %broadcast_in_dim3A_889, %select_n3A_880 : vector<16xi1>, vector<16xi32>
      %select_n3A_895 = arith.select %gt3A_890, %select_n3A_882, %select_n3A_894 : vector<16xi1>, vector<16xi32>
      %max3A_896 = arith.maximumf %max3A_881, %get3A_887 : vector<16xf32>
      %select_n3A_897 = arith.select %gt3A_890, %broadcast_in_dim3A_889, %select_n3A_882 : vector<16xi1>, vector<16xi32>
      %add3A_898 = arith.constant 30720 : i32
      %add3A_899 = arith.addi %add3A_898, %mul3A_9 : i32
      %get3A_900 = arith.index_cast %add3A_899 : i32 to index
      %get3A_901 = tpu.vector_load %arg7[%get3A_900] {strides = array<i32>} : memref<32768xf32, #tpu.memory_space<vmem>>, vector<16xf32>,
      %get3A_902 = vector.shape_cast %get3A_901 : vector<16xf32> to vector<16xf32>
      %broadcast_in_dim3A_903 = arith.constant 60 : i32
      %broadcast_in_dim3A_904 = vector.broadcast %broadcast_in_dim3A_903 : i32 to vector<16xi32>
      %gt3A_905 = arith.cmpf ogt, %get3A_902, %max3A_896 : vector<16xf32>
      %gt3A_906 = arith.cmpf ogt, %get3A_902, %max3A_893 : vector<16xf32>
      %min3A_907 = arith.minimumf %get3A_902, %max3A_896 : vector<16xf32>
      %max3A_908 = arith.maximumf %max3A_893, %min3A_907 : vector<16xf32>
      %select_n3A_909 = arith.select %gt3A_906, %broadcast_in_dim3A_904, %select_n3A_895 : vector<16xi1>, vector<16xi32>
      %select_n3A_910 = arith.select %gt3A_905, %select_n3A_897, %select_n3A_909 : vector<16xi1>, vector<16xi32>
      %max3A_911 = arith.maximumf %max3A_896, %get3A_902 : vector<16xf32>
      %select_n3A_912 = arith.select %gt3A_905, %broadcast_in_dim3A_904, %select_n3A_897 : vector<16xi1>, vector<16xi32>
      %add3A_913 = arith.constant 31232 : i32
      %add3A_914 = arith.addi %add3A_913, %mul3A_9 : i32
      %get3A_915 = arith.index_cast %add3A_914 : i32 to index
      %get3A_916 = tpu.vector_load %arg7[%get3A_915] {strides = array<i32>} : memref<32768xf32, #tpu.memory_space<vmem>>, vector<16xf32>,
      %get3A_917 = vector.shape_cast %get3A_916 : vector<16xf32> to vector<16xf32>
      %broadcast_in_dim3A_918 = arith.constant 61 : i32
      %broadcast_in_dim3A_919 = vector.broadcast %broadcast_in_dim3A_918 : i32 to vector<16xi32>
      %gt3A_920 = arith.cmpf ogt, %get3A_917, %max3A_911 : vector<16xf32>
      %gt3A_921 = arith.cmpf ogt, %get3A_917, %max3A_908 : vector<16xf32>
      %min3A_922 = arith.minimumf %get3A_917, %max3A_911 : vector<16xf32>
      %max3A_923 = arith.maximumf %max3A_908, %min3A_922 : vector<16xf32>
      %select_n3A_924 = arith.select %gt3A_921, %broadcast_in_dim3A_919, %select_n3A_910 : vector<16xi1>, vector<16xi32>
      %select_n3A_925 = arith.select %gt3A_920, %select_n3A_912, %select_n3A_924 : vector<16xi1>, vector<16xi32>
      %max3A_926 = arith.maximumf %max3A_911, %get3A_917 : vector<16xf32>
      %select_n3A_927 = arith.select %gt3A_920, %broadcast_in_dim3A_919, %select_n3A_912 : vector<16xi1>, vector<16xi32>
      %add3A_928 = arith.constant 31744 : i32
      %add3A_929 = arith.addi %add3A_928, %mul3A_9 : i32
      %get3A_930 = arith.index_cast %add3A_929 : i32 to index
      %get3A_931 = tpu.vector_load %arg7[%get3A_930] {strides = array<i32>} : memref<32768xf32, #tpu.memory_space<vmem>>, vector<16xf32>,
      %get3A_932 = vector.shape_cast %get3A_931 : vector<16xf32> to vector<16xf32>
      %broadcast_in_dim3A_933 = arith.constant 62 : i32
      %broadcast_in_dim3A_934 = vector.broadcast %broadcast_in_dim3A_933 : i32 to vector<16xi32>
      %gt3A_935 = arith.cmpf ogt, %get3A_932, %max3A_926 : vector<16xf32>
      %gt3A_936 = arith.cmpf ogt, %get3A_932, %max3A_923 : vector<16xf32>
      %min3A_937 = arith.minimumf %get3A_932, %max3A_926 : vector<16xf32>
      %max3A_938 = arith.maximumf %max3A_923, %min3A_937 : vector<16xf32>
      %select_n3A_939 = arith.select %gt3A_936, %broadcast_in_dim3A_934, %select_n3A_925 : vector<16xi1>, vector<16xi32>
      %select_n3A_940 = arith.select %gt3A_935, %select_n3A_927, %select_n3A_939 : vector<16xi1>, vector<16xi32>
      %max3A_941 = arith.maximumf %max3A_926, %get3A_932 : vector<16xf32>
      %select_n3A_942 = arith.select %gt3A_935, %broadcast_in_dim3A_934, %select_n3A_927 : vector<16xi1>, vector<16xi32>
      %add3A_943 = arith.constant 32256 : i32
      %add3A_944 = arith.addi %add3A_943, %mul3A_9 : i32
      %get3A_945 = arith.index_cast %add3A_944 : i32 to index
      %get3A_946 = tpu.vector_load %arg7[%get3A_945] {strides = array<i32>} : memref<32768xf32, #tpu.memory_space<vmem>>, vector<16xf32>,
      %get3A_947 = vector.shape_cast %get3A_946 : vector<16xf32> to vector<16xf32>
      %broadcast_in_dim3A_948 = arith.constant 63 : i32
      %broadcast_in_dim3A_949 = vector.broadcast %broadcast_in_dim3A_948 : i32 to vector<16xi32>
      %gt3A_950 = arith.cmpf ogt, %get3A_947, %max3A_941 : vector<16xf32>
      %gt3A_951 = arith.cmpf ogt, %get3A_947, %max3A_938 : vector<16xf32>
      %min3A_952 = arith.minimumf %get3A_947, %max3A_941 : vector<16xf32>
      %max3A_953 = arith.maximumf %max3A_938, %min3A_952 : vector<16xf32>
      %select_n3A_954 = arith.select %gt3A_951, %broadcast_in_dim3A_949, %select_n3A_940 : vector<16xi1>, vector<16xi32>
      %select_n3A_955 = arith.select %gt3A_950, %select_n3A_942, %select_n3A_954 : vector<16xi1>, vector<16xi32>
      %max3A_956 = arith.maximumf %max3A_941, %get3A_947 : vector<16xf32>
      %select_n3A_957 = arith.select %gt3A_950, %broadcast_in_dim3A_949, %select_n3A_942 : vector<16xi1>, vector<16xi32>
      %sub3A = arith.subf %max3A_953, %max3A_956 : vector<16xf32>
      %exp3A = math.exp %sub3A : vector<16xf32>
      %add3A_958 = arith.constant 1.000000e+00 : f32
      %add3A_959 = vector.broadcast %add3A_958 : f32 to vector<16xf32>
      %add3A_960 = arith.addf %add3A_959, %exp3A : vector<16xf32>
      %div3A = arith.constant 1.000000e+00 : f32
      %div3A_961 = vector.broadcast %div3A : f32 to vector<16xf32>
      %div3A_962 = arith.divf %div3A_961, %add3A_960 : vector<16xf32>
      %swap3A = arith.index_cast %mul3A_9 : i32 to index
      %swap3A_963 = tpu.vector_load %arg8[%swap3A] {strides = array<i32>} : memref<512xf32, #tpu.memory_space<vmem>>, vector<16xf32>,
      %swap3A_964 = vector.shape_cast %swap3A_963 : vector<16xf32> to vector<16xf32>
      %swap3A_965 = vector.shape_cast %div3A_962 : vector<16xf32> to vector<16xf32>
      tpu.vector_store %arg8[%swap3A], %swap3A_965 {strides = array<i32>} : memref<512xf32, #tpu.memory_space<vmem>>, vector<16xf32>,
      %sub3A_966 = arith.constant 1.000000e+00 : f32
      %sub3A_967 = vector.broadcast %sub3A_966 : f32 to vector<16xf32>
      %sub3A_968 = arith.subf %sub3A_967, %div3A_962 : vector<16xf32>
      %swap3A_969 = arith.index_cast %mul3A_9 : i32 to index
      %swap3A_970 = tpu.vector_load %arg9[%swap3A_969] {strides = array<i32>} : memref<512xf32, #tpu.memory_space<vmem>>, vector<16xf32>,
      %swap3A_971 = vector.shape_cast %swap3A_970 : vector<16xf32> to vector<16xf32>
      %swap3A_972 = vector.shape_cast %sub3A_968 : vector<16xf32> to vector<16xf32>
      tpu.vector_store %arg9[%swap3A_969], %swap3A_972 {strides = array<i32>} : memref<512xf32, #tpu.memory_space<vmem>>, vector<16xf32>,
      %swap3A_973 = arith.index_cast %mul3A_9 : i32 to index
      %swap3A_974 = tpu.vector_load %arg10[%swap3A_973] {strides = array<i32>} : memref<512xi32, #tpu.memory_space<vmem>>, vector<16xi32>,
      %swap3A_975 = vector.shape_cast %swap3A_974 : vector<16xi32> to vector<16xi32>
      %swap3A_976 = vector.shape_cast %select_n3A_957 : vector<16xi32> to vector<16xi32>
      tpu.vector_store %arg10[%swap3A_973], %swap3A_976 {strides = array<i32>} : memref<512xi32, #tpu.memory_space<vmem>>, vector<16xi32>,
      %swap3A_977 = arith.index_cast %mul3A_9 : i32 to index
      %swap3A_978 = tpu.vector_load %arg11[%swap3A_977] {strides = array<i32>} : memref<512xi32, #tpu.memory_space<vmem>>, vector<16xi32>,
      %swap3A_979 = vector.shape_cast %swap3A_978 : vector<16xi32> to vector<16xi32>
      %swap3A_980 = vector.shape_cast %select_n3A_955 : vector<16xi32> to vector<16xi32>
      tpu.vector_store %arg11[%swap3A_977], %swap3A_980 {strides = array<i32>} : memref<512xi32, #tpu.memory_space<vmem>>, vector<16xi32>,
    }
    %scan3A_4 = arith.constant 32 : i32
    %mul3A_5 = arith.constant 512 : i32
    %mul3A_6 = arith.muli %add3A, %mul3A_5 : i32
    "tpu.region"() ({
      %run_scoped3A = tpu.sem_alloc : memref<!tpu.dma_semaphore, #tpu.memory_space<semaphore_mem>>
      %dma_start3A = tpu.memref_slice %arg3[%mul3A_6] : memref<16384xf32, #tpu.memory_space<hbm>> -> memref<512xf32, #tpu.memory_space<hbm>>
      %dma_start3A_7 = tpu.memref_slice %arg3[%mul3A_6] : memref<16384xf32, #tpu.memory_space<hbm>> -> memref<512xf32, #tpu.memory_space<hbm>>
      tpu.enqueue_dma source(%arg8 : memref<512xf32, #tpu.memory_space<vmem>>) target(%dma_start3A_7 : memref<512xf32, #tpu.memory_space<hbm>>) target_semaphore(%run_scoped3A : memref<!tpu.dma_semaphore, #tpu.memory_space<semaphore_mem>>)
      %dma_wait3A = tpu.memref_slice %arg3[%mul3A_6] : memref<16384xf32, #tpu.memory_space<hbm>> -> memref<512xf32, #tpu.memory_space<hbm>>
      %dma_wait3A_8 = tpu.memref_slice %arg3[%mul3A_6] : memref<16384xf32, #tpu.memory_space<hbm>> -> memref<512xf32, #tpu.memory_space<hbm>>
      tpu.wait_dma2 semaphore(%run_scoped3A : memref<!tpu.dma_semaphore, #tpu.memory_space<semaphore_mem>>) src(%arg8 : memref<512xf32, #tpu.memory_space<vmem>>) dst(%dma_wait3A_8 : memref<512xf32, #tpu.memory_space<hbm>>)
      tpu.yield
    }) : () -> ()
    "tpu.region"() ({
      %run_scoped3A = tpu.sem_alloc : memref<!tpu.dma_semaphore, #tpu.memory_space<semaphore_mem>>
      %dma_start3A = tpu.memref_slice %arg4[%mul3A_6] : memref<16384xf32, #tpu.memory_space<hbm>> -> memref<512xf32, #tpu.memory_space<hbm>>
      %dma_start3A_7 = tpu.memref_slice %arg4[%mul3A_6] : memref<16384xf32, #tpu.memory_space<hbm>> -> memref<512xf32, #tpu.memory_space<hbm>>
      tpu.enqueue_dma source(%arg9 : memref<512xf32, #tpu.memory_space<vmem>>) target(%dma_start3A_7 : memref<512xf32, #tpu.memory_space<hbm>>) target_semaphore(%run_scoped3A : memref<!tpu.dma_semaphore, #tpu.memory_space<semaphore_mem>>)
      %dma_wait3A = tpu.memref_slice %arg4[%mul3A_6] : memref<16384xf32, #tpu.memory_space<hbm>> -> memref<512xf32, #tpu.memory_space<hbm>>
      %dma_wait3A_8 = tpu.memref_slice %arg4[%mul3A_6] : memref<16384xf32, #tpu.memory_space<hbm>> -> memref<512xf32, #tpu.memory_space<hbm>>
      tpu.wait_dma2 semaphore(%run_scoped3A : memref<!tpu.dma_semaphore, #tpu.memory_space<semaphore_mem>>) src(%arg9 : memref<512xf32, #tpu.memory_space<vmem>>) dst(%dma_wait3A_8 : memref<512xf32, #tpu.memory_space<hbm>>)
      tpu.yield
    }) : () -> ()
    "tpu.region"() ({
      %run_scoped3A = tpu.sem_alloc : memref<!tpu.dma_semaphore, #tpu.memory_space<semaphore_mem>>
      %dma_start3A = tpu.memref_slice %arg5[%mul3A_6] : memref<16384xi32, #tpu.memory_space<hbm>> -> memref<512xi32, #tpu.memory_space<hbm>>
      %dma_start3A_7 = tpu.memref_slice %arg5[%mul3A_6] : memref<16384xi32, #tpu.memory_space<hbm>> -> memref<512xi32, #tpu.memory_space<hbm>>
      tpu.enqueue_dma source(%arg10 : memref<512xi32, #tpu.memory_space<vmem>>) target(%dma_start3A_7 : memref<512xi32, #tpu.memory_space<hbm>>) target_semaphore(%run_scoped3A : memref<!tpu.dma_semaphore, #tpu.memory_space<semaphore_mem>>)
      %dma_wait3A = tpu.memref_slice %arg5[%mul3A_6] : memref<16384xi32, #tpu.memory_space<hbm>> -> memref<512xi32, #tpu.memory_space<hbm>>
      %dma_wait3A_8 = tpu.memref_slice %arg5[%mul3A_6] : memref<16384xi32, #tpu.memory_space<hbm>> -> memref<512xi32, #tpu.memory_space<hbm>>
      tpu.wait_dma2 semaphore(%run_scoped3A : memref<!tpu.dma_semaphore, #tpu.memory_space<semaphore_mem>>) src(%arg10 : memref<512xi32, #tpu.memory_space<vmem>>) dst(%dma_wait3A_8 : memref<512xi32, #tpu.memory_space<hbm>>)
      tpu.yield
    }) : () -> ()
    "tpu.region"() ({
      %run_scoped3A = tpu.sem_alloc : memref<!tpu.dma_semaphore, #tpu.memory_space<semaphore_mem>>
      %dma_start3A = tpu.memref_slice %arg6[%mul3A_6] : memref<16384xi32, #tpu.memory_space<hbm>> -> memref<512xi32, #tpu.memory_space<hbm>>
      %dma_start3A_7 = tpu.memref_slice %arg6[%mul3A_6] : memref<16384xi32, #tpu.memory_space<hbm>> -> memref<512xi32, #tpu.memory_space<hbm>>
      tpu.enqueue_dma source(%arg11 : memref<512xi32, #tpu.memory_space<vmem>>) target(%dma_start3A_7 : memref<512xi32, #tpu.memory_space<hbm>>) target_semaphore(%run_scoped3A : memref<!tpu.dma_semaphore, #tpu.memory_space<semaphore_mem>>)
      %dma_wait3A = tpu.memref_slice %arg6[%mul3A_6] : memref<16384xi32, #tpu.memory_space<hbm>> -> memref<512xi32, #tpu.memory_space<hbm>>
      %dma_wait3A_8 = tpu.memref_slice %arg6[%mul3A_6] : memref<16384xi32, #tpu.memory_space<hbm>> -> memref<512xi32, #tpu.memory_space<hbm>>
      tpu.wait_dma2 semaphore(%run_scoped3A : memref<!tpu.dma_semaphore, #tpu.memory_space<semaphore_mem>>) src(%arg11 : memref<512xi32, #tpu.memory_space<vmem>>) dst(%dma_wait3A_8 : memref<512xi32, #tpu.memory_space<hbm>>)
      tpu.yield
    }) : () -> ()
    return
  }
}

#map = affine_map<(d0, d1) -> (0, 0)>
#map1 = affine_map<(d0, d1) -> (0)>
module attributes {stable_mosaic.version = 14 : i64} {
  func.func @_sc_body(%arg0: i32, %arg1: i32, %arg2: memref<32x32768xf32, #tpu.memory_space<hbm>>, %arg3: memref<16384xf32, #tpu.memory_space<hbm>>, %arg4: memref<16384xf32, #tpu.memory_space<hbm>>, %arg5: memref<16384xi32, #tpu.memory_space<hbm>>, %arg6: memref<16384xi32, #tpu.memory_space<hbm>>, %arg7: memref<32768xf32, #tpu.memory_space<vmem>>, %arg8: memref<512xf32, #tpu.memory_space<vmem>>, %arg9: memref<512xf32, #tpu.memory_space<vmem>>, %arg10: memref<512xi32, #tpu.memory_space<vmem>>, %arg11: memref<512xi32, #tpu.memory_space<vmem>>) attributes {dimension_semantics = [#tpu.dimension_semantics<core_parallel>, #tpu.dimension_semantics<subcore_parallel>], iteration_bounds = array<i64: 2, 16>, scalar_prefetch = 0 : i64, scratch_operands = 5 : i64, tpu.core_type = #tpu.core_type<sc_vector_subcore>, window_params = [{transform_indices = #map}, {transform_indices = #map1}, {transform_indices = #map1}, {transform_indices = #map1}, {transform_indices = #map1}]} {
    %mul3A = arith.constant 2 : i32
    %mul3A_0 = arith.muli %arg1, %mul3A : i32
    %add3A = arith.addi %mul3A_0, %arg0 : i32
    "tpu.region"() ({
      %run_scoped3A = tpu.sem_alloc : memref<!tpu.dma_semaphore, #tpu.memory_space<semaphore_mem>>
      %dma_start3A = arith.constant 0 : i32
      %dma_start3A_7 = tpu.memref_slice %arg2[%add3A, %dma_start3A] : memref<32x32768xf32, #tpu.memory_space<hbm>> -> memref<1x32768xf32, #tpu.memory_space<hbm>>
      %dma_start3A_8 = tpu.memref_squeeze %dma_start3A_7 : memref<1x32768xf32, #tpu.memory_space<hbm>> -> memref<32768xf32, #tpu.memory_space<hbm>>
      %dma_start3A_9 = arith.constant 0 : i32
      %dma_start3A_10 = tpu.memref_slice %arg2[%add3A, %dma_start3A_9] : memref<32x32768xf32, #tpu.memory_space<hbm>> -> memref<1x32768xf32, #tpu.memory_space<hbm>>
      %dma_start3A_11 = tpu.memref_squeeze %dma_start3A_10 : memref<1x32768xf32, #tpu.memory_space<hbm>> -> memref<32768xf32, #tpu.memory_space<hbm>>
      tpu.enqueue_dma source(%dma_start3A_11 : memref<32768xf32, #tpu.memory_space<hbm>>) target(%arg7 : memref<32768xf32, #tpu.memory_space<vmem>>) target_semaphore(%run_scoped3A : memref<!tpu.dma_semaphore, #tpu.memory_space<semaphore_mem>>)
      %dma_wait3A = arith.constant 0 : i32
      %dma_wait3A_12 = tpu.memref_slice %arg2[%add3A, %dma_wait3A] : memref<32x32768xf32, #tpu.memory_space<hbm>> -> memref<1x32768xf32, #tpu.memory_space<hbm>>
      %dma_wait3A_13 = tpu.memref_squeeze %dma_wait3A_12 : memref<1x32768xf32, #tpu.memory_space<hbm>> -> memref<32768xf32, #tpu.memory_space<hbm>>
      %dma_wait3A_14 = arith.constant 0 : i32
      %dma_wait3A_15 = tpu.memref_slice %arg2[%add3A, %dma_wait3A_14] : memref<32x32768xf32, #tpu.memory_space<hbm>> -> memref<1x32768xf32, #tpu.memory_space<hbm>>
      %dma_wait3A_16 = tpu.memref_squeeze %dma_wait3A_15 : memref<1x32768xf32, #tpu.memory_space<hbm>> -> memref<32768xf32, #tpu.memory_space<hbm>>
      tpu.wait_dma2 semaphore(%run_scoped3A : memref<!tpu.dma_semaphore, #tpu.memory_space<semaphore_mem>>) src(%dma_wait3A_16 : memref<32768xf32, #tpu.memory_space<hbm>>) dst(%arg7 : memref<32768xf32, #tpu.memory_space<vmem>>)
      tpu.yield
    }) : () -> ()
    %scan3A = arith.constant 0 : i32
    %scan3A_1 = arith.constant 32 : i32
    %scan3A_2 = arith.addi %scan3A, %scan3A_1 : i32
    %scan3A_3 = arith.constant 1 : i32
    scf.for %scan3A_7 = %scan3A to %scan3A_2 step %scan3A_3  : i32 {
      %mul3A_8 = arith.constant 16 : i32
      %mul3A_9 = arith.muli %scan3A_7, %mul3A_8 : i32
      %get3A = arith.index_cast %mul3A_9 : i32 to index
      %get3A_10 = tpu.vector_load %arg7[%get3A] {strides = array<i32>} : memref<32768xf32, #tpu.memory_space<vmem>>, vector<16xf32>,
      %get3A_11 = vector.shape_cast %get3A_10 : vector<16xf32> to vector<16xf32>
      %broadcast_in_dim3A = arith.constant 0 : i32
      %broadcast_in_dim3A_12 = vector.broadcast %broadcast_in_dim3A : i32 to vector<16xi32>
      %broadcast_in_dim3A_13 = arith.constant 0xFF800000 : f32
      %broadcast_in_dim3A_14 = vector.broadcast %broadcast_in_dim3A_13 : f32 to vector<16xf32>
      %broadcast_in_dim3A_15 = arith.constant 0 : i32
      %broadcast_in_dim3A_16 = vector.broadcast %broadcast_in_dim3A_15 : i32 to vector<16xi32>
      %add3A_17 = arith.constant 512 : i32
      %add3A_18 = arith.addi %add3A_17, %mul3A_9 : i32
      %get3A_19 = arith.index_cast %add3A_18 : i32 to index
      %get3A_20 = tpu.vector_load %arg7[%get3A_19] {strides = array<i32>} : memref<32768xf32, #tpu.memory_space<vmem>>, vector<16xf32>,
      %get3A_21 = vector.shape_cast %get3A_20 : vector<16xf32> to vector<16xf32>
      %broadcast_in_dim3A_22 = arith.constant 1 : i32
      %broadcast_in_dim3A_23 = vector.broadcast %broadcast_in_dim3A_22 : i32 to vector<16xi32>
      %gt3A = arith.cmpf ogt, %get3A_21, %get3A_11 : vector<16xf32>
      %gt3A_24 = arith.cmpf ogt, %get3A_21, %broadcast_in_dim3A_14 : vector<16xf32>
      %min3A = arith.minimumf %get3A_21, %get3A_11 : vector<16xf32>
      %max3A = arith.maximumf %broadcast_in_dim3A_14, %min3A : vector<16xf32>
      %select_n3A = arith.select %gt3A_24, %broadcast_in_dim3A_23, %broadcast_in_dim3A_16 : vector<16xi1>, vector<16xi32>
      %select_n3A_25 = arith.select %gt3A, %broadcast_in_dim3A_12, %select_n3A : vector<16xi1>, vector<16xi32>
      %max3A_26 = arith.maximumf %get3A_11, %get3A_21 : vector<16xf32>
      %select_n3A_27 = arith.select %gt3A, %broadcast_in_dim3A_23, %broadcast_in_dim3A_12 : vector<16xi1>, vector<16xi32>
      %add3A_28 = arith.constant 1024 : i32
      %add3A_29 = arith.addi %add3A_28, %mul3A_9 : i32
      %get3A_30 = arith.index_cast %add3A_29 : i32 to index
      %get3A_31 = tpu.vector_load %arg7[%get3A_30] {strides = array<i32>} : memref<32768xf32, #tpu.memory_space<vmem>>, vector<16xf32>,
      %get3A_32 = vector.shape_cast %get3A_31 : vector<16xf32> to vector<16xf32>
      %broadcast_in_dim3A_33 = arith.constant 2 : i32
      %broadcast_in_dim3A_34 = vector.broadcast %broadcast_in_dim3A_33 : i32 to vector<16xi32>
      %gt3A_35 = arith.cmpf ogt, %get3A_32, %max3A_26 : vector<16xf32>
      %gt3A_36 = arith.cmpf ogt, %get3A_32, %max3A : vector<16xf32>
      %min3A_37 = arith.minimumf %get3A_32, %max3A_26 : vector<16xf32>
      %max3A_38 = arith.maximumf %max3A, %min3A_37 : vector<16xf32>
      %select_n3A_39 = arith.select %gt3A_36, %broadcast_in_dim3A_34, %select_n3A_25 : vector<16xi1>, vector<16xi32>
      %select_n3A_40 = arith.select %gt3A_35, %select_n3A_27, %select_n3A_39 : vector<16xi1>, vector<16xi32>
      %max3A_41 = arith.maximumf %max3A_26, %get3A_32 : vector<16xf32>
      %select_n3A_42 = arith.select %gt3A_35, %broadcast_in_dim3A_34, %select_n3A_27 : vector<16xi1>, vector<16xi32>
      %add3A_43 = arith.constant 1536 : i32
      %add3A_44 = arith.addi %add3A_43, %mul3A_9 : i32
      %get3A_45 = arith.index_cast %add3A_44 : i32 to index
      %get3A_46 = tpu.vector_load %arg7[%get3A_45] {strides = array<i32>} : memref<32768xf32, #tpu.memory_space<vmem>>, vector<16xf32>,
      %get3A_47 = vector.shape_cast %get3A_46 : vector<16xf32> to vector<16xf32>
      %broadcast_in_dim3A_48 = arith.constant 3 : i32
      %broadcast_in_dim3A_49 = vector.broadcast %broadcast_in_dim3A_48 : i32 to vector<16xi32>
      %gt3A_50 = arith.cmpf ogt, %get3A_47, %max3A_41 : vector<16xf32>
      %gt3A_51 = arith.cmpf ogt, %get3A_47, %max3A_38 : vector<16xf32>
      %min3A_52 = arith.minimumf %get3A_47, %max3A_41 : vector<16xf32>
      %max3A_53 = arith.maximumf %max3A_38, %min3A_52 : vector<16xf32>
      %select_n3A_54 = arith.select %gt3A_51, %broadcast_in_dim3A_49, %select_n3A_40 : vector<16xi1>, vector<16xi32>
      %select_n3A_55 = arith.select %gt3A_50, %select_n3A_42, %select_n3A_54 : vector<16xi1>, vector<16xi32>
      %max3A_56 = arith.maximumf %max3A_41, %get3A_47 : vector<16xf32>
      %select_n3A_57 = arith.select %gt3A_50, %broadcast_in_dim3A_49, %select_n3A_42 : vector<16xi1>, vector<16xi32>
      %add3A_58 = arith.constant 2048 : i32
      %add3A_59 = arith.addi %add3A_58, %mul3A_9 : i32
      %get3A_60 = arith.index_cast %add3A_59 : i32 to index
      %get3A_61 = tpu.vector_load %arg7[%get3A_60] {strides = array<i32>} : memref<32768xf32, #tpu.memory_space<vmem>>, vector<16xf32>,
      %get3A_62 = vector.shape_cast %get3A_61 : vector<16xf32> to vector<16xf32>
      %broadcast_in_dim3A_63 = arith.constant 4 : i32
      %broadcast_in_dim3A_64 = vector.broadcast %broadcast_in_dim3A_63 : i32 to vector<16xi32>
      %gt3A_65 = arith.cmpf ogt, %get3A_62, %max3A_56 : vector<16xf32>
      %gt3A_66 = arith.cmpf ogt, %get3A_62, %max3A_53 : vector<16xf32>
      %min3A_67 = arith.minimumf %get3A_62, %max3A_56 : vector<16xf32>
      %max3A_68 = arith.maximumf %max3A_53, %min3A_67 : vector<16xf32>
      %select_n3A_69 = arith.select %gt3A_66, %broadcast_in_dim3A_64, %select_n3A_55 : vector<16xi1>, vector<16xi32>
      %select_n3A_70 = arith.select %gt3A_65, %select_n3A_57, %select_n3A_69 : vector<16xi1>, vector<16xi32>
      %max3A_71 = arith.maximumf %max3A_56, %get3A_62 : vector<16xf32>
      %select_n3A_72 = arith.select %gt3A_65, %broadcast_in_dim3A_64, %select_n3A_57 : vector<16xi1>, vector<16xi32>
      %add3A_73 = arith.constant 2560 : i32
      %add3A_74 = arith.addi %add3A_73, %mul3A_9 : i32
      %get3A_75 = arith.index_cast %add3A_74 : i32 to index
      %get3A_76 = tpu.vector_load %arg7[%get3A_75] {strides = array<i32>} : memref<32768xf32, #tpu.memory_space<vmem>>, vector<16xf32>,
      %get3A_77 = vector.shape_cast %get3A_76 : vector<16xf32> to vector<16xf32>
      %broadcast_in_dim3A_78 = arith.constant 5 : i32
      %broadcast_in_dim3A_79 = vector.broadcast %broadcast_in_dim3A_78 : i32 to vector<16xi32>
      %gt3A_80 = arith.cmpf ogt, %get3A_77, %max3A_71 : vector<16xf32>
      %gt3A_81 = arith.cmpf ogt, %get3A_77, %max3A_68 : vector<16xf32>
      %min3A_82 = arith.minimumf %get3A_77, %max3A_71 : vector<16xf32>
      %max3A_83 = arith.maximumf %max3A_68, %min3A_82 : vector<16xf32>
      %select_n3A_84 = arith.select %gt3A_81, %broadcast_in_dim3A_79, %select_n3A_70 : vector<16xi1>, vector<16xi32>
      %select_n3A_85 = arith.select %gt3A_80, %select_n3A_72, %select_n3A_84 : vector<16xi1>, vector<16xi32>
      %max3A_86 = arith.maximumf %max3A_71, %get3A_77 : vector<16xf32>
      %select_n3A_87 = arith.select %gt3A_80, %broadcast_in_dim3A_79, %select_n3A_72 : vector<16xi1>, vector<16xi32>
      %add3A_88 = arith.constant 3072 : i32
      %add3A_89 = arith.addi %add3A_88, %mul3A_9 : i32
      %get3A_90 = arith.index_cast %add3A_89 : i32 to index
      %get3A_91 = tpu.vector_load %arg7[%get3A_90] {strides = array<i32>} : memref<32768xf32, #tpu.memory_space<vmem>>, vector<16xf32>,
      %get3A_92 = vector.shape_cast %get3A_91 : vector<16xf32> to vector<16xf32>
      %broadcast_in_dim3A_93 = arith.constant 6 : i32
      %broadcast_in_dim3A_94 = vector.broadcast %broadcast_in_dim3A_93 : i32 to vector<16xi32>
      %gt3A_95 = arith.cmpf ogt, %get3A_92, %max3A_86 : vector<16xf32>
      %gt3A_96 = arith.cmpf ogt, %get3A_92, %max3A_83 : vector<16xf32>
      %min3A_97 = arith.minimumf %get3A_92, %max3A_86 : vector<16xf32>
      %max3A_98 = arith.maximumf %max3A_83, %min3A_97 : vector<16xf32>
      %select_n3A_99 = arith.select %gt3A_96, %broadcast_in_dim3A_94, %select_n3A_85 : vector<16xi1>, vector<16xi32>
      %select_n3A_100 = arith.select %gt3A_95, %select_n3A_87, %select_n3A_99 : vector<16xi1>, vector<16xi32>
      %max3A_101 = arith.maximumf %max3A_86, %get3A_92 : vector<16xf32>
      %select_n3A_102 = arith.select %gt3A_95, %broadcast_in_dim3A_94, %select_n3A_87 : vector<16xi1>, vector<16xi32>
      %add3A_103 = arith.constant 3584 : i32
      %add3A_104 = arith.addi %add3A_103, %mul3A_9 : i32
      %get3A_105 = arith.index_cast %add3A_104 : i32 to index
      %get3A_106 = tpu.vector_load %arg7[%get3A_105] {strides = array<i32>} : memref<32768xf32, #tpu.memory_space<vmem>>, vector<16xf32>,
      %get3A_107 = vector.shape_cast %get3A_106 : vector<16xf32> to vector<16xf32>
      %broadcast_in_dim3A_108 = arith.constant 7 : i32
      %broadcast_in_dim3A_109 = vector.broadcast %broadcast_in_dim3A_108 : i32 to vector<16xi32>
      %gt3A_110 = arith.cmpf ogt, %get3A_107, %max3A_101 : vector<16xf32>
      %gt3A_111 = arith.cmpf ogt, %get3A_107, %max3A_98 : vector<16xf32>
      %min3A_112 = arith.minimumf %get3A_107, %max3A_101 : vector<16xf32>
      %max3A_113 = arith.maximumf %max3A_98, %min3A_112 : vector<16xf32>
      %select_n3A_114 = arith.select %gt3A_111, %broadcast_in_dim3A_109, %select_n3A_100 : vector<16xi1>, vector<16xi32>
      %select_n3A_115 = arith.select %gt3A_110, %select_n3A_102, %select_n3A_114 : vector<16xi1>, vector<16xi32>
      %max3A_116 = arith.maximumf %max3A_101, %get3A_107 : vector<16xf32>
      %select_n3A_117 = arith.select %gt3A_110, %broadcast_in_dim3A_109, %select_n3A_102 : vector<16xi1>, vector<16xi32>
      %add3A_118 = arith.constant 4096 : i32
      %add3A_119 = arith.addi %add3A_118, %mul3A_9 : i32
      %get3A_120 = arith.index_cast %add3A_119 : i32 to index
      %get3A_121 = tpu.vector_load %arg7[%get3A_120] {strides = array<i32>} : memref<32768xf32, #tpu.memory_space<vmem>>, vector<16xf32>,
      %get3A_122 = vector.shape_cast %get3A_121 : vector<16xf32> to vector<16xf32>
      %broadcast_in_dim3A_123 = arith.constant 8 : i32
      %broadcast_in_dim3A_124 = vector.broadcast %broadcast_in_dim3A_123 : i32 to vector<16xi32>
      %gt3A_125 = arith.cmpf ogt, %get3A_122, %max3A_116 : vector<16xf32>
      %gt3A_126 = arith.cmpf ogt, %get3A_122, %max3A_113 : vector<16xf32>
      %min3A_127 = arith.minimumf %get3A_122, %max3A_116 : vector<16xf32>
      %max3A_128 = arith.maximumf %max3A_113, %min3A_127 : vector<16xf32>
      %select_n3A_129 = arith.select %gt3A_126, %broadcast_in_dim3A_124, %select_n3A_115 : vector<16xi1>, vector<16xi32>
      %select_n3A_130 = arith.select %gt3A_125, %select_n3A_117, %select_n3A_129 : vector<16xi1>, vector<16xi32>
      %max3A_131 = arith.maximumf %max3A_116, %get3A_122 : vector<16xf32>
      %select_n3A_132 = arith.select %gt3A_125, %broadcast_in_dim3A_124, %select_n3A_117 : vector<16xi1>, vector<16xi32>
      %add3A_133 = arith.constant 4608 : i32
      %add3A_134 = arith.addi %add3A_133, %mul3A_9 : i32
      %get3A_135 = arith.index_cast %add3A_134 : i32 to index
      %get3A_136 = tpu.vector_load %arg7[%get3A_135] {strides = array<i32>} : memref<32768xf32, #tpu.memory_space<vmem>>, vector<16xf32>,
      %get3A_137 = vector.shape_cast %get3A_136 : vector<16xf32> to vector<16xf32>
      %broadcast_in_dim3A_138 = arith.constant 9 : i32
      %broadcast_in_dim3A_139 = vector.broadcast %broadcast_in_dim3A_138 : i32 to vector<16xi32>
      %gt3A_140 = arith.cmpf ogt, %get3A_137, %max3A_131 : vector<16xf32>
      %gt3A_141 = arith.cmpf ogt, %get3A_137, %max3A_128 : vector<16xf32>
      %min3A_142 = arith.minimumf %get3A_137, %max3A_131 : vector<16xf32>
      %max3A_143 = arith.maximumf %max3A_128, %min3A_142 : vector<16xf32>
      %select_n3A_144 = arith.select %gt3A_141, %broadcast_in_dim3A_139, %select_n3A_130 : vector<16xi1>, vector<16xi32>
      %select_n3A_145 = arith.select %gt3A_140, %select_n3A_132, %select_n3A_144 : vector<16xi1>, vector<16xi32>
      %max3A_146 = arith.maximumf %max3A_131, %get3A_137 : vector<16xf32>
      %select_n3A_147 = arith.select %gt3A_140, %broadcast_in_dim3A_139, %select_n3A_132 : vector<16xi1>, vector<16xi32>
      %add3A_148 = arith.constant 5120 : i32
      %add3A_149 = arith.addi %add3A_148, %mul3A_9 : i32
      %get3A_150 = arith.index_cast %add3A_149 : i32 to index
      %get3A_151 = tpu.vector_load %arg7[%get3A_150] {strides = array<i32>} : memref<32768xf32, #tpu.memory_space<vmem>>, vector<16xf32>,
      %get3A_152 = vector.shape_cast %get3A_151 : vector<16xf32> to vector<16xf32>
      %broadcast_in_dim3A_153 = arith.constant 10 : i32
      %broadcast_in_dim3A_154 = vector.broadcast %broadcast_in_dim3A_153 : i32 to vector<16xi32>
      %gt3A_155 = arith.cmpf ogt, %get3A_152, %max3A_146 : vector<16xf32>
      %gt3A_156 = arith.cmpf ogt, %get3A_152, %max3A_143 : vector<16xf32>
      %min3A_157 = arith.minimumf %get3A_152, %max3A_146 : vector<16xf32>
      %max3A_158 = arith.maximumf %max3A_143, %min3A_157 : vector<16xf32>
      %select_n3A_159 = arith.select %gt3A_156, %broadcast_in_dim3A_154, %select_n3A_145 : vector<16xi1>, vector<16xi32>
      %select_n3A_160 = arith.select %gt3A_155, %select_n3A_147, %select_n3A_159 : vector<16xi1>, vector<16xi32>
      %max3A_161 = arith.maximumf %max3A_146, %get3A_152 : vector<16xf32>
      %select_n3A_162 = arith.select %gt3A_155, %broadcast_in_dim3A_154, %select_n3A_147 : vector<16xi1>, vector<16xi32>
      %add3A_163 = arith.constant 5632 : i32
      %add3A_164 = arith.addi %add3A_163, %mul3A_9 : i32
      %get3A_165 = arith.index_cast %add3A_164 : i32 to index
      %get3A_166 = tpu.vector_load %arg7[%get3A_165] {strides = array<i32>} : memref<32768xf32, #tpu.memory_space<vmem>>, vector<16xf32>,
      %get3A_167 = vector.shape_cast %get3A_166 : vector<16xf32> to vector<16xf32>
      %broadcast_in_dim3A_168 = arith.constant 11 : i32
      %broadcast_in_dim3A_169 = vector.broadcast %broadcast_in_dim3A_168 : i32 to vector<16xi32>
      %gt3A_170 = arith.cmpf ogt, %get3A_167, %max3A_161 : vector<16xf32>
      %gt3A_171 = arith.cmpf ogt, %get3A_167, %max3A_158 : vector<16xf32>
      %min3A_172 = arith.minimumf %get3A_167, %max3A_161 : vector<16xf32>
      %max3A_173 = arith.maximumf %max3A_158, %min3A_172 : vector<16xf32>
      %select_n3A_174 = arith.select %gt3A_171, %broadcast_in_dim3A_169, %select_n3A_160 : vector<16xi1>, vector<16xi32>
      %select_n3A_175 = arith.select %gt3A_170, %select_n3A_162, %select_n3A_174 : vector<16xi1>, vector<16xi32>
      %max3A_176 = arith.maximumf %max3A_161, %get3A_167 : vector<16xf32>
      %select_n3A_177 = arith.select %gt3A_170, %broadcast_in_dim3A_169, %select_n3A_162 : vector<16xi1>, vector<16xi32>
      %add3A_178 = arith.constant 6144 : i32
      %add3A_179 = arith.addi %add3A_178, %mul3A_9 : i32
      %get3A_180 = arith.index_cast %add3A_179 : i32 to index
      %get3A_181 = tpu.vector_load %arg7[%get3A_180] {strides = array<i32>} : memref<32768xf32, #tpu.memory_space<vmem>>, vector<16xf32>,
      %get3A_182 = vector.shape_cast %get3A_181 : vector<16xf32> to vector<16xf32>
      %broadcast_in_dim3A_183 = arith.constant 12 : i32
      %broadcast_in_dim3A_184 = vector.broadcast %broadcast_in_dim3A_183 : i32 to vector<16xi32>
      %gt3A_185 = arith.cmpf ogt, %get3A_182, %max3A_176 : vector<16xf32>
      %gt3A_186 = arith.cmpf ogt, %get3A_182, %max3A_173 : vector<16xf32>
      %min3A_187 = arith.minimumf %get3A_182, %max3A_176 : vector<16xf32>
      %max3A_188 = arith.maximumf %max3A_173, %min3A_187 : vector<16xf32>
      %select_n3A_189 = arith.select %gt3A_186, %broadcast_in_dim3A_184, %select_n3A_175 : vector<16xi1>, vector<16xi32>
      %select_n3A_190 = arith.select %gt3A_185, %select_n3A_177, %select_n3A_189 : vector<16xi1>, vector<16xi32>
      %max3A_191 = arith.maximumf %max3A_176, %get3A_182 : vector<16xf32>
      %select_n3A_192 = arith.select %gt3A_185, %broadcast_in_dim3A_184, %select_n3A_177 : vector<16xi1>, vector<16xi32>
      %add3A_193 = arith.constant 6656 : i32
      %add3A_194 = arith.addi %add3A_193, %mul3A_9 : i32
      %get3A_195 = arith.index_cast %add3A_194 : i32 to index
      %get3A_196 = tpu.vector_load %arg7[%get3A_195] {strides = array<i32>} : memref<32768xf32, #tpu.memory_space<vmem>>, vector<16xf32>,
      %get3A_197 = vector.shape_cast %get3A_196 : vector<16xf32> to vector<16xf32>
      %broadcast_in_dim3A_198 = arith.constant 13 : i32
      %broadcast_in_dim3A_199 = vector.broadcast %broadcast_in_dim3A_198 : i32 to vector<16xi32>
      %gt3A_200 = arith.cmpf ogt, %get3A_197, %max3A_191 : vector<16xf32>
      %gt3A_201 = arith.cmpf ogt, %get3A_197, %max3A_188 : vector<16xf32>
      %min3A_202 = arith.minimumf %get3A_197, %max3A_191 : vector<16xf32>
      %max3A_203 = arith.maximumf %max3A_188, %min3A_202 : vector<16xf32>
      %select_n3A_204 = arith.select %gt3A_201, %broadcast_in_dim3A_199, %select_n3A_190 : vector<16xi1>, vector<16xi32>
      %select_n3A_205 = arith.select %gt3A_200, %select_n3A_192, %select_n3A_204 : vector<16xi1>, vector<16xi32>
      %max3A_206 = arith.maximumf %max3A_191, %get3A_197 : vector<16xf32>
      %select_n3A_207 = arith.select %gt3A_200, %broadcast_in_dim3A_199, %select_n3A_192 : vector<16xi1>, vector<16xi32>
      %add3A_208 = arith.constant 7168 : i32
      %add3A_209 = arith.addi %add3A_208, %mul3A_9 : i32
      %get3A_210 = arith.index_cast %add3A_209 : i32 to index
      %get3A_211 = tpu.vector_load %arg7[%get3A_210] {strides = array<i32>} : memref<32768xf32, #tpu.memory_space<vmem>>, vector<16xf32>,
      %get3A_212 = vector.shape_cast %get3A_211 : vector<16xf32> to vector<16xf32>
      %broadcast_in_dim3A_213 = arith.constant 14 : i32
      %broadcast_in_dim3A_214 = vector.broadcast %broadcast_in_dim3A_213 : i32 to vector<16xi32>
      %gt3A_215 = arith.cmpf ogt, %get3A_212, %max3A_206 : vector<16xf32>
      %gt3A_216 = arith.cmpf ogt, %get3A_212, %max3A_203 : vector<16xf32>
      %min3A_217 = arith.minimumf %get3A_212, %max3A_206 : vector<16xf32>
      %max3A_218 = arith.maximumf %max3A_203, %min3A_217 : vector<16xf32>
      %select_n3A_219 = arith.select %gt3A_216, %broadcast_in_dim3A_214, %select_n3A_205 : vector<16xi1>, vector<16xi32>
      %select_n3A_220 = arith.select %gt3A_215, %select_n3A_207, %select_n3A_219 : vector<16xi1>, vector<16xi32>
      %max3A_221 = arith.maximumf %max3A_206, %get3A_212 : vector<16xf32>
      %select_n3A_222 = arith.select %gt3A_215, %broadcast_in_dim3A_214, %select_n3A_207 : vector<16xi1>, vector<16xi32>
      %add3A_223 = arith.constant 7680 : i32
      %add3A_224 = arith.addi %add3A_223, %mul3A_9 : i32
      %get3A_225 = arith.index_cast %add3A_224 : i32 to index
      %get3A_226 = tpu.vector_load %arg7[%get3A_225] {strides = array<i32>} : memref<32768xf32, #tpu.memory_space<vmem>>, vector<16xf32>,
      %get3A_227 = vector.shape_cast %get3A_226 : vector<16xf32> to vector<16xf32>
      %broadcast_in_dim3A_228 = arith.constant 15 : i32
      %broadcast_in_dim3A_229 = vector.broadcast %broadcast_in_dim3A_228 : i32 to vector<16xi32>
      %gt3A_230 = arith.cmpf ogt, %get3A_227, %max3A_221 : vector<16xf32>
      %gt3A_231 = arith.cmpf ogt, %get3A_227, %max3A_218 : vector<16xf32>
      %min3A_232 = arith.minimumf %get3A_227, %max3A_221 : vector<16xf32>
      %max3A_233 = arith.maximumf %max3A_218, %min3A_232 : vector<16xf32>
      %select_n3A_234 = arith.select %gt3A_231, %broadcast_in_dim3A_229, %select_n3A_220 : vector<16xi1>, vector<16xi32>
      %select_n3A_235 = arith.select %gt3A_230, %select_n3A_222, %select_n3A_234 : vector<16xi1>, vector<16xi32>
      %max3A_236 = arith.maximumf %max3A_221, %get3A_227 : vector<16xf32>
      %select_n3A_237 = arith.select %gt3A_230, %broadcast_in_dim3A_229, %select_n3A_222 : vector<16xi1>, vector<16xi32>
      %add3A_238 = arith.constant 8192 : i32
      %add3A_239 = arith.addi %add3A_238, %mul3A_9 : i32
      %get3A_240 = arith.index_cast %add3A_239 : i32 to index
      %get3A_241 = tpu.vector_load %arg7[%get3A_240] {strides = array<i32>} : memref<32768xf32, #tpu.memory_space<vmem>>, vector<16xf32>,
      %get3A_242 = vector.shape_cast %get3A_241 : vector<16xf32> to vector<16xf32>
      %broadcast_in_dim3A_243 = arith.constant 16 : i32
      %broadcast_in_dim3A_244 = vector.broadcast %broadcast_in_dim3A_243 : i32 to vector<16xi32>
      %gt3A_245 = arith.cmpf ogt, %get3A_242, %max3A_236 : vector<16xf32>
      %gt3A_246 = arith.cmpf ogt, %get3A_242, %max3A_233 : vector<16xf32>
      %min3A_247 = arith.minimumf %get3A_242, %max3A_236 : vector<16xf32>
      %max3A_248 = arith.maximumf %max3A_233, %min3A_247 : vector<16xf32>
      %select_n3A_249 = arith.select %gt3A_246, %broadcast_in_dim3A_244, %select_n3A_235 : vector<16xi1>, vector<16xi32>
      %select_n3A_250 = arith.select %gt3A_245, %select_n3A_237, %select_n3A_249 : vector<16xi1>, vector<16xi32>
      %max3A_251 = arith.maximumf %max3A_236, %get3A_242 : vector<16xf32>
      %select_n3A_252 = arith.select %gt3A_245, %broadcast_in_dim3A_244, %select_n3A_237 : vector<16xi1>, vector<16xi32>
      %add3A_253 = arith.constant 8704 : i32
      %add3A_254 = arith.addi %add3A_253, %mul3A_9 : i32
      %get3A_255 = arith.index_cast %add3A_254 : i32 to index
      %get3A_256 = tpu.vector_load %arg7[%get3A_255] {strides = array<i32>} : memref<32768xf32, #tpu.memory_space<vmem>>, vector<16xf32>,
      %get3A_257 = vector.shape_cast %get3A_256 : vector<16xf32> to vector<16xf32>
      %broadcast_in_dim3A_258 = arith.constant 17 : i32
      %broadcast_in_dim3A_259 = vector.broadcast %broadcast_in_dim3A_258 : i32 to vector<16xi32>
      %gt3A_260 = arith.cmpf ogt, %get3A_257, %max3A_251 : vector<16xf32>
      %gt3A_261 = arith.cmpf ogt, %get3A_257, %max3A_248 : vector<16xf32>
      %min3A_262 = arith.minimumf %get3A_257, %max3A_251 : vector<16xf32>
      %max3A_263 = arith.maximumf %max3A_248, %min3A_262 : vector<16xf32>
      %select_n3A_264 = arith.select %gt3A_261, %broadcast_in_dim3A_259, %select_n3A_250 : vector<16xi1>, vector<16xi32>
      %select_n3A_265 = arith.select %gt3A_260, %select_n3A_252, %select_n3A_264 : vector<16xi1>, vector<16xi32>
      %max3A_266 = arith.maximumf %max3A_251, %get3A_257 : vector<16xf32>
      %select_n3A_267 = arith.select %gt3A_260, %broadcast_in_dim3A_259, %select_n3A_252 : vector<16xi1>, vector<16xi32>
      %add3A_268 = arith.constant 9216 : i32
      %add3A_269 = arith.addi %add3A_268, %mul3A_9 : i32
      %get3A_270 = arith.index_cast %add3A_269 : i32 to index
      %get3A_271 = tpu.vector_load %arg7[%get3A_270] {strides = array<i32>} : memref<32768xf32, #tpu.memory_space<vmem>>, vector<16xf32>,
      %get3A_272 = vector.shape_cast %get3A_271 : vector<16xf32> to vector<16xf32>
      %broadcast_in_dim3A_273 = arith.constant 18 : i32
      %broadcast_in_dim3A_274 = vector.broadcast %broadcast_in_dim3A_273 : i32 to vector<16xi32>
      %gt3A_275 = arith.cmpf ogt, %get3A_272, %max3A_266 : vector<16xf32>
      %gt3A_276 = arith.cmpf ogt, %get3A_272, %max3A_263 : vector<16xf32>
      %min3A_277 = arith.minimumf %get3A_272, %max3A_266 : vector<16xf32>
      %max3A_278 = arith.maximumf %max3A_263, %min3A_277 : vector<16xf32>
      %select_n3A_279 = arith.select %gt3A_276, %broadcast_in_dim3A_274, %select_n3A_265 : vector<16xi1>, vector<16xi32>
      %select_n3A_280 = arith.select %gt3A_275, %select_n3A_267, %select_n3A_279 : vector<16xi1>, vector<16xi32>
      %max3A_281 = arith.maximumf %max3A_266, %get3A_272 : vector<16xf32>
      %select_n3A_282 = arith.select %gt3A_275, %broadcast_in_dim3A_274, %select_n3A_267 : vector<16xi1>, vector<16xi32>
      %add3A_283 = arith.constant 9728 : i32
      %add3A_284 = arith.addi %add3A_283, %mul3A_9 : i32
      %get3A_285 = arith.index_cast %add3A_284 : i32 to index
      %get3A_286 = tpu.vector_load %arg7[%get3A_285] {strides = array<i32>} : memref<32768xf32, #tpu.memory_space<vmem>>, vector<16xf32>,
      %get3A_287 = vector.shape_cast %get3A_286 : vector<16xf32> to vector<16xf32>
      %broadcast_in_dim3A_288 = arith.constant 19 : i32
      %broadcast_in_dim3A_289 = vector.broadcast %broadcast_in_dim3A_288 : i32 to vector<16xi32>
      %gt3A_290 = arith.cmpf ogt, %get3A_287, %max3A_281 : vector<16xf32>
      %gt3A_291 = arith.cmpf ogt, %get3A_287, %max3A_278 : vector<16xf32>
      %min3A_292 = arith.minimumf %get3A_287, %max3A_281 : vector<16xf32>
      %max3A_293 = arith.maximumf %max3A_278, %min3A_292 : vector<16xf32>
      %select_n3A_294 = arith.select %gt3A_291, %broadcast_in_dim3A_289, %select_n3A_280 : vector<16xi1>, vector<16xi32>
      %select_n3A_295 = arith.select %gt3A_290, %select_n3A_282, %select_n3A_294 : vector<16xi1>, vector<16xi32>
      %max3A_296 = arith.maximumf %max3A_281, %get3A_287 : vector<16xf32>
      %select_n3A_297 = arith.select %gt3A_290, %broadcast_in_dim3A_289, %select_n3A_282 : vector<16xi1>, vector<16xi32>
      %add3A_298 = arith.constant 10240 : i32
      %add3A_299 = arith.addi %add3A_298, %mul3A_9 : i32
      %get3A_300 = arith.index_cast %add3A_299 : i32 to index
      %get3A_301 = tpu.vector_load %arg7[%get3A_300] {strides = array<i32>} : memref<32768xf32, #tpu.memory_space<vmem>>, vector<16xf32>,
      %get3A_302 = vector.shape_cast %get3A_301 : vector<16xf32> to vector<16xf32>
      %broadcast_in_dim3A_303 = arith.constant 20 : i32
      %broadcast_in_dim3A_304 = vector.broadcast %broadcast_in_dim3A_303 : i32 to vector<16xi32>
      %gt3A_305 = arith.cmpf ogt, %get3A_302, %max3A_296 : vector<16xf32>
      %gt3A_306 = arith.cmpf ogt, %get3A_302, %max3A_293 : vector<16xf32>
      %min3A_307 = arith.minimumf %get3A_302, %max3A_296 : vector<16xf32>
      %max3A_308 = arith.maximumf %max3A_293, %min3A_307 : vector<16xf32>
      %select_n3A_309 = arith.select %gt3A_306, %broadcast_in_dim3A_304, %select_n3A_295 : vector<16xi1>, vector<16xi32>
      %select_n3A_310 = arith.select %gt3A_305, %select_n3A_297, %select_n3A_309 : vector<16xi1>, vector<16xi32>
      %max3A_311 = arith.maximumf %max3A_296, %get3A_302 : vector<16xf32>
      %select_n3A_312 = arith.select %gt3A_305, %broadcast_in_dim3A_304, %select_n3A_297 : vector<16xi1>, vector<16xi32>
      %add3A_313 = arith.constant 10752 : i32
      %add3A_314 = arith.addi %add3A_313, %mul3A_9 : i32
      %get3A_315 = arith.index_cast %add3A_314 : i32 to index
      %get3A_316 = tpu.vector_load %arg7[%get3A_315] {strides = array<i32>} : memref<32768xf32, #tpu.memory_space<vmem>>, vector<16xf32>,
      %get3A_317 = vector.shape_cast %get3A_316 : vector<16xf32> to vector<16xf32>
      %broadcast_in_dim3A_318 = arith.constant 21 : i32
      %broadcast_in_dim3A_319 = vector.broadcast %broadcast_in_dim3A_318 : i32 to vector<16xi32>
      %gt3A_320 = arith.cmpf ogt, %get3A_317, %max3A_311 : vector<16xf32>
      %gt3A_321 = arith.cmpf ogt, %get3A_317, %max3A_308 : vector<16xf32>
      %min3A_322 = arith.minimumf %get3A_317, %max3A_311 : vector<16xf32>
      %max3A_323 = arith.maximumf %max3A_308, %min3A_322 : vector<16xf32>
      %select_n3A_324 = arith.select %gt3A_321, %broadcast_in_dim3A_319, %select_n3A_310 : vector<16xi1>, vector<16xi32>
      %select_n3A_325 = arith.select %gt3A_320, %select_n3A_312, %select_n3A_324 : vector<16xi1>, vector<16xi32>
      %max3A_326 = arith.maximumf %max3A_311, %get3A_317 : vector<16xf32>
      %select_n3A_327 = arith.select %gt3A_320, %broadcast_in_dim3A_319, %select_n3A_312 : vector<16xi1>, vector<16xi32>
      %add3A_328 = arith.constant 11264 : i32
      %add3A_329 = arith.addi %add3A_328, %mul3A_9 : i32
      %get3A_330 = arith.index_cast %add3A_329 : i32 to index
      %get3A_331 = tpu.vector_load %arg7[%get3A_330] {strides = array<i32>} : memref<32768xf32, #tpu.memory_space<vmem>>, vector<16xf32>,
      %get3A_332 = vector.shape_cast %get3A_331 : vector<16xf32> to vector<16xf32>
      %broadcast_in_dim3A_333 = arith.constant 22 : i32
      %broadcast_in_dim3A_334 = vector.broadcast %broadcast_in_dim3A_333 : i32 to vector<16xi32>
      %gt3A_335 = arith.cmpf ogt, %get3A_332, %max3A_326 : vector<16xf32>
      %gt3A_336 = arith.cmpf ogt, %get3A_332, %max3A_323 : vector<16xf32>
      %min3A_337 = arith.minimumf %get3A_332, %max3A_326 : vector<16xf32>
      %max3A_338 = arith.maximumf %max3A_323, %min3A_337 : vector<16xf32>
      %select_n3A_339 = arith.select %gt3A_336, %broadcast_in_dim3A_334, %select_n3A_325 : vector<16xi1>, vector<16xi32>
      %select_n3A_340 = arith.select %gt3A_335, %select_n3A_327, %select_n3A_339 : vector<16xi1>, vector<16xi32>
      %max3A_341 = arith.maximumf %max3A_326, %get3A_332 : vector<16xf32>
      %select_n3A_342 = arith.select %gt3A_335, %broadcast_in_dim3A_334, %select_n3A_327 : vector<16xi1>, vector<16xi32>
      %add3A_343 = arith.constant 11776 : i32
      %add3A_344 = arith.addi %add3A_343, %mul3A_9 : i32
      %get3A_345 = arith.index_cast %add3A_344 : i32 to index
      %get3A_346 = tpu.vector_load %arg7[%get3A_345] {strides = array<i32>} : memref<32768xf32, #tpu.memory_space<vmem>>, vector<16xf32>,
      %get3A_347 = vector.shape_cast %get3A_346 : vector<16xf32> to vector<16xf32>
      %broadcast_in_dim3A_348 = arith.constant 23 : i32
      %broadcast_in_dim3A_349 = vector.broadcast %broadcast_in_dim3A_348 : i32 to vector<16xi32>
      %gt3A_350 = arith.cmpf ogt, %get3A_347, %max3A_341 : vector<16xf32>
      %gt3A_351 = arith.cmpf ogt, %get3A_347, %max3A_338 : vector<16xf32>
      %min3A_352 = arith.minimumf %get3A_347, %max3A_341 : vector<16xf32>
      %max3A_353 = arith.maximumf %max3A_338, %min3A_352 : vector<16xf32>
      %select_n3A_354 = arith.select %gt3A_351, %broadcast_in_dim3A_349, %select_n3A_340 : vector<16xi1>, vector<16xi32>
      %select_n3A_355 = arith.select %gt3A_350, %select_n3A_342, %select_n3A_354 : vector<16xi1>, vector<16xi32>
      %max3A_356 = arith.maximumf %max3A_341, %get3A_347 : vector<16xf32>
      %select_n3A_357 = arith.select %gt3A_350, %broadcast_in_dim3A_349, %select_n3A_342 : vector<16xi1>, vector<16xi32>
      %add3A_358 = arith.constant 12288 : i32
      %add3A_359 = arith.addi %add3A_358, %mul3A_9 : i32
      %get3A_360 = arith.index_cast %add3A_359 : i32 to index
      %get3A_361 = tpu.vector_load %arg7[%get3A_360] {strides = array<i32>} : memref<32768xf32, #tpu.memory_space<vmem>>, vector<16xf32>,
      %get3A_362 = vector.shape_cast %get3A_361 : vector<16xf32> to vector<16xf32>
      %broadcast_in_dim3A_363 = arith.constant 24 : i32
      %broadcast_in_dim3A_364 = vector.broadcast %broadcast_in_dim3A_363 : i32 to vector<16xi32>
      %gt3A_365 = arith.cmpf ogt, %get3A_362, %max3A_356 : vector<16xf32>
      %gt3A_366 = arith.cmpf ogt, %get3A_362, %max3A_353 : vector<16xf32>
      %min3A_367 = arith.minimumf %get3A_362, %max3A_356 : vector<16xf32>
      %max3A_368 = arith.maximumf %max3A_353, %min3A_367 : vector<16xf32>
      %select_n3A_369 = arith.select %gt3A_366, %broadcast_in_dim3A_364, %select_n3A_355 : vector<16xi1>, vector<16xi32>
      %select_n3A_370 = arith.select %gt3A_365, %select_n3A_357, %select_n3A_369 : vector<16xi1>, vector<16xi32>
      %max3A_371 = arith.maximumf %max3A_356, %get3A_362 : vector<16xf32>
      %select_n3A_372 = arith.select %gt3A_365, %broadcast_in_dim3A_364, %select_n3A_357 : vector<16xi1>, vector<16xi32>
      %add3A_373 = arith.constant 12800 : i32
      %add3A_374 = arith.addi %add3A_373, %mul3A_9 : i32
      %get3A_375 = arith.index_cast %add3A_374 : i32 to index
      %get3A_376 = tpu.vector_load %arg7[%get3A_375] {strides = array<i32>} : memref<32768xf32, #tpu.memory_space<vmem>>, vector<16xf32>,
      %get3A_377 = vector.shape_cast %get3A_376 : vector<16xf32> to vector<16xf32>
      %broadcast_in_dim3A_378 = arith.constant 25 : i32
      %broadcast_in_dim3A_379 = vector.broadcast %broadcast_in_dim3A_378 : i32 to vector<16xi32>
      %gt3A_380 = arith.cmpf ogt, %get3A_377, %max3A_371 : vector<16xf32>
      %gt3A_381 = arith.cmpf ogt, %get3A_377, %max3A_368 : vector<16xf32>
      %min3A_382 = arith.minimumf %get3A_377, %max3A_371 : vector<16xf32>
      %max3A_383 = arith.maximumf %max3A_368, %min3A_382 : vector<16xf32>
      %select_n3A_384 = arith.select %gt3A_381, %broadcast_in_dim3A_379, %select_n3A_370 : vector<16xi1>, vector<16xi32>
      %select_n3A_385 = arith.select %gt3A_380, %select_n3A_372, %select_n3A_384 : vector<16xi1>, vector<16xi32>
      %max3A_386 = arith.maximumf %max3A_371, %get3A_377 : vector<16xf32>
      %select_n3A_387 = arith.select %gt3A_380, %broadcast_in_dim3A_379, %select_n3A_372 : vector<16xi1>, vector<16xi32>
      %add3A_388 = arith.constant 13312 : i32
      %add3A_389 = arith.addi %add3A_388, %mul3A_9 : i32
      %get3A_390 = arith.index_cast %add3A_389 : i32 to index
      %get3A_391 = tpu.vector_load %arg7[%get3A_390] {strides = array<i32>} : memref<32768xf32, #tpu.memory_space<vmem>>, vector<16xf32>,
      %get3A_392 = vector.shape_cast %get3A_391 : vector<16xf32> to vector<16xf32>
      %broadcast_in_dim3A_393 = arith.constant 26 : i32
      %broadcast_in_dim3A_394 = vector.broadcast %broadcast_in_dim3A_393 : i32 to vector<16xi32>
      %gt3A_395 = arith.cmpf ogt, %get3A_392, %max3A_386 : vector<16xf32>
      %gt3A_396 = arith.cmpf ogt, %get3A_392, %max3A_383 : vector<16xf32>
      %min3A_397 = arith.minimumf %get3A_392, %max3A_386 : vector<16xf32>
      %max3A_398 = arith.maximumf %max3A_383, %min3A_397 : vector<16xf32>
      %select_n3A_399 = arith.select %gt3A_396, %broadcast_in_dim3A_394, %select_n3A_385 : vector<16xi1>, vector<16xi32>
      %select_n3A_400 = arith.select %gt3A_395, %select_n3A_387, %select_n3A_399 : vector<16xi1>, vector<16xi32>
      %max3A_401 = arith.maximumf %max3A_386, %get3A_392 : vector<16xf32>
      %select_n3A_402 = arith.select %gt3A_395, %broadcast_in_dim3A_394, %select_n3A_387 : vector<16xi1>, vector<16xi32>
      %add3A_403 = arith.constant 13824 : i32
      %add3A_404 = arith.addi %add3A_403, %mul3A_9 : i32
      %get3A_405 = arith.index_cast %add3A_404 : i32 to index
      %get3A_406 = tpu.vector_load %arg7[%get3A_405] {strides = array<i32>} : memref<32768xf32, #tpu.memory_space<vmem>>, vector<16xf32>,
      %get3A_407 = vector.shape_cast %get3A_406 : vector<16xf32> to vector<16xf32>
      %broadcast_in_dim3A_408 = arith.constant 27 : i32
      %broadcast_in_dim3A_409 = vector.broadcast %broadcast_in_dim3A_408 : i32 to vector<16xi32>
      %gt3A_410 = arith.cmpf ogt, %get3A_407, %max3A_401 : vector<16xf32>
      %gt3A_411 = arith.cmpf ogt, %get3A_407, %max3A_398 : vector<16xf32>
      %min3A_412 = arith.minimumf %get3A_407, %max3A_401 : vector<16xf32>
      %max3A_413 = arith.maximumf %max3A_398, %min3A_412 : vector<16xf32>
      %select_n3A_414 = arith.select %gt3A_411, %broadcast_in_dim3A_409, %select_n3A_400 : vector<16xi1>, vector<16xi32>
      %select_n3A_415 = arith.select %gt3A_410, %select_n3A_402, %select_n3A_414 : vector<16xi1>, vector<16xi32>
      %max3A_416 = arith.maximumf %max3A_401, %get3A_407 : vector<16xf32>
      %select_n3A_417 = arith.select %gt3A_410, %broadcast_in_dim3A_409, %select_n3A_402 : vector<16xi1>, vector<16xi32>
      %add3A_418 = arith.constant 14336 : i32
      %add3A_419 = arith.addi %add3A_418, %mul3A_9 : i32
      %get3A_420 = arith.index_cast %add3A_419 : i32 to index
      %get3A_421 = tpu.vector_load %arg7[%get3A_420] {strides = array<i32>} : memref<32768xf32, #tpu.memory_space<vmem>>, vector<16xf32>,
      %get3A_422 = vector.shape_cast %get3A_421 : vector<16xf32> to vector<16xf32>
      %broadcast_in_dim3A_423 = arith.constant 28 : i32
      %broadcast_in_dim3A_424 = vector.broadcast %broadcast_in_dim3A_423 : i32 to vector<16xi32>
      %gt3A_425 = arith.cmpf ogt, %get3A_422, %max3A_416 : vector<16xf32>
      %gt3A_426 = arith.cmpf ogt, %get3A_422, %max3A_413 : vector<16xf32>
      %min3A_427 = arith.minimumf %get3A_422, %max3A_416 : vector<16xf32>
      %max3A_428 = arith.maximumf %max3A_413, %min3A_427 : vector<16xf32>
      %select_n3A_429 = arith.select %gt3A_426, %broadcast_in_dim3A_424, %select_n3A_415 : vector<16xi1>, vector<16xi32>
      %select_n3A_430 = arith.select %gt3A_425, %select_n3A_417, %select_n3A_429 : vector<16xi1>, vector<16xi32>
      %max3A_431 = arith.maximumf %max3A_416, %get3A_422 : vector<16xf32>
      %select_n3A_432 = arith.select %gt3A_425, %broadcast_in_dim3A_424, %select_n3A_417 : vector<16xi1>, vector<16xi32>
      %add3A_433 = arith.constant 14848 : i32
      %add3A_434 = arith.addi %add3A_433, %mul3A_9 : i32
      %get3A_435 = arith.index_cast %add3A_434 : i32 to index
      %get3A_436 = tpu.vector_load %arg7[%get3A_435] {strides = array<i32>} : memref<32768xf32, #tpu.memory_space<vmem>>, vector<16xf32>,
      %get3A_437 = vector.shape_cast %get3A_436 : vector<16xf32> to vector<16xf32>
      %broadcast_in_dim3A_438 = arith.constant 29 : i32
      %broadcast_in_dim3A_439 = vector.broadcast %broadcast_in_dim3A_438 : i32 to vector<16xi32>
      %gt3A_440 = arith.cmpf ogt, %get3A_437, %max3A_431 : vector<16xf32>
      %gt3A_441 = arith.cmpf ogt, %get3A_437, %max3A_428 : vector<16xf32>
      %min3A_442 = arith.minimumf %get3A_437, %max3A_431 : vector<16xf32>
      %max3A_443 = arith.maximumf %max3A_428, %min3A_442 : vector<16xf32>
      %select_n3A_444 = arith.select %gt3A_441, %broadcast_in_dim3A_439, %select_n3A_430 : vector<16xi1>, vector<16xi32>
      %select_n3A_445 = arith.select %gt3A_440, %select_n3A_432, %select_n3A_444 : vector<16xi1>, vector<16xi32>
      %max3A_446 = arith.maximumf %max3A_431, %get3A_437 : vector<16xf32>
      %select_n3A_447 = arith.select %gt3A_440, %broadcast_in_dim3A_439, %select_n3A_432 : vector<16xi1>, vector<16xi32>
      %add3A_448 = arith.constant 15360 : i32
      %add3A_449 = arith.addi %add3A_448, %mul3A_9 : i32
      %get3A_450 = arith.index_cast %add3A_449 : i32 to index
      %get3A_451 = tpu.vector_load %arg7[%get3A_450] {strides = array<i32>} : memref<32768xf32, #tpu.memory_space<vmem>>, vector<16xf32>,
      %get3A_452 = vector.shape_cast %get3A_451 : vector<16xf32> to vector<16xf32>
      %broadcast_in_dim3A_453 = arith.constant 30 : i32
      %broadcast_in_dim3A_454 = vector.broadcast %broadcast_in_dim3A_453 : i32 to vector<16xi32>
      %gt3A_455 = arith.cmpf ogt, %get3A_452, %max3A_446 : vector<16xf32>
      %gt3A_456 = arith.cmpf ogt, %get3A_452, %max3A_443 : vector<16xf32>
      %min3A_457 = arith.minimumf %get3A_452, %max3A_446 : vector<16xf32>
      %max3A_458 = arith.maximumf %max3A_443, %min3A_457 : vector<16xf32>
      %select_n3A_459 = arith.select %gt3A_456, %broadcast_in_dim3A_454, %select_n3A_445 : vector<16xi1>, vector<16xi32>
      %select_n3A_460 = arith.select %gt3A_455, %select_n3A_447, %select_n3A_459 : vector<16xi1>, vector<16xi32>
      %max3A_461 = arith.maximumf %max3A_446, %get3A_452 : vector<16xf32>
      %select_n3A_462 = arith.select %gt3A_455, %broadcast_in_dim3A_454, %select_n3A_447 : vector<16xi1>, vector<16xi32>
      %add3A_463 = arith.constant 15872 : i32
      %add3A_464 = arith.addi %add3A_463, %mul3A_9 : i32
      %get3A_465 = arith.index_cast %add3A_464 : i32 to index
      %get3A_466 = tpu.vector_load %arg7[%get3A_465] {strides = array<i32>} : memref<32768xf32, #tpu.memory_space<vmem>>, vector<16xf32>,
      %get3A_467 = vector.shape_cast %get3A_466 : vector<16xf32> to vector<16xf32>
      %broadcast_in_dim3A_468 = arith.constant 31 : i32
      %broadcast_in_dim3A_469 = vector.broadcast %broadcast_in_dim3A_468 : i32 to vector<16xi32>
      %gt3A_470 = arith.cmpf ogt, %get3A_467, %max3A_461 : vector<16xf32>
      %gt3A_471 = arith.cmpf ogt, %get3A_467, %max3A_458 : vector<16xf32>
      %min3A_472 = arith.minimumf %get3A_467, %max3A_461 : vector<16xf32>
      %max3A_473 = arith.maximumf %max3A_458, %min3A_472 : vector<16xf32>
      %select_n3A_474 = arith.select %gt3A_471, %broadcast_in_dim3A_469, %select_n3A_460 : vector<16xi1>, vector<16xi32>
      %select_n3A_475 = arith.select %gt3A_470, %select_n3A_462, %select_n3A_474 : vector<16xi1>, vector<16xi32>
      %max3A_476 = arith.maximumf %max3A_461, %get3A_467 : vector<16xf32>
      %select_n3A_477 = arith.select %gt3A_470, %broadcast_in_dim3A_469, %select_n3A_462 : vector<16xi1>, vector<16xi32>
      %add3A_478 = arith.constant 16384 : i32
      %add3A_479 = arith.addi %add3A_478, %mul3A_9 : i32
      %get3A_480 = arith.index_cast %add3A_479 : i32 to index
      %get3A_481 = tpu.vector_load %arg7[%get3A_480] {strides = array<i32>} : memref<32768xf32, #tpu.memory_space<vmem>>, vector<16xf32>,
      %get3A_482 = vector.shape_cast %get3A_481 : vector<16xf32> to vector<16xf32>
      %broadcast_in_dim3A_483 = arith.constant 32 : i32
      %broadcast_in_dim3A_484 = vector.broadcast %broadcast_in_dim3A_483 : i32 to vector<16xi32>
      %gt3A_485 = arith.cmpf ogt, %get3A_482, %max3A_476 : vector<16xf32>
      %gt3A_486 = arith.cmpf ogt, %get3A_482, %max3A_473 : vector<16xf32>
      %min3A_487 = arith.minimumf %get3A_482, %max3A_476 : vector<16xf32>
      %max3A_488 = arith.maximumf %max3A_473, %min3A_487 : vector<16xf32>
      %select_n3A_489 = arith.select %gt3A_486, %broadcast_in_dim3A_484, %select_n3A_475 : vector<16xi1>, vector<16xi32>
      %select_n3A_490 = arith.select %gt3A_485, %select_n3A_477, %select_n3A_489 : vector<16xi1>, vector<16xi32>
      %max3A_491 = arith.maximumf %max3A_476, %get3A_482 : vector<16xf32>
      %select_n3A_492 = arith.select %gt3A_485, %broadcast_in_dim3A_484, %select_n3A_477 : vector<16xi1>, vector<16xi32>
      %add3A_493 = arith.constant 16896 : i32
      %add3A_494 = arith.addi %add3A_493, %mul3A_9 : i32
      %get3A_495 = arith.index_cast %add3A_494 : i32 to index
      %get3A_496 = tpu.vector_load %arg7[%get3A_495] {strides = array<i32>} : memref<32768xf32, #tpu.memory_space<vmem>>, vector<16xf32>,
      %get3A_497 = vector.shape_cast %get3A_496 : vector<16xf32> to vector<16xf32>
      %broadcast_in_dim3A_498 = arith.constant 33 : i32
      %broadcast_in_dim3A_499 = vector.broadcast %broadcast_in_dim3A_498 : i32 to vector<16xi32>
      %gt3A_500 = arith.cmpf ogt, %get3A_497, %max3A_491 : vector<16xf32>
      %gt3A_501 = arith.cmpf ogt, %get3A_497, %max3A_488 : vector<16xf32>
      %min3A_502 = arith.minimumf %get3A_497, %max3A_491 : vector<16xf32>
      %max3A_503 = arith.maximumf %max3A_488, %min3A_502 : vector<16xf32>
      %select_n3A_504 = arith.select %gt3A_501, %broadcast_in_dim3A_499, %select_n3A_490 : vector<16xi1>, vector<16xi32>
      %select_n3A_505 = arith.select %gt3A_500, %select_n3A_492, %select_n3A_504 : vector<16xi1>, vector<16xi32>
      %max3A_506 = arith.maximumf %max3A_491, %get3A_497 : vector<16xf32>
      %select_n3A_507 = arith.select %gt3A_500, %broadcast_in_dim3A_499, %select_n3A_492 : vector<16xi1>, vector<16xi32>
      %add3A_508 = arith.constant 17408 : i32
      %add3A_509 = arith.addi %add3A_508, %mul3A_9 : i32
      %get3A_510 = arith.index_cast %add3A_509 : i32 to index
      %get3A_511 = tpu.vector_load %arg7[%get3A_510] {strides = array<i32>} : memref<32768xf32, #tpu.memory_space<vmem>>, vector<16xf32>,
      %get3A_512 = vector.shape_cast %get3A_511 : vector<16xf32> to vector<16xf32>
      %broadcast_in_dim3A_513 = arith.constant 34 : i32
      %broadcast_in_dim3A_514 = vector.broadcast %broadcast_in_dim3A_513 : i32 to vector<16xi32>
      %gt3A_515 = arith.cmpf ogt, %get3A_512, %max3A_506 : vector<16xf32>
      %gt3A_516 = arith.cmpf ogt, %get3A_512, %max3A_503 : vector<16xf32>
      %min3A_517 = arith.minimumf %get3A_512, %max3A_506 : vector<16xf32>
      %max3A_518 = arith.maximumf %max3A_503, %min3A_517 : vector<16xf32>
      %select_n3A_519 = arith.select %gt3A_516, %broadcast_in_dim3A_514, %select_n3A_505 : vector<16xi1>, vector<16xi32>
      %select_n3A_520 = arith.select %gt3A_515, %select_n3A_507, %select_n3A_519 : vector<16xi1>, vector<16xi32>
      %max3A_521 = arith.maximumf %max3A_506, %get3A_512 : vector<16xf32>
      %select_n3A_522 = arith.select %gt3A_515, %broadcast_in_dim3A_514, %select_n3A_507 : vector<16xi1>, vector<16xi32>
      %add3A_523 = arith.constant 17920 : i32
      %add3A_524 = arith.addi %add3A_523, %mul3A_9 : i32
      %get3A_525 = arith.index_cast %add3A_524 : i32 to index
      %get3A_526 = tpu.vector_load %arg7[%get3A_525] {strides = array<i32>} : memref<32768xf32, #tpu.memory_space<vmem>>, vector<16xf32>,
      %get3A_527 = vector.shape_cast %get3A_526 : vector<16xf32> to vector<16xf32>
      %broadcast_in_dim3A_528 = arith.constant 35 : i32
      %broadcast_in_dim3A_529 = vector.broadcast %broadcast_in_dim3A_528 : i32 to vector<16xi32>
      %gt3A_530 = arith.cmpf ogt, %get3A_527, %max3A_521 : vector<16xf32>
      %gt3A_531 = arith.cmpf ogt, %get3A_527, %max3A_518 : vector<16xf32>
      %min3A_532 = arith.minimumf %get3A_527, %max3A_521 : vector<16xf32>
      %max3A_533 = arith.maximumf %max3A_518, %min3A_532 : vector<16xf32>
      %select_n3A_534 = arith.select %gt3A_531, %broadcast_in_dim3A_529, %select_n3A_520 : vector<16xi1>, vector<16xi32>
      %select_n3A_535 = arith.select %gt3A_530, %select_n3A_522, %select_n3A_534 : vector<16xi1>, vector<16xi32>
      %max3A_536 = arith.maximumf %max3A_521, %get3A_527 : vector<16xf32>
      %select_n3A_537 = arith.select %gt3A_530, %broadcast_in_dim3A_529, %select_n3A_522 : vector<16xi1>, vector<16xi32>
      %add3A_538 = arith.constant 18432 : i32
      %add3A_539 = arith.addi %add3A_538, %mul3A_9 : i32
      %get3A_540 = arith.index_cast %add3A_539 : i32 to index
      %get3A_541 = tpu.vector_load %arg7[%get3A_540] {strides = array<i32>} : memref<32768xf32, #tpu.memory_space<vmem>>, vector<16xf32>,
      %get3A_542 = vector.shape_cast %get3A_541 : vector<16xf32> to vector<16xf32>
      %broadcast_in_dim3A_543 = arith.constant 36 : i32
      %broadcast_in_dim3A_544 = vector.broadcast %broadcast_in_dim3A_543 : i32 to vector<16xi32>
      %gt3A_545 = arith.cmpf ogt, %get3A_542, %max3A_536 : vector<16xf32>
      %gt3A_546 = arith.cmpf ogt, %get3A_542, %max3A_533 : vector<16xf32>
      %min3A_547 = arith.minimumf %get3A_542, %max3A_536 : vector<16xf32>
      %max3A_548 = arith.maximumf %max3A_533, %min3A_547 : vector<16xf32>
      %select_n3A_549 = arith.select %gt3A_546, %broadcast_in_dim3A_544, %select_n3A_535 : vector<16xi1>, vector<16xi32>
      %select_n3A_550 = arith.select %gt3A_545, %select_n3A_537, %select_n3A_549 : vector<16xi1>, vector<16xi32>
      %max3A_551 = arith.maximumf %max3A_536, %get3A_542 : vector<16xf32>
      %select_n3A_552 = arith.select %gt3A_545, %broadcast_in_dim3A_544, %select_n3A_537 : vector<16xi1>, vector<16xi32>
      %add3A_553 = arith.constant 18944 : i32
      %add3A_554 = arith.addi %add3A_553, %mul3A_9 : i32
      %get3A_555 = arith.index_cast %add3A_554 : i32 to index
      %get3A_556 = tpu.vector_load %arg7[%get3A_555] {strides = array<i32>} : memref<32768xf32, #tpu.memory_space<vmem>>, vector<16xf32>,
      %get3A_557 = vector.shape_cast %get3A_556 : vector<16xf32> to vector<16xf32>
      %broadcast_in_dim3A_558 = arith.constant 37 : i32
      %broadcast_in_dim3A_559 = vector.broadcast %broadcast_in_dim3A_558 : i32 to vector<16xi32>
      %gt3A_560 = arith.cmpf ogt, %get3A_557, %max3A_551 : vector<16xf32>
      %gt3A_561 = arith.cmpf ogt, %get3A_557, %max3A_548 : vector<16xf32>
      %min3A_562 = arith.minimumf %get3A_557, %max3A_551 : vector<16xf32>
      %max3A_563 = arith.maximumf %max3A_548, %min3A_562 : vector<16xf32>
      %select_n3A_564 = arith.select %gt3A_561, %broadcast_in_dim3A_559, %select_n3A_550 : vector<16xi1>, vector<16xi32>
      %select_n3A_565 = arith.select %gt3A_560, %select_n3A_552, %select_n3A_564 : vector<16xi1>, vector<16xi32>
      %max3A_566 = arith.maximumf %max3A_551, %get3A_557 : vector<16xf32>
      %select_n3A_567 = arith.select %gt3A_560, %broadcast_in_dim3A_559, %select_n3A_552 : vector<16xi1>, vector<16xi32>
      %add3A_568 = arith.constant 19456 : i32
      %add3A_569 = arith.addi %add3A_568, %mul3A_9 : i32
      %get3A_570 = arith.index_cast %add3A_569 : i32 to index
      %get3A_571 = tpu.vector_load %arg7[%get3A_570] {strides = array<i32>} : memref<32768xf32, #tpu.memory_space<vmem>>, vector<16xf32>,
      %get3A_572 = vector.shape_cast %get3A_571 : vector<16xf32> to vector<16xf32>
      %broadcast_in_dim3A_573 = arith.constant 38 : i32
      %broadcast_in_dim3A_574 = vector.broadcast %broadcast_in_dim3A_573 : i32 to vector<16xi32>
      %gt3A_575 = arith.cmpf ogt, %get3A_572, %max3A_566 : vector<16xf32>
      %gt3A_576 = arith.cmpf ogt, %get3A_572, %max3A_563 : vector<16xf32>
      %min3A_577 = arith.minimumf %get3A_572, %max3A_566 : vector<16xf32>
      %max3A_578 = arith.maximumf %max3A_563, %min3A_577 : vector<16xf32>
      %select_n3A_579 = arith.select %gt3A_576, %broadcast_in_dim3A_574, %select_n3A_565 : vector<16xi1>, vector<16xi32>
      %select_n3A_580 = arith.select %gt3A_575, %select_n3A_567, %select_n3A_579 : vector<16xi1>, vector<16xi32>
      %max3A_581 = arith.maximumf %max3A_566, %get3A_572 : vector<16xf32>
      %select_n3A_582 = arith.select %gt3A_575, %broadcast_in_dim3A_574, %select_n3A_567 : vector<16xi1>, vector<16xi32>
      %add3A_583 = arith.constant 19968 : i32
      %add3A_584 = arith.addi %add3A_583, %mul3A_9 : i32
      %get3A_585 = arith.index_cast %add3A_584 : i32 to index
      %get3A_586 = tpu.vector_load %arg7[%get3A_585] {strides = array<i32>} : memref<32768xf32, #tpu.memory_space<vmem>>, vector<16xf32>,
      %get3A_587 = vector.shape_cast %get3A_586 : vector<16xf32> to vector<16xf32>
      %broadcast_in_dim3A_588 = arith.constant 39 : i32
      %broadcast_in_dim3A_589 = vector.broadcast %broadcast_in_dim3A_588 : i32 to vector<16xi32>
      %gt3A_590 = arith.cmpf ogt, %get3A_587, %max3A_581 : vector<16xf32>
      %gt3A_591 = arith.cmpf ogt, %get3A_587, %max3A_578 : vector<16xf32>
      %min3A_592 = arith.minimumf %get3A_587, %max3A_581 : vector<16xf32>
      %max3A_593 = arith.maximumf %max3A_578, %min3A_592 : vector<16xf32>
      %select_n3A_594 = arith.select %gt3A_591, %broadcast_in_dim3A_589, %select_n3A_580 : vector<16xi1>, vector<16xi32>
      %select_n3A_595 = arith.select %gt3A_590, %select_n3A_582, %select_n3A_594 : vector<16xi1>, vector<16xi32>
      %max3A_596 = arith.maximumf %max3A_581, %get3A_587 : vector<16xf32>
      %select_n3A_597 = arith.select %gt3A_590, %broadcast_in_dim3A_589, %select_n3A_582 : vector<16xi1>, vector<16xi32>
      %add3A_598 = arith.constant 20480 : i32
      %add3A_599 = arith.addi %add3A_598, %mul3A_9 : i32
      %get3A_600 = arith.index_cast %add3A_599 : i32 to index
      %get3A_601 = tpu.vector_load %arg7[%get3A_600] {strides = array<i32>} : memref<32768xf32, #tpu.memory_space<vmem>>, vector<16xf32>,
      %get3A_602 = vector.shape_cast %get3A_601 : vector<16xf32> to vector<16xf32>
      %broadcast_in_dim3A_603 = arith.constant 40 : i32
      %broadcast_in_dim3A_604 = vector.broadcast %broadcast_in_dim3A_603 : i32 to vector<16xi32>
      %gt3A_605 = arith.cmpf ogt, %get3A_602, %max3A_596 : vector<16xf32>
      %gt3A_606 = arith.cmpf ogt, %get3A_602, %max3A_593 : vector<16xf32>
      %min3A_607 = arith.minimumf %get3A_602, %max3A_596 : vector<16xf32>
      %max3A_608 = arith.maximumf %max3A_593, %min3A_607 : vector<16xf32>
      %select_n3A_609 = arith.select %gt3A_606, %broadcast_in_dim3A_604, %select_n3A_595 : vector<16xi1>, vector<16xi32>
      %select_n3A_610 = arith.select %gt3A_605, %select_n3A_597, %select_n3A_609 : vector<16xi1>, vector<16xi32>
      %max3A_611 = arith.maximumf %max3A_596, %get3A_602 : vector<16xf32>
      %select_n3A_612 = arith.select %gt3A_605, %broadcast_in_dim3A_604, %select_n3A_597 : vector<16xi1>, vector<16xi32>
      %add3A_613 = arith.constant 20992 : i32
      %add3A_614 = arith.addi %add3A_613, %mul3A_9 : i32
      %get3A_615 = arith.index_cast %add3A_614 : i32 to index
      %get3A_616 = tpu.vector_load %arg7[%get3A_615] {strides = array<i32>} : memref<32768xf32, #tpu.memory_space<vmem>>, vector<16xf32>,
      %get3A_617 = vector.shape_cast %get3A_616 : vector<16xf32> to vector<16xf32>
      %broadcast_in_dim3A_618 = arith.constant 41 : i32
      %broadcast_in_dim3A_619 = vector.broadcast %broadcast_in_dim3A_618 : i32 to vector<16xi32>
      %gt3A_620 = arith.cmpf ogt, %get3A_617, %max3A_611 : vector<16xf32>
      %gt3A_621 = arith.cmpf ogt, %get3A_617, %max3A_608 : vector<16xf32>
      %min3A_622 = arith.minimumf %get3A_617, %max3A_611 : vector<16xf32>
      %max3A_623 = arith.maximumf %max3A_608, %min3A_622 : vector<16xf32>
      %select_n3A_624 = arith.select %gt3A_621, %broadcast_in_dim3A_619, %select_n3A_610 : vector<16xi1>, vector<16xi32>
      %select_n3A_625 = arith.select %gt3A_620, %select_n3A_612, %select_n3A_624 : vector<16xi1>, vector<16xi32>
      %max3A_626 = arith.maximumf %max3A_611, %get3A_617 : vector<16xf32>
      %select_n3A_627 = arith.select %gt3A_620, %broadcast_in_dim3A_619, %select_n3A_612 : vector<16xi1>, vector<16xi32>
      %add3A_628 = arith.constant 21504 : i32
      %add3A_629 = arith.addi %add3A_628, %mul3A_9 : i32
      %get3A_630 = arith.index_cast %add3A_629 : i32 to index
      %get3A_631 = tpu.vector_load %arg7[%get3A_630] {strides = array<i32>} : memref<32768xf32, #tpu.memory_space<vmem>>, vector<16xf32>,
      %get3A_632 = vector.shape_cast %get3A_631 : vector<16xf32> to vector<16xf32>
      %broadcast_in_dim3A_633 = arith.constant 42 : i32
      %broadcast_in_dim3A_634 = vector.broadcast %broadcast_in_dim3A_633 : i32 to vector<16xi32>
      %gt3A_635 = arith.cmpf ogt, %get3A_632, %max3A_626 : vector<16xf32>
      %gt3A_636 = arith.cmpf ogt, %get3A_632, %max3A_623 : vector<16xf32>
      %min3A_637 = arith.minimumf %get3A_632, %max3A_626 : vector<16xf32>
      %max3A_638 = arith.maximumf %max3A_623, %min3A_637 : vector<16xf32>
      %select_n3A_639 = arith.select %gt3A_636, %broadcast_in_dim3A_634, %select_n3A_625 : vector<16xi1>, vector<16xi32>
      %select_n3A_640 = arith.select %gt3A_635, %select_n3A_627, %select_n3A_639 : vector<16xi1>, vector<16xi32>
      %max3A_641 = arith.maximumf %max3A_626, %get3A_632 : vector<16xf32>
      %select_n3A_642 = arith.select %gt3A_635, %broadcast_in_dim3A_634, %select_n3A_627 : vector<16xi1>, vector<16xi32>
      %add3A_643 = arith.constant 22016 : i32
      %add3A_644 = arith.addi %add3A_643, %mul3A_9 : i32
      %get3A_645 = arith.index_cast %add3A_644 : i32 to index
      %get3A_646 = tpu.vector_load %arg7[%get3A_645] {strides = array<i32>} : memref<32768xf32, #tpu.memory_space<vmem>>, vector<16xf32>,
      %get3A_647 = vector.shape_cast %get3A_646 : vector<16xf32> to vector<16xf32>
      %broadcast_in_dim3A_648 = arith.constant 43 : i32
      %broadcast_in_dim3A_649 = vector.broadcast %broadcast_in_dim3A_648 : i32 to vector<16xi32>
      %gt3A_650 = arith.cmpf ogt, %get3A_647, %max3A_641 : vector<16xf32>
      %gt3A_651 = arith.cmpf ogt, %get3A_647, %max3A_638 : vector<16xf32>
      %min3A_652 = arith.minimumf %get3A_647, %max3A_641 : vector<16xf32>
      %max3A_653 = arith.maximumf %max3A_638, %min3A_652 : vector<16xf32>
      %select_n3A_654 = arith.select %gt3A_651, %broadcast_in_dim3A_649, %select_n3A_640 : vector<16xi1>, vector<16xi32>
      %select_n3A_655 = arith.select %gt3A_650, %select_n3A_642, %select_n3A_654 : vector<16xi1>, vector<16xi32>
      %max3A_656 = arith.maximumf %max3A_641, %get3A_647 : vector<16xf32>
      %select_n3A_657 = arith.select %gt3A_650, %broadcast_in_dim3A_649, %select_n3A_642 : vector<16xi1>, vector<16xi32>
      %add3A_658 = arith.constant 22528 : i32
      %add3A_659 = arith.addi %add3A_658, %mul3A_9 : i32
      %get3A_660 = arith.index_cast %add3A_659 : i32 to index
      %get3A_661 = tpu.vector_load %arg7[%get3A_660] {strides = array<i32>} : memref<32768xf32, #tpu.memory_space<vmem>>, vector<16xf32>,
      %get3A_662 = vector.shape_cast %get3A_661 : vector<16xf32> to vector<16xf32>
      %broadcast_in_dim3A_663 = arith.constant 44 : i32
      %broadcast_in_dim3A_664 = vector.broadcast %broadcast_in_dim3A_663 : i32 to vector<16xi32>
      %gt3A_665 = arith.cmpf ogt, %get3A_662, %max3A_656 : vector<16xf32>
      %gt3A_666 = arith.cmpf ogt, %get3A_662, %max3A_653 : vector<16xf32>
      %min3A_667 = arith.minimumf %get3A_662, %max3A_656 : vector<16xf32>
      %max3A_668 = arith.maximumf %max3A_653, %min3A_667 : vector<16xf32>
      %select_n3A_669 = arith.select %gt3A_666, %broadcast_in_dim3A_664, %select_n3A_655 : vector<16xi1>, vector<16xi32>
      %select_n3A_670 = arith.select %gt3A_665, %select_n3A_657, %select_n3A_669 : vector<16xi1>, vector<16xi32>
      %max3A_671 = arith.maximumf %max3A_656, %get3A_662 : vector<16xf32>
      %select_n3A_672 = arith.select %gt3A_665, %broadcast_in_dim3A_664, %select_n3A_657 : vector<16xi1>, vector<16xi32>
      %add3A_673 = arith.constant 23040 : i32
      %add3A_674 = arith.addi %add3A_673, %mul3A_9 : i32
      %get3A_675 = arith.index_cast %add3A_674 : i32 to index
      %get3A_676 = tpu.vector_load %arg7[%get3A_675] {strides = array<i32>} : memref<32768xf32, #tpu.memory_space<vmem>>, vector<16xf32>,
      %get3A_677 = vector.shape_cast %get3A_676 : vector<16xf32> to vector<16xf32>
      %broadcast_in_dim3A_678 = arith.constant 45 : i32
      %broadcast_in_dim3A_679 = vector.broadcast %broadcast_in_dim3A_678 : i32 to vector<16xi32>
      %gt3A_680 = arith.cmpf ogt, %get3A_677, %max3A_671 : vector<16xf32>
      %gt3A_681 = arith.cmpf ogt, %get3A_677, %max3A_668 : vector<16xf32>
      %min3A_682 = arith.minimumf %get3A_677, %max3A_671 : vector<16xf32>
      %max3A_683 = arith.maximumf %max3A_668, %min3A_682 : vector<16xf32>
      %select_n3A_684 = arith.select %gt3A_681, %broadcast_in_dim3A_679, %select_n3A_670 : vector<16xi1>, vector<16xi32>
      %select_n3A_685 = arith.select %gt3A_680, %select_n3A_672, %select_n3A_684 : vector<16xi1>, vector<16xi32>
      %max3A_686 = arith.maximumf %max3A_671, %get3A_677 : vector<16xf32>
      %select_n3A_687 = arith.select %gt3A_680, %broadcast_in_dim3A_679, %select_n3A_672 : vector<16xi1>, vector<16xi32>
      %add3A_688 = arith.constant 23552 : i32
      %add3A_689 = arith.addi %add3A_688, %mul3A_9 : i32
      %get3A_690 = arith.index_cast %add3A_689 : i32 to index
      %get3A_691 = tpu.vector_load %arg7[%get3A_690] {strides = array<i32>} : memref<32768xf32, #tpu.memory_space<vmem>>, vector<16xf32>,
      %get3A_692 = vector.shape_cast %get3A_691 : vector<16xf32> to vector<16xf32>
      %broadcast_in_dim3A_693 = arith.constant 46 : i32
      %broadcast_in_dim3A_694 = vector.broadcast %broadcast_in_dim3A_693 : i32 to vector<16xi32>
      %gt3A_695 = arith.cmpf ogt, %get3A_692, %max3A_686 : vector<16xf32>
      %gt3A_696 = arith.cmpf ogt, %get3A_692, %max3A_683 : vector<16xf32>
      %min3A_697 = arith.minimumf %get3A_692, %max3A_686 : vector<16xf32>
      %max3A_698 = arith.maximumf %max3A_683, %min3A_697 : vector<16xf32>
      %select_n3A_699 = arith.select %gt3A_696, %broadcast_in_dim3A_694, %select_n3A_685 : vector<16xi1>, vector<16xi32>
      %select_n3A_700 = arith.select %gt3A_695, %select_n3A_687, %select_n3A_699 : vector<16xi1>, vector<16xi32>
      %max3A_701 = arith.maximumf %max3A_686, %get3A_692 : vector<16xf32>
      %select_n3A_702 = arith.select %gt3A_695, %broadcast_in_dim3A_694, %select_n3A_687 : vector<16xi1>, vector<16xi32>
      %add3A_703 = arith.constant 24064 : i32
      %add3A_704 = arith.addi %add3A_703, %mul3A_9 : i32
      %get3A_705 = arith.index_cast %add3A_704 : i32 to index
      %get3A_706 = tpu.vector_load %arg7[%get3A_705] {strides = array<i32>} : memref<32768xf32, #tpu.memory_space<vmem>>, vector<16xf32>,
      %get3A_707 = vector.shape_cast %get3A_706 : vector<16xf32> to vector<16xf32>
      %broadcast_in_dim3A_708 = arith.constant 47 : i32
      %broadcast_in_dim3A_709 = vector.broadcast %broadcast_in_dim3A_708 : i32 to vector<16xi32>
      %gt3A_710 = arith.cmpf ogt, %get3A_707, %max3A_701 : vector<16xf32>
      %gt3A_711 = arith.cmpf ogt, %get3A_707, %max3A_698 : vector<16xf32>
      %min3A_712 = arith.minimumf %get3A_707, %max3A_701 : vector<16xf32>
      %max3A_713 = arith.maximumf %max3A_698, %min3A_712 : vector<16xf32>
      %select_n3A_714 = arith.select %gt3A_711, %broadcast_in_dim3A_709, %select_n3A_700 : vector<16xi1>, vector<16xi32>
      %select_n3A_715 = arith.select %gt3A_710, %select_n3A_702, %select_n3A_714 : vector<16xi1>, vector<16xi32>
      %max3A_716 = arith.maximumf %max3A_701, %get3A_707 : vector<16xf32>
      %select_n3A_717 = arith.select %gt3A_710, %broadcast_in_dim3A_709, %select_n3A_702 : vector<16xi1>, vector<16xi32>
      %add3A_718 = arith.constant 24576 : i32
      %add3A_719 = arith.addi %add3A_718, %mul3A_9 : i32
      %get3A_720 = arith.index_cast %add3A_719 : i32 to index
      %get3A_721 = tpu.vector_load %arg7[%get3A_720] {strides = array<i32>} : memref<32768xf32, #tpu.memory_space<vmem>>, vector<16xf32>,
      %get3A_722 = vector.shape_cast %get3A_721 : vector<16xf32> to vector<16xf32>
      %broadcast_in_dim3A_723 = arith.constant 48 : i32
      %broadcast_in_dim3A_724 = vector.broadcast %broadcast_in_dim3A_723 : i32 to vector<16xi32>
      %gt3A_725 = arith.cmpf ogt, %get3A_722, %max3A_716 : vector<16xf32>
      %gt3A_726 = arith.cmpf ogt, %get3A_722, %max3A_713 : vector<16xf32>
      %min3A_727 = arith.minimumf %get3A_722, %max3A_716 : vector<16xf32>
      %max3A_728 = arith.maximumf %max3A_713, %min3A_727 : vector<16xf32>
      %select_n3A_729 = arith.select %gt3A_726, %broadcast_in_dim3A_724, %select_n3A_715 : vector<16xi1>, vector<16xi32>
      %select_n3A_730 = arith.select %gt3A_725, %select_n3A_717, %select_n3A_729 : vector<16xi1>, vector<16xi32>
      %max3A_731 = arith.maximumf %max3A_716, %get3A_722 : vector<16xf32>
      %select_n3A_732 = arith.select %gt3A_725, %broadcast_in_dim3A_724, %select_n3A_717 : vector<16xi1>, vector<16xi32>
      %add3A_733 = arith.constant 25088 : i32
      %add3A_734 = arith.addi %add3A_733, %mul3A_9 : i32
      %get3A_735 = arith.index_cast %add3A_734 : i32 to index
      %get3A_736 = tpu.vector_load %arg7[%get3A_735] {strides = array<i32>} : memref<32768xf32, #tpu.memory_space<vmem>>, vector<16xf32>,
      %get3A_737 = vector.shape_cast %get3A_736 : vector<16xf32> to vector<16xf32>
      %broadcast_in_dim3A_738 = arith.constant 49 : i32
      %broadcast_in_dim3A_739 = vector.broadcast %broadcast_in_dim3A_738 : i32 to vector<16xi32>
      %gt3A_740 = arith.cmpf ogt, %get3A_737, %max3A_731 : vector<16xf32>
      %gt3A_741 = arith.cmpf ogt, %get3A_737, %max3A_728 : vector<16xf32>
      %min3A_742 = arith.minimumf %get3A_737, %max3A_731 : vector<16xf32>
      %max3A_743 = arith.maximumf %max3A_728, %min3A_742 : vector<16xf32>
      %select_n3A_744 = arith.select %gt3A_741, %broadcast_in_dim3A_739, %select_n3A_730 : vector<16xi1>, vector<16xi32>
      %select_n3A_745 = arith.select %gt3A_740, %select_n3A_732, %select_n3A_744 : vector<16xi1>, vector<16xi32>
      %max3A_746 = arith.maximumf %max3A_731, %get3A_737 : vector<16xf32>
      %select_n3A_747 = arith.select %gt3A_740, %broadcast_in_dim3A_739, %select_n3A_732 : vector<16xi1>, vector<16xi32>
      %add3A_748 = arith.constant 25600 : i32
      %add3A_749 = arith.addi %add3A_748, %mul3A_9 : i32
      %get3A_750 = arith.index_cast %add3A_749 : i32 to index
      %get3A_751 = tpu.vector_load %arg7[%get3A_750] {strides = array<i32>} : memref<32768xf32, #tpu.memory_space<vmem>>, vector<16xf32>,
      %get3A_752 = vector.shape_cast %get3A_751 : vector<16xf32> to vector<16xf32>
      %broadcast_in_dim3A_753 = arith.constant 50 : i32
      %broadcast_in_dim3A_754 = vector.broadcast %broadcast_in_dim3A_753 : i32 to vector<16xi32>
      %gt3A_755 = arith.cmpf ogt, %get3A_752, %max3A_746 : vector<16xf32>
      %gt3A_756 = arith.cmpf ogt, %get3A_752, %max3A_743 : vector<16xf32>
      %min3A_757 = arith.minimumf %get3A_752, %max3A_746 : vector<16xf32>
      %max3A_758 = arith.maximumf %max3A_743, %min3A_757 : vector<16xf32>
      %select_n3A_759 = arith.select %gt3A_756, %broadcast_in_dim3A_754, %select_n3A_745 : vector<16xi1>, vector<16xi32>
      %select_n3A_760 = arith.select %gt3A_755, %select_n3A_747, %select_n3A_759 : vector<16xi1>, vector<16xi32>
      %max3A_761 = arith.maximumf %max3A_746, %get3A_752 : vector<16xf32>
      %select_n3A_762 = arith.select %gt3A_755, %broadcast_in_dim3A_754, %select_n3A_747 : vector<16xi1>, vector<16xi32>
      %add3A_763 = arith.constant 26112 : i32
      %add3A_764 = arith.addi %add3A_763, %mul3A_9 : i32
      %get3A_765 = arith.index_cast %add3A_764 : i32 to index
      %get3A_766 = tpu.vector_load %arg7[%get3A_765] {strides = array<i32>} : memref<32768xf32, #tpu.memory_space<vmem>>, vector<16xf32>,
      %get3A_767 = vector.shape_cast %get3A_766 : vector<16xf32> to vector<16xf32>
      %broadcast_in_dim3A_768 = arith.constant 51 : i32
      %broadcast_in_dim3A_769 = vector.broadcast %broadcast_in_dim3A_768 : i32 to vector<16xi32>
      %gt3A_770 = arith.cmpf ogt, %get3A_767, %max3A_761 : vector<16xf32>
      %gt3A_771 = arith.cmpf ogt, %get3A_767, %max3A_758 : vector<16xf32>
      %min3A_772 = arith.minimumf %get3A_767, %max3A_761 : vector<16xf32>
      %max3A_773 = arith.maximumf %max3A_758, %min3A_772 : vector<16xf32>
      %select_n3A_774 = arith.select %gt3A_771, %broadcast_in_dim3A_769, %select_n3A_760 : vector<16xi1>, vector<16xi32>
      %select_n3A_775 = arith.select %gt3A_770, %select_n3A_762, %select_n3A_774 : vector<16xi1>, vector<16xi32>
      %max3A_776 = arith.maximumf %max3A_761, %get3A_767 : vector<16xf32>
      %select_n3A_777 = arith.select %gt3A_770, %broadcast_in_dim3A_769, %select_n3A_762 : vector<16xi1>, vector<16xi32>
      %add3A_778 = arith.constant 26624 : i32
      %add3A_779 = arith.addi %add3A_778, %mul3A_9 : i32
      %get3A_780 = arith.index_cast %add3A_779 : i32 to index
      %get3A_781 = tpu.vector_load %arg7[%get3A_780] {strides = array<i32>} : memref<32768xf32, #tpu.memory_space<vmem>>, vector<16xf32>,
      %get3A_782 = vector.shape_cast %get3A_781 : vector<16xf32> to vector<16xf32>
      %broadcast_in_dim3A_783 = arith.constant 52 : i32
      %broadcast_in_dim3A_784 = vector.broadcast %broadcast_in_dim3A_783 : i32 to vector<16xi32>
      %gt3A_785 = arith.cmpf ogt, %get3A_782, %max3A_776 : vector<16xf32>
      %gt3A_786 = arith.cmpf ogt, %get3A_782, %max3A_773 : vector<16xf32>
      %min3A_787 = arith.minimumf %get3A_782, %max3A_776 : vector<16xf32>
      %max3A_788 = arith.maximumf %max3A_773, %min3A_787 : vector<16xf32>
      %select_n3A_789 = arith.select %gt3A_786, %broadcast_in_dim3A_784, %select_n3A_775 : vector<16xi1>, vector<16xi32>
      %select_n3A_790 = arith.select %gt3A_785, %select_n3A_777, %select_n3A_789 : vector<16xi1>, vector<16xi32>
      %max3A_791 = arith.maximumf %max3A_776, %get3A_782 : vector<16xf32>
      %select_n3A_792 = arith.select %gt3A_785, %broadcast_in_dim3A_784, %select_n3A_777 : vector<16xi1>, vector<16xi32>
      %add3A_793 = arith.constant 27136 : i32
      %add3A_794 = arith.addi %add3A_793, %mul3A_9 : i32
      %get3A_795 = arith.index_cast %add3A_794 : i32 to index
      %get3A_796 = tpu.vector_load %arg7[%get3A_795] {strides = array<i32>} : memref<32768xf32, #tpu.memory_space<vmem>>, vector<16xf32>,
      %get3A_797 = vector.shape_cast %get3A_796 : vector<16xf32> to vector<16xf32>
      %broadcast_in_dim3A_798 = arith.constant 53 : i32
      %broadcast_in_dim3A_799 = vector.broadcast %broadcast_in_dim3A_798 : i32 to vector<16xi32>
      %gt3A_800 = arith.cmpf ogt, %get3A_797, %max3A_791 : vector<16xf32>
      %gt3A_801 = arith.cmpf ogt, %get3A_797, %max3A_788 : vector<16xf32>
      %min3A_802 = arith.minimumf %get3A_797, %max3A_791 : vector<16xf32>
      %max3A_803 = arith.maximumf %max3A_788, %min3A_802 : vector<16xf32>
      %select_n3A_804 = arith.select %gt3A_801, %broadcast_in_dim3A_799, %select_n3A_790 : vector<16xi1>, vector<16xi32>
      %select_n3A_805 = arith.select %gt3A_800, %select_n3A_792, %select_n3A_804 : vector<16xi1>, vector<16xi32>
      %max3A_806 = arith.maximumf %max3A_791, %get3A_797 : vector<16xf32>
      %select_n3A_807 = arith.select %gt3A_800, %broadcast_in_dim3A_799, %select_n3A_792 : vector<16xi1>, vector<16xi32>
      %add3A_808 = arith.constant 27648 : i32
      %add3A_809 = arith.addi %add3A_808, %mul3A_9 : i32
      %get3A_810 = arith.index_cast %add3A_809 : i32 to index
      %get3A_811 = tpu.vector_load %arg7[%get3A_810] {strides = array<i32>} : memref<32768xf32, #tpu.memory_space<vmem>>, vector<16xf32>,
      %get3A_812 = vector.shape_cast %get3A_811 : vector<16xf32> to vector<16xf32>
      %broadcast_in_dim3A_813 = arith.constant 54 : i32
      %broadcast_in_dim3A_814 = vector.broadcast %broadcast_in_dim3A_813 : i32 to vector<16xi32>
      %gt3A_815 = arith.cmpf ogt, %get3A_812, %max3A_806 : vector<16xf32>
      %gt3A_816 = arith.cmpf ogt, %get3A_812, %max3A_803 : vector<16xf32>
      %min3A_817 = arith.minimumf %get3A_812, %max3A_806 : vector<16xf32>
      %max3A_818 = arith.maximumf %max3A_803, %min3A_817 : vector<16xf32>
      %select_n3A_819 = arith.select %gt3A_816, %broadcast_in_dim3A_814, %select_n3A_805 : vector<16xi1>, vector<16xi32>
      %select_n3A_820 = arith.select %gt3A_815, %select_n3A_807, %select_n3A_819 : vector<16xi1>, vector<16xi32>
      %max3A_821 = arith.maximumf %max3A_806, %get3A_812 : vector<16xf32>
      %select_n3A_822 = arith.select %gt3A_815, %broadcast_in_dim3A_814, %select_n3A_807 : vector<16xi1>, vector<16xi32>
      %add3A_823 = arith.constant 28160 : i32
      %add3A_824 = arith.addi %add3A_823, %mul3A_9 : i32
      %get3A_825 = arith.index_cast %add3A_824 : i32 to index
      %get3A_826 = tpu.vector_load %arg7[%get3A_825] {strides = array<i32>} : memref<32768xf32, #tpu.memory_space<vmem>>, vector<16xf32>,
      %get3A_827 = vector.shape_cast %get3A_826 : vector<16xf32> to vector<16xf32>
      %broadcast_in_dim3A_828 = arith.constant 55 : i32
      %broadcast_in_dim3A_829 = vector.broadcast %broadcast_in_dim3A_828 : i32 to vector<16xi32>
      %gt3A_830 = arith.cmpf ogt, %get3A_827, %max3A_821 : vector<16xf32>
      %gt3A_831 = arith.cmpf ogt, %get3A_827, %max3A_818 : vector<16xf32>
      %min3A_832 = arith.minimumf %get3A_827, %max3A_821 : vector<16xf32>
      %max3A_833 = arith.maximumf %max3A_818, %min3A_832 : vector<16xf32>
      %select_n3A_834 = arith.select %gt3A_831, %broadcast_in_dim3A_829, %select_n3A_820 : vector<16xi1>, vector<16xi32>
      %select_n3A_835 = arith.select %gt3A_830, %select_n3A_822, %select_n3A_834 : vector<16xi1>, vector<16xi32>
      %max3A_836 = arith.maximumf %max3A_821, %get3A_827 : vector<16xf32>
      %select_n3A_837 = arith.select %gt3A_830, %broadcast_in_dim3A_829, %select_n3A_822 : vector<16xi1>, vector<16xi32>
      %add3A_838 = arith.constant 28672 : i32
      %add3A_839 = arith.addi %add3A_838, %mul3A_9 : i32
      %get3A_840 = arith.index_cast %add3A_839 : i32 to index
      %get3A_841 = tpu.vector_load %arg7[%get3A_840] {strides = array<i32>} : memref<32768xf32, #tpu.memory_space<vmem>>, vector<16xf32>,
      %get3A_842 = vector.shape_cast %get3A_841 : vector<16xf32> to vector<16xf32>
      %broadcast_in_dim3A_843 = arith.constant 56 : i32
      %broadcast_in_dim3A_844 = vector.broadcast %broadcast_in_dim3A_843 : i32 to vector<16xi32>
      %gt3A_845 = arith.cmpf ogt, %get3A_842, %max3A_836 : vector<16xf32>
      %gt3A_846 = arith.cmpf ogt, %get3A_842, %max3A_833 : vector<16xf32>
      %min3A_847 = arith.minimumf %get3A_842, %max3A_836 : vector<16xf32>
      %max3A_848 = arith.maximumf %max3A_833, %min3A_847 : vector<16xf32>
      %select_n3A_849 = arith.select %gt3A_846, %broadcast_in_dim3A_844, %select_n3A_835 : vector<16xi1>, vector<16xi32>
      %select_n3A_850 = arith.select %gt3A_845, %select_n3A_837, %select_n3A_849 : vector<16xi1>, vector<16xi32>
      %max3A_851 = arith.maximumf %max3A_836, %get3A_842 : vector<16xf32>
      %select_n3A_852 = arith.select %gt3A_845, %broadcast_in_dim3A_844, %select_n3A_837 : vector<16xi1>, vector<16xi32>
      %add3A_853 = arith.constant 29184 : i32
      %add3A_854 = arith.addi %add3A_853, %mul3A_9 : i32
      %get3A_855 = arith.index_cast %add3A_854 : i32 to index
      %get3A_856 = tpu.vector_load %arg7[%get3A_855] {strides = array<i32>} : memref<32768xf32, #tpu.memory_space<vmem>>, vector<16xf32>,
      %get3A_857 = vector.shape_cast %get3A_856 : vector<16xf32> to vector<16xf32>
      %broadcast_in_dim3A_858 = arith.constant 57 : i32
      %broadcast_in_dim3A_859 = vector.broadcast %broadcast_in_dim3A_858 : i32 to vector<16xi32>
      %gt3A_860 = arith.cmpf ogt, %get3A_857, %max3A_851 : vector<16xf32>
      %gt3A_861 = arith.cmpf ogt, %get3A_857, %max3A_848 : vector<16xf32>
      %min3A_862 = arith.minimumf %get3A_857, %max3A_851 : vector<16xf32>
      %max3A_863 = arith.maximumf %max3A_848, %min3A_862 : vector<16xf32>
      %select_n3A_864 = arith.select %gt3A_861, %broadcast_in_dim3A_859, %select_n3A_850 : vector<16xi1>, vector<16xi32>
      %select_n3A_865 = arith.select %gt3A_860, %select_n3A_852, %select_n3A_864 : vector<16xi1>, vector<16xi32>
      %max3A_866 = arith.maximumf %max3A_851, %get3A_857 : vector<16xf32>
      %select_n3A_867 = arith.select %gt3A_860, %broadcast_in_dim3A_859, %select_n3A_852 : vector<16xi1>, vector<16xi32>
      %add3A_868 = arith.constant 29696 : i32
      %add3A_869 = arith.addi %add3A_868, %mul3A_9 : i32
      %get3A_870 = arith.index_cast %add3A_869 : i32 to index
      %get3A_871 = tpu.vector_load %arg7[%get3A_870] {strides = array<i32>} : memref<32768xf32, #tpu.memory_space<vmem>>, vector<16xf32>,
      %get3A_872 = vector.shape_cast %get3A_871 : vector<16xf32> to vector<16xf32>
      %broadcast_in_dim3A_873 = arith.constant 58 : i32
      %broadcast_in_dim3A_874 = vector.broadcast %broadcast_in_dim3A_873 : i32 to vector<16xi32>
      %gt3A_875 = arith.cmpf ogt, %get3A_872, %max3A_866 : vector<16xf32>
      %gt3A_876 = arith.cmpf ogt, %get3A_872, %max3A_863 : vector<16xf32>
      %min3A_877 = arith.minimumf %get3A_872, %max3A_866 : vector<16xf32>
      %max3A_878 = arith.maximumf %max3A_863, %min3A_877 : vector<16xf32>
      %select_n3A_879 = arith.select %gt3A_876, %broadcast_in_dim3A_874, %select_n3A_865 : vector<16xi1>, vector<16xi32>
      %select_n3A_880 = arith.select %gt3A_875, %select_n3A_867, %select_n3A_879 : vector<16xi1>, vector<16xi32>
      %max3A_881 = arith.maximumf %max3A_866, %get3A_872 : vector<16xf32>
      %select_n3A_882 = arith.select %gt3A_875, %broadcast_in_dim3A_874, %select_n3A_867 : vector<16xi1>, vector<16xi32>
      %add3A_883 = arith.constant 30208 : i32
      %add3A_884 = arith.addi %add3A_883, %mul3A_9 : i32
      %get3A_885 = arith.index_cast %add3A_884 : i32 to index
      %get3A_886 = tpu.vector_load %arg7[%get3A_885] {strides = array<i32>} : memref<32768xf32, #tpu.memory_space<vmem>>, vector<16xf32>,
      %get3A_887 = vector.shape_cast %get3A_886 : vector<16xf32> to vector<16xf32>
      %broadcast_in_dim3A_888 = arith.constant 59 : i32
      %broadcast_in_dim3A_889 = vector.broadcast %broadcast_in_dim3A_888 : i32 to vector<16xi32>
      %gt3A_890 = arith.cmpf ogt, %get3A_887, %max3A_881 : vector<16xf32>
      %gt3A_891 = arith.cmpf ogt, %get3A_887, %max3A_878 : vector<16xf32>
      %min3A_892 = arith.minimumf %get3A_887, %max3A_881 : vector<16xf32>
      %max3A_893 = arith.maximumf %max3A_878, %min3A_892 : vector<16xf32>
      %select_n3A_894 = arith.select %gt3A_891, %broadcast_in_dim3A_889, %select_n3A_880 : vector<16xi1>, vector<16xi32>
      %select_n3A_895 = arith.select %gt3A_890, %select_n3A_882, %select_n3A_894 : vector<16xi1>, vector<16xi32>
      %max3A_896 = arith.maximumf %max3A_881, %get3A_887 : vector<16xf32>
      %select_n3A_897 = arith.select %gt3A_890, %broadcast_in_dim3A_889, %select_n3A_882 : vector<16xi1>, vector<16xi32>
      %add3A_898 = arith.constant 30720 : i32
      %add3A_899 = arith.addi %add3A_898, %mul3A_9 : i32
      %get3A_900 = arith.index_cast %add3A_899 : i32 to index
      %get3A_901 = tpu.vector_load %arg7[%get3A_900] {strides = array<i32>} : memref<32768xf32, #tpu.memory_space<vmem>>, vector<16xf32>,
      %get3A_902 = vector.shape_cast %get3A_901 : vector<16xf32> to vector<16xf32>
      %broadcast_in_dim3A_903 = arith.constant 60 : i32
      %broadcast_in_dim3A_904 = vector.broadcast %broadcast_in_dim3A_903 : i32 to vector<16xi32>
      %gt3A_905 = arith.cmpf ogt, %get3A_902, %max3A_896 : vector<16xf32>
      %gt3A_906 = arith.cmpf ogt, %get3A_902, %max3A_893 : vector<16xf32>
      %min3A_907 = arith.minimumf %get3A_902, %max3A_896 : vector<16xf32>
      %max3A_908 = arith.maximumf %max3A_893, %min3A_907 : vector<16xf32>
      %select_n3A_909 = arith.select %gt3A_906, %broadcast_in_dim3A_904, %select_n3A_895 : vector<16xi1>, vector<16xi32>
      %select_n3A_910 = arith.select %gt3A_905, %select_n3A_897, %select_n3A_909 : vector<16xi1>, vector<16xi32>
      %max3A_911 = arith.maximumf %max3A_896, %get3A_902 : vector<16xf32>
      %select_n3A_912 = arith.select %gt3A_905, %broadcast_in_dim3A_904, %select_n3A_897 : vector<16xi1>, vector<16xi32>
      %add3A_913 = arith.constant 31232 : i32
      %add3A_914 = arith.addi %add3A_913, %mul3A_9 : i32
      %get3A_915 = arith.index_cast %add3A_914 : i32 to index
      %get3A_916 = tpu.vector_load %arg7[%get3A_915] {strides = array<i32>} : memref<32768xf32, #tpu.memory_space<vmem>>, vector<16xf32>,
      %get3A_917 = vector.shape_cast %get3A_916 : vector<16xf32> to vector<16xf32>
      %broadcast_in_dim3A_918 = arith.constant 61 : i32
      %broadcast_in_dim3A_919 = vector.broadcast %broadcast_in_dim3A_918 : i32 to vector<16xi32>
      %gt3A_920 = arith.cmpf ogt, %get3A_917, %max3A_911 : vector<16xf32>
      %gt3A_921 = arith.cmpf ogt, %get3A_917, %max3A_908 : vector<16xf32>
      %min3A_922 = arith.minimumf %get3A_917, %max3A_911 : vector<16xf32>
      %max3A_923 = arith.maximumf %max3A_908, %min3A_922 : vector<16xf32>
      %select_n3A_924 = arith.select %gt3A_921, %broadcast_in_dim3A_919, %select_n3A_910 : vector<16xi1>, vector<16xi32>
      %select_n3A_925 = arith.select %gt3A_920, %select_n3A_912, %select_n3A_924 : vector<16xi1>, vector<16xi32>
      %max3A_926 = arith.maximumf %max3A_911, %get3A_917 : vector<16xf32>
      %select_n3A_927 = arith.select %gt3A_920, %broadcast_in_dim3A_919, %select_n3A_912 : vector<16xi1>, vector<16xi32>
      %add3A_928 = arith.constant 31744 : i32
      %add3A_929 = arith.addi %add3A_928, %mul3A_9 : i32
      %get3A_930 = arith.index_cast %add3A_929 : i32 to index
      %get3A_931 = tpu.vector_load %arg7[%get3A_930] {strides = array<i32>} : memref<32768xf32, #tpu.memory_space<vmem>>, vector<16xf32>,
      %get3A_932 = vector.shape_cast %get3A_931 : vector<16xf32> to vector<16xf32>
      %broadcast_in_dim3A_933 = arith.constant 62 : i32
      %broadcast_in_dim3A_934 = vector.broadcast %broadcast_in_dim3A_933 : i32 to vector<16xi32>
      %gt3A_935 = arith.cmpf ogt, %get3A_932, %max3A_926 : vector<16xf32>
      %gt3A_936 = arith.cmpf ogt, %get3A_932, %max3A_923 : vector<16xf32>
      %min3A_937 = arith.minimumf %get3A_932, %max3A_926 : vector<16xf32>
      %max3A_938 = arith.maximumf %max3A_923, %min3A_937 : vector<16xf32>
      %select_n3A_939 = arith.select %gt3A_936, %broadcast_in_dim3A_934, %select_n3A_925 : vector<16xi1>, vector<16xi32>
      %select_n3A_940 = arith.select %gt3A_935, %select_n3A_927, %select_n3A_939 : vector<16xi1>, vector<16xi32>
      %max3A_941 = arith.maximumf %max3A_926, %get3A_932 : vector<16xf32>
      %select_n3A_942 = arith.select %gt3A_935, %broadcast_in_dim3A_934, %select_n3A_927 : vector<16xi1>, vector<16xi32>
      %add3A_943 = arith.constant 32256 : i32
      %add3A_944 = arith.addi %add3A_943, %mul3A_9 : i32
      %get3A_945 = arith.index_cast %add3A_944 : i32 to index
      %get3A_946 = tpu.vector_load %arg7[%get3A_945] {strides = array<i32>} : memref<32768xf32, #tpu.memory_space<vmem>>, vector<16xf32>,
      %get3A_947 = vector.shape_cast %get3A_946 : vector<16xf32> to vector<16xf32>
      %broadcast_in_dim3A_948 = arith.constant 63 : i32
      %broadcast_in_dim3A_949 = vector.broadcast %broadcast_in_dim3A_948 : i32 to vector<16xi32>
      %gt3A_950 = arith.cmpf ogt, %get3A_947, %max3A_941 : vector<16xf32>
      %gt3A_951 = arith.cmpf ogt, %get3A_947, %max3A_938 : vector<16xf32>
      %min3A_952 = arith.minimumf %get3A_947, %max3A_941 : vector<16xf32>
      %max3A_953 = arith.maximumf %max3A_938, %min3A_952 : vector<16xf32>
      %select_n3A_954 = arith.select %gt3A_951, %broadcast_in_dim3A_949, %select_n3A_940 : vector<16xi1>, vector<16xi32>
      %select_n3A_955 = arith.select %gt3A_950, %select_n3A_942, %select_n3A_954 : vector<16xi1>, vector<16xi32>
      %max3A_956 = arith.maximumf %max3A_941, %get3A_947 : vector<16xf32>
      %select_n3A_957 = arith.select %gt3A_950, %broadcast_in_dim3A_949, %select_n3A_942 : vector<16xi1>, vector<16xi32>
      %sub3A = arith.subf %max3A_953, %max3A_956 : vector<16xf32>
      %exp3A = math.exp %sub3A : vector<16xf32>
      %add3A_958 = arith.constant 1.000000e+00 : f32
      %add3A_959 = vector.broadcast %add3A_958 : f32 to vector<16xf32>
      %add3A_960 = arith.addf %add3A_959, %exp3A : vector<16xf32>
      %div3A = arith.constant 1.000000e+00 : f32
      %div3A_961 = vector.broadcast %div3A : f32 to vector<16xf32>
      %div3A_962 = arith.divf %div3A_961, %add3A_960 : vector<16xf32>
      %swap3A = arith.index_cast %mul3A_9 : i32 to index
      %swap3A_963 = tpu.vector_load %arg8[%swap3A] {strides = array<i32>} : memref<512xf32, #tpu.memory_space<vmem>>, vector<16xf32>,
      %swap3A_964 = vector.shape_cast %swap3A_963 : vector<16xf32> to vector<16xf32>
      %swap3A_965 = vector.shape_cast %div3A_962 : vector<16xf32> to vector<16xf32>
      tpu.vector_store %arg8[%swap3A], %swap3A_965 {strides = array<i32>} : memref<512xf32, #tpu.memory_space<vmem>>, vector<16xf32>,
      %sub3A_966 = arith.constant 1.000000e+00 : f32
      %sub3A_967 = vector.broadcast %sub3A_966 : f32 to vector<16xf32>
      %sub3A_968 = arith.subf %sub3A_967, %div3A_962 : vector<16xf32>
      %swap3A_969 = arith.index_cast %mul3A_9 : i32 to index
      %swap3A_970 = tpu.vector_load %arg9[%swap3A_969] {strides = array<i32>} : memref<512xf32, #tpu.memory_space<vmem>>, vector<16xf32>,
      %swap3A_971 = vector.shape_cast %swap3A_970 : vector<16xf32> to vector<16xf32>
      %swap3A_972 = vector.shape_cast %sub3A_968 : vector<16xf32> to vector<16xf32>
      tpu.vector_store %arg9[%swap3A_969], %swap3A_972 {strides = array<i32>} : memref<512xf32, #tpu.memory_space<vmem>>, vector<16xf32>,
      %swap3A_973 = arith.index_cast %mul3A_9 : i32 to index
      %swap3A_974 = tpu.vector_load %arg10[%swap3A_973] {strides = array<i32>} : memref<512xi32, #tpu.memory_space<vmem>>, vector<16xi32>,
      %swap3A_975 = vector.shape_cast %swap3A_974 : vector<16xi32> to vector<16xi32>
      %swap3A_976 = vector.shape_cast %select_n3A_957 : vector<16xi32> to vector<16xi32>
      tpu.vector_store %arg10[%swap3A_973], %swap3A_976 {strides = array<i32>} : memref<512xi32, #tpu.memory_space<vmem>>, vector<16xi32>,
      %swap3A_977 = arith.index_cast %mul3A_9 : i32 to index
      %swap3A_978 = tpu.vector_load %arg11[%swap3A_977] {strides = array<i32>} : memref<512xi32, #tpu.memory_space<vmem>>, vector<16xi32>,
      %swap3A_979 = vector.shape_cast %swap3A_978 : vector<16xi32> to vector<16xi32>
      %swap3A_980 = vector.shape_cast %select_n3A_955 : vector<16xi32> to vector<16xi32>
      tpu.vector_store %arg11[%swap3A_977], %swap3A_980 {strides = array<i32>} : memref<512xi32, #tpu.memory_space<vmem>>, vector<16xi32>,
    }
    %scan3A_4 = arith.constant 32 : i32
    %mul3A_5 = arith.constant 512 : i32
    %mul3A_6 = arith.muli %add3A, %mul3A_5 : i32
    "tpu.region"() ({
      %run_scoped3A = tpu.sem_alloc : memref<!tpu.dma_semaphore, #tpu.memory_space<semaphore_mem>>
      %dma_start3A = tpu.memref_slice %arg3[%mul3A_6] : memref<16384xf32, #tpu.memory_space<hbm>> -> memref<512xf32, #tpu.memory_space<hbm>>
      %dma_start3A_7 = tpu.memref_slice %arg3[%mul3A_6] : memref<16384xf32, #tpu.memory_space<hbm>> -> memref<512xf32, #tpu.memory_space<hbm>>
      tpu.enqueue_dma source(%arg8 : memref<512xf32, #tpu.memory_space<vmem>>) target(%dma_start3A_7 : memref<512xf32, #tpu.memory_space<hbm>>) target_semaphore(%run_scoped3A : memref<!tpu.dma_semaphore, #tpu.memory_space<semaphore_mem>>)
      %dma_wait3A = tpu.memref_slice %arg3[%mul3A_6] : memref<16384xf32, #tpu.memory_space<hbm>> -> memref<512xf32, #tpu.memory_space<hbm>>
      %dma_wait3A_8 = tpu.memref_slice %arg3[%mul3A_6] : memref<16384xf32, #tpu.memory_space<hbm>> -> memref<512xf32, #tpu.memory_space<hbm>>
      tpu.wait_dma2 semaphore(%run_scoped3A : memref<!tpu.dma_semaphore, #tpu.memory_space<semaphore_mem>>) src(%arg8 : memref<512xf32, #tpu.memory_space<vmem>>) dst(%dma_wait3A_8 : memref<512xf32, #tpu.memory_space<hbm>>)
      tpu.yield
    }) : () -> ()
    "tpu.region"() ({
      %run_scoped3A = tpu.sem_alloc : memref<!tpu.dma_semaphore, #tpu.memory_space<semaphore_mem>>
      %dma_start3A = tpu.memref_slice %arg4[%mul3A_6] : memref<16384xf32, #tpu.memory_space<hbm>> -> memref<512xf32, #tpu.memory_space<hbm>>
      %dma_start3A_7 = tpu.memref_slice %arg4[%mul3A_6] : memref<16384xf32, #tpu.memory_space<hbm>> -> memref<512xf32, #tpu.memory_space<hbm>>
      tpu.enqueue_dma source(%arg9 : memref<512xf32, #tpu.memory_space<vmem>>) target(%dma_start3A_7 : memref<512xf32, #tpu.memory_space<hbm>>) target_semaphore(%run_scoped3A : memref<!tpu.dma_semaphore, #tpu.memory_space<semaphore_mem>>)
      %dma_wait3A = tpu.memref_slice %arg4[%mul3A_6] : memref<16384xf32, #tpu.memory_space<hbm>> -> memref<512xf32, #tpu.memory_space<hbm>>
      %dma_wait3A_8 = tpu.memref_slice %arg4[%mul3A_6] : memref<16384xf32, #tpu.memory_space<hbm>> -> memref<512xf32, #tpu.memory_space<hbm>>
      tpu.wait_dma2 semaphore(%run_scoped3A : memref<!tpu.dma_semaphore, #tpu.memory_space<semaphore_mem>>) src(%arg9 : memref<512xf32, #tpu.memory_space<vmem>>) dst(%dma_wait3A_8 : memref<512xf32, #tpu.memory_space<hbm>>)
      tpu.yield
    }) : () -> ()
    "tpu.region"() ({
      %run_scoped3A = tpu.sem_alloc : memref<!tpu.dma_semaphore, #tpu.memory_space<semaphore_mem>>
      %dma_start3A = tpu.memref_slice %arg5[%mul3A_6] : memref<16384xi32, #tpu.memory_space<hbm>> -> memref<512xi32, #tpu.memory_space<hbm>>
      %dma_start3A_7 = tpu.memref_slice %arg5[%mul3A_6] : memref<16384xi32, #tpu.memory_space<hbm>> -> memref<512xi32, #tpu.memory_space<hbm>>
      tpu.enqueue_dma source(%arg10 : memref<512xi32, #tpu.memory_space<vmem>>) target(%dma_start3A_7 : memref<512xi32, #tpu.memory_space<hbm>>) target_semaphore(%run_scoped3A : memref<!tpu.dma_semaphore, #tpu.memory_space<semaphore_mem>>)
      %dma_wait3A = tpu.memref_slice %arg5[%mul3A_6] : memref<16384xi32, #tpu.memory_space<hbm>> -> memref<512xi32, #tpu.memory_space<hbm>>
      %dma_wait3A_8 = tpu.memref_slice %arg5[%mul3A_6] : memref<16384xi32, #tpu.memory_space<hbm>> -> memref<512xi32, #tpu.memory_space<hbm>>
      tpu.wait_dma2 semaphore(%run_scoped3A : memref<!tpu.dma_semaphore, #tpu.memory_space<semaphore_mem>>) src(%arg10 : memref<512xi32, #tpu.memory_space<vmem>>) dst(%dma_wait3A_8 : memref<512xi32, #tpu.memory_space<hbm>>)
      tpu.yield
    }) : () -> ()
    "tpu.region"() ({
      %run_scoped3A = tpu.sem_alloc : memref<!tpu.dma_semaphore, #tpu.memory_space<semaphore_mem>>
      %dma_start3A = tpu.memref_slice %arg6[%mul3A_6] : memref<16384xi32, #tpu.memory_space<hbm>> -> memref<512xi32, #tpu.memory_space<hbm>>
      %dma_start3A_7 = tpu.memref_slice %arg6[%mul3A_6] : memref<16384xi32, #tpu.memory_space<hbm>> -> memref<512xi32, #tpu.memory_space<hbm>>
      tpu.enqueue_dma source(%arg11 : memref<512xi32, #tpu.memory_space<vmem>>) target(%dma_start3A_7 : memref<512xi32, #tpu.memory_space<hbm>>) target_semaphore(%run_scoped3A : memref<!tpu.dma_semaphore, #tpu.memory_space<semaphore_mem>>)
      %dma_wait3A = tpu.memref_slice %arg6[%mul3A_6] : memref<16384xi32, #tpu.memory_space<hbm>> -> memref<512xi32, #tpu.memory_space<hbm>>
      %dma_wait3A_8 = tpu.memref_slice %arg6[%mul3A_6] : memref<16384xi32, #tpu.memory_space<hbm>> -> memref<512xi32, #tpu.memory_space<hbm>>
      tpu.wait_dma2 semaphore(%run_scoped3A : memref<!tpu.dma_semaphore, #tpu.memory_space<semaphore_mem>>) src(%arg11 : memref<512xi32, #tpu.memory_space<vmem>>) dst(%dma_wait3A_8 : memref<512xi32, #tpu.memory_space<hbm>>)
      tpu.yield
    }) : () -> ()
    return
  }
}

module attributes {stable_mosaic.version = 14 : i64} {
  func.func @_matmul_block(%arg0: i32, %arg1: memref<64x768xf32, #tpu.memory_space<vmem>>, %arg2: memref<4096x768xf32, #tpu.memory_space<vmem>>, %arg3: memref<8x64x512xf32, #tpu.memory_space<vmem>>) attributes {dimension_semantics = [#tpu.dimension_semantics<arbitrary>], iteration_bounds = array<i64: 4>, scalar_prefetch = 0 : i64, scratch_operands = 0 : i64, tpu.core_type = #tpu.core_type<tc>, window_params = [{pipeline_mode = #tpu.pipeline_mode<synchronous>, transform_indices = @transform_0, window_bounds = array<i64: 64, 768>}, {transform_indices = @transform_1, window_bounds = array<i64: 4096, 768>}, {transform_indices = @transform_2, window_bounds = array<i64: 8, 64, 512>}]} {
    %get3A = arith.constant 0 : index
    %get3A_0 = arith.constant 0 : index
    %get3A_1 = vector.load %arg1[%get3A, %get3A_0] : memref<64x768xf32, #tpu.memory_space<vmem>>, vector<64x768xf32>
    %get3A_2 = arith.constant 0 : index
    %get3A_3 = arith.constant 0 : index
    %get3A_4 = vector.load %arg2[%get3A_2, %get3A_3] : memref<4096x768xf32, #tpu.memory_space<vmem>>, vector<4096x768xf32>
    %dot_general3A = arith.constant dense<0.000000e+00> : vector<64x4096xf32>
    %dot_general3A_5 = tpu.matmul %get3A_1, %get3A_4, %dot_general3A {dimension_numbers = #tpu.dot_dimension_numbers<[1], [1], [0], [0], [0, 0, 1, 0], [], []>, transpose_lhs_hint = false} : vector<64x768xf32>, vector<4096x768xf32>, vector<64x4096xf32> -> vector<64x4096xf32>
    %slice3A = vector.extract_strided_slice %dot_general3A_5 {offsets = [0, 0], sizes = [64, 512], strides = [1, 1]} : vector<64x4096xf32> to vector<64x512xf32>
    %swap3A = arith.constant 0 : index
    %swap3A_6 = arith.constant 0 : index
    %swap3A_7 = arith.constant 0 : index
    %swap3A_8 = vector.load %arg3[%swap3A, %swap3A_6, %swap3A_7] : memref<8x64x512xf32, #tpu.memory_space<vmem>>, vector<1x64x512xf32>
    %swap3A_9 = vector.shape_cast %swap3A_8 : vector<1x64x512xf32> to vector<64x512xf32>
    %swap3A_10 = vector.shape_cast %slice3A : vector<64x512xf32> to vector<1x64x512xf32>
    tpu.vector_store %arg3[%swap3A, %swap3A_6, %swap3A_7], %swap3A_10 {strides = array<i32>} : memref<8x64x512xf32, #tpu.memory_space<vmem>>, vector<1x64x512xf32>,
    %slice3A_11 = vector.extract_strided_slice %dot_general3A_5 {offsets = [0, 512], sizes = [64, 512], strides = [1, 1]} : vector<64x4096xf32> to vector<64x512xf32>
    %swap3A_12 = arith.constant 1 : index
    %swap3A_13 = arith.constant 0 : index
    %swap3A_14 = arith.constant 0 : index
    %swap3A_15 = vector.load %arg3[%swap3A_12, %swap3A_13, %swap3A_14] : memref<8x64x512xf32, #tpu.memory_space<vmem>>, vector<1x64x512xf32>
    %swap3A_16 = vector.shape_cast %swap3A_15 : vector<1x64x512xf32> to vector<64x512xf32>
    %swap3A_17 = vector.shape_cast %slice3A_11 : vector<64x512xf32> to vector<1x64x512xf32>
    tpu.vector_store %arg3[%swap3A_12, %swap3A_13, %swap3A_14], %swap3A_17 {strides = array<i32>} : memref<8x64x512xf32, #tpu.memory_space<vmem>>, vector<1x64x512xf32>,
    %slice3A_18 = vector.extract_strided_slice %dot_general3A_5 {offsets = [0, 1024], sizes = [64, 512], strides = [1, 1]} : vector<64x4096xf32> to vector<64x512xf32>
    %swap3A_19 = arith.constant 2 : index
    %swap3A_20 = arith.constant 0 : index
    %swap3A_21 = arith.constant 0 : index
    %swap3A_22 = vector.load %arg3[%swap3A_19, %swap3A_20, %swap3A_21] : memref<8x64x512xf32, #tpu.memory_space<vmem>>, vector<1x64x512xf32>
    %swap3A_23 = vector.shape_cast %swap3A_22 : vector<1x64x512xf32> to vector<64x512xf32>
    %swap3A_24 = vector.shape_cast %slice3A_18 : vector<64x512xf32> to vector<1x64x512xf32>
    tpu.vector_store %arg3[%swap3A_19, %swap3A_20, %swap3A_21], %swap3A_24 {strides = array<i32>} : memref<8x64x512xf32, #tpu.memory_space<vmem>>, vector<1x64x512xf32>,
    %slice3A_25 = vector.extract_strided_slice %dot_general3A_5 {offsets = [0, 1536], sizes = [64, 512], strides = [1, 1]} : vector<64x4096xf32> to vector<64x512xf32>
    %swap3A_26 = arith.constant 3 : index
    %swap3A_27 = arith.constant 0 : index
    %swap3A_28 = arith.constant 0 : index
    %swap3A_29 = vector.load %arg3[%swap3A_26, %swap3A_27, %swap3A_28] : memref<8x64x512xf32, #tpu.memory_space<vmem>>, vector<1x64x512xf32>
    %swap3A_30 = vector.shape_cast %swap3A_29 : vector<1x64x512xf32> to vector<64x512xf32>
    %swap3A_31 = vector.shape_cast %slice3A_25 : vector<64x512xf32> to vector<1x64x512xf32>
    tpu.vector_store %arg3[%swap3A_26, %swap3A_27, %swap3A_28], %swap3A_31 {strides = array<i32>} : memref<8x64x512xf32, #tpu.memory_space<vmem>>, vector<1x64x512xf32>,
    %slice3A_32 = vector.extract_strided_slice %dot_general3A_5 {offsets = [0, 2048], sizes = [64, 512], strides = [1, 1]} : vector<64x4096xf32> to vector<64x512xf32>
    %swap3A_33 = arith.constant 4 : index
    %swap3A_34 = arith.constant 0 : index
    %swap3A_35 = arith.constant 0 : index
    %swap3A_36 = vector.load %arg3[%swap3A_33, %swap3A_34, %swap3A_35] : memref<8x64x512xf32, #tpu.memory_space<vmem>>, vector<1x64x512xf32>
    %swap3A_37 = vector.shape_cast %swap3A_36 : vector<1x64x512xf32> to vector<64x512xf32>
    %swap3A_38 = vector.shape_cast %slice3A_32 : vector<64x512xf32> to vector<1x64x512xf32>
    tpu.vector_store %arg3[%swap3A_33, %swap3A_34, %swap3A_35], %swap3A_38 {strides = array<i32>} : memref<8x64x512xf32, #tpu.memory_space<vmem>>, vector<1x64x512xf32>,
    %slice3A_39 = vector.extract_strided_slice %dot_general3A_5 {offsets = [0, 2560], sizes = [64, 512], strides = [1, 1]} : vector<64x4096xf32> to vector<64x512xf32>
    %swap3A_40 = arith.constant 5 : index
    %swap3A_41 = arith.constant 0 : index
    %swap3A_42 = arith.constant 0 : index
    %swap3A_43 = vector.load %arg3[%swap3A_40, %swap3A_41, %swap3A_42] : memref<8x64x512xf32, #tpu.memory_space<vmem>>, vector<1x64x512xf32>
    %swap3A_44 = vector.shape_cast %swap3A_43 : vector<1x64x512xf32> to vector<64x512xf32>
    %swap3A_45 = vector.shape_cast %slice3A_39 : vector<64x512xf32> to vector<1x64x512xf32>
    tpu.vector_store %arg3[%swap3A_40, %swap3A_41, %swap3A_42], %swap3A_45 {strides = array<i32>} : memref<8x64x512xf32, #tpu.memory_space<vmem>>, vector<1x64x512xf32>,
    %slice3A_46 = vector.extract_strided_slice %dot_general3A_5 {offsets = [0, 3072], sizes = [64, 512], strides = [1, 1]} : vector<64x4096xf32> to vector<64x512xf32>
    %swap3A_47 = arith.constant 6 : index
    %swap3A_48 = arith.constant 0 : index
    %swap3A_49 = arith.constant 0 : index
    %swap3A_50 = vector.load %arg3[%swap3A_47, %swap3A_48, %swap3A_49] : memref<8x64x512xf32, #tpu.memory_space<vmem>>, vector<1x64x512xf32>
    %swap3A_51 = vector.shape_cast %swap3A_50 : vector<1x64x512xf32> to vector<64x512xf32>
    %swap3A_52 = vector.shape_cast %slice3A_46 : vector<64x512xf32> to vector<1x64x512xf32>
    tpu.vector_store %arg3[%swap3A_47, %swap3A_48, %swap3A_49], %swap3A_52 {strides = array<i32>} : memref<8x64x512xf32, #tpu.memory_space<vmem>>, vector<1x64x512xf32>,
    %slice3A_53 = vector.extract_strided_slice %dot_general3A_5 {offsets = [0, 3584], sizes = [64, 512], strides = [1, 1]} : vector<64x4096xf32> to vector<64x512xf32>
    %swap3A_54 = arith.constant 7 : index
    %swap3A_55 = arith.constant 0 : index
    %swap3A_56 = arith.constant 0 : index
    %swap3A_57 = vector.load %arg3[%swap3A_54, %swap3A_55, %swap3A_56] : memref<8x64x512xf32, #tpu.memory_space<vmem>>, vector<1x64x512xf32>
    %swap3A_58 = vector.shape_cast %swap3A_57 : vector<1x64x512xf32> to vector<64x512xf32>
    %swap3A_59 = vector.shape_cast %slice3A_53 : vector<64x512xf32> to vector<1x64x512xf32>
    tpu.vector_store %arg3[%swap3A_54, %swap3A_55, %swap3A_56], %swap3A_59 {strides = array<i32>} : memref<8x64x512xf32, #tpu.memory_space<vmem>>, vector<1x64x512xf32>,
    return
  }
  func.func @transform_0(%arg0: i32) -> (i32, i32) {
    %c0_i32 = arith.constant 0 : i32
    %c0_i32_0 = arith.constant 0 : i32
    %c0_i32_1 = arith.constant 0 : i32
    return %c0_i32, %c0_i32_0 : i32, i32
  }
  func.func @transform_1(%arg0: i32) -> (i32, i32) {
    %add3A = arith.constant 4 : i32
    %add3A_0 = arith.addi %arg0, %add3A : i32
    %c0_i32 = arith.constant 0 : i32
    %c0_i32_1 = arith.constant 0 : i32
    return %add3A_0, %c0_i32 : i32, i32
  }
  func.func @transform_2(%arg0: i32) -> (i32, i32, i32) {
    %c0_i32 = arith.constant 0 : i32
    %c0_i32_0 = arith.constant 0 : i32
    %c0_i32_1 = arith.constant 0 : i32
    return %arg0, %c0_i32, %c0_i32_0 : i32, i32, i32
  }
}

module attributes {stable_mosaic.version = 14 : i64} {
  func.func @_matmul_block(%arg0: i32, %arg1: memref<64x768xf32, #tpu.memory_space<vmem>>, %arg2: memref<4096x768xf32, #tpu.memory_space<vmem>>, %arg3: memref<8x64x512xf32, #tpu.memory_space<vmem>>) attributes {dimension_semantics = [#tpu.dimension_semantics<arbitrary>], iteration_bounds = array<i64: 4>, scalar_prefetch = 0 : i64, scratch_operands = 0 : i64, tpu.core_type = #tpu.core_type<tc>, window_params = [{pipeline_mode = #tpu.pipeline_mode<synchronous>, transform_indices = @transform_0, window_bounds = array<i64: 64, 768>}, {transform_indices = @transform_1, window_bounds = array<i64: 4096, 768>}, {transform_indices = @transform_2, window_bounds = array<i64: 8, 64, 512>}]} {
    %get3A = arith.constant 0 : index
    %get3A_0 = arith.constant 0 : index
    %get3A_1 = vector.load %arg1[%get3A, %get3A_0] : memref<64x768xf32, #tpu.memory_space<vmem>>, vector<64x768xf32>
    %get3A_2 = arith.constant 0 : index
    %get3A_3 = arith.constant 0 : index
    %get3A_4 = vector.load %arg2[%get3A_2, %get3A_3] : memref<4096x768xf32, #tpu.memory_space<vmem>>, vector<4096x768xf32>
    %dot_general3A = arith.constant dense<0.000000e+00> : vector<64x4096xf32>
    %dot_general3A_5 = tpu.matmul %get3A_1, %get3A_4, %dot_general3A {dimension_numbers = #tpu.dot_dimension_numbers<[1], [1], [0], [0], [0, 0, 1, 0], [], []>, transpose_lhs_hint = false} : vector<64x768xf32>, vector<4096x768xf32>, vector<64x4096xf32> -> vector<64x4096xf32>
    %slice3A = vector.extract_strided_slice %dot_general3A_5 {offsets = [0, 0], sizes = [64, 512], strides = [1, 1]} : vector<64x4096xf32> to vector<64x512xf32>
    %swap3A = arith.constant 0 : index
    %swap3A_6 = arith.constant 0 : index
    %swap3A_7 = arith.constant 0 : index
    %swap3A_8 = vector.load %arg3[%swap3A, %swap3A_6, %swap3A_7] : memref<8x64x512xf32, #tpu.memory_space<vmem>>, vector<1x64x512xf32>
    %swap3A_9 = vector.shape_cast %swap3A_8 : vector<1x64x512xf32> to vector<64x512xf32>
    %swap3A_10 = vector.shape_cast %slice3A : vector<64x512xf32> to vector<1x64x512xf32>
    tpu.vector_store %arg3[%swap3A, %swap3A_6, %swap3A_7], %swap3A_10 {strides = array<i32>} : memref<8x64x512xf32, #tpu.memory_space<vmem>>, vector<1x64x512xf32>,
    %slice3A_11 = vector.extract_strided_slice %dot_general3A_5 {offsets = [0, 512], sizes = [64, 512], strides = [1, 1]} : vector<64x4096xf32> to vector<64x512xf32>
    %swap3A_12 = arith.constant 1 : index
    %swap3A_13 = arith.constant 0 : index
    %swap3A_14 = arith.constant 0 : index
    %swap3A_15 = vector.load %arg3[%swap3A_12, %swap3A_13, %swap3A_14] : memref<8x64x512xf32, #tpu.memory_space<vmem>>, vector<1x64x512xf32>
    %swap3A_16 = vector.shape_cast %swap3A_15 : vector<1x64x512xf32> to vector<64x512xf32>
    %swap3A_17 = vector.shape_cast %slice3A_11 : vector<64x512xf32> to vector<1x64x512xf32>
    tpu.vector_store %arg3[%swap3A_12, %swap3A_13, %swap3A_14], %swap3A_17 {strides = array<i32>} : memref<8x64x512xf32, #tpu.memory_space<vmem>>, vector<1x64x512xf32>,
    %slice3A_18 = vector.extract_strided_slice %dot_general3A_5 {offsets = [0, 1024], sizes = [64, 512], strides = [1, 1]} : vector<64x4096xf32> to vector<64x512xf32>
    %swap3A_19 = arith.constant 2 : index
    %swap3A_20 = arith.constant 0 : index
    %swap3A_21 = arith.constant 0 : index
    %swap3A_22 = vector.load %arg3[%swap3A_19, %swap3A_20, %swap3A_21] : memref<8x64x512xf32, #tpu.memory_space<vmem>>, vector<1x64x512xf32>
    %swap3A_23 = vector.shape_cast %swap3A_22 : vector<1x64x512xf32> to vector<64x512xf32>
    %swap3A_24 = vector.shape_cast %slice3A_18 : vector<64x512xf32> to vector<1x64x512xf32>
    tpu.vector_store %arg3[%swap3A_19, %swap3A_20, %swap3A_21], %swap3A_24 {strides = array<i32>} : memref<8x64x512xf32, #tpu.memory_space<vmem>>, vector<1x64x512xf32>,
    %slice3A_25 = vector.extract_strided_slice %dot_general3A_5 {offsets = [0, 1536], sizes = [64, 512], strides = [1, 1]} : vector<64x4096xf32> to vector<64x512xf32>
    %swap3A_26 = arith.constant 3 : index
    %swap3A_27 = arith.constant 0 : index
    %swap3A_28 = arith.constant 0 : index
    %swap3A_29 = vector.load %arg3[%swap3A_26, %swap3A_27, %swap3A_28] : memref<8x64x512xf32, #tpu.memory_space<vmem>>, vector<1x64x512xf32>
    %swap3A_30 = vector.shape_cast %swap3A_29 : vector<1x64x512xf32> to vector<64x512xf32>
    %swap3A_31 = vector.shape_cast %slice3A_25 : vector<64x512xf32> to vector<1x64x512xf32>
    tpu.vector_store %arg3[%swap3A_26, %swap3A_27, %swap3A_28], %swap3A_31 {strides = array<i32>} : memref<8x64x512xf32, #tpu.memory_space<vmem>>, vector<1x64x512xf32>,
    %slice3A_32 = vector.extract_strided_slice %dot_general3A_5 {offsets = [0, 2048], sizes = [64, 512], strides = [1, 1]} : vector<64x4096xf32> to vector<64x512xf32>
    %swap3A_33 = arith.constant 4 : index
    %swap3A_34 = arith.constant 0 : index
    %swap3A_35 = arith.constant 0 : index
    %swap3A_36 = vector.load %arg3[%swap3A_33, %swap3A_34, %swap3A_35] : memref<8x64x512xf32, #tpu.memory_space<vmem>>, vector<1x64x512xf32>
    %swap3A_37 = vector.shape_cast %swap3A_36 : vector<1x64x512xf32> to vector<64x512xf32>
    %swap3A_38 = vector.shape_cast %slice3A_32 : vector<64x512xf32> to vector<1x64x512xf32>
    tpu.vector_store %arg3[%swap3A_33, %swap3A_34, %swap3A_35], %swap3A_38 {strides = array<i32>} : memref<8x64x512xf32, #tpu.memory_space<vmem>>, vector<1x64x512xf32>,
    %slice3A_39 = vector.extract_strided_slice %dot_general3A_5 {offsets = [0, 2560], sizes = [64, 512], strides = [1, 1]} : vector<64x4096xf32> to vector<64x512xf32>
    %swap3A_40 = arith.constant 5 : index
    %swap3A_41 = arith.constant 0 : index
    %swap3A_42 = arith.constant 0 : index
    %swap3A_43 = vector.load %arg3[%swap3A_40, %swap3A_41, %swap3A_42] : memref<8x64x512xf32, #tpu.memory_space<vmem>>, vector<1x64x512xf32>
    %swap3A_44 = vector.shape_cast %swap3A_43 : vector<1x64x512xf32> to vector<64x512xf32>
    %swap3A_45 = vector.shape_cast %slice3A_39 : vector<64x512xf32> to vector<1x64x512xf32>
    tpu.vector_store %arg3[%swap3A_40, %swap3A_41, %swap3A_42], %swap3A_45 {strides = array<i32>} : memref<8x64x512xf32, #tpu.memory_space<vmem>>, vector<1x64x512xf32>,
    %slice3A_46 = vector.extract_strided_slice %dot_general3A_5 {offsets = [0, 3072], sizes = [64, 512], strides = [1, 1]} : vector<64x4096xf32> to vector<64x512xf32>
    %swap3A_47 = arith.constant 6 : index
    %swap3A_48 = arith.constant 0 : index
    %swap3A_49 = arith.constant 0 : index
    %swap3A_50 = vector.load %arg3[%swap3A_47, %swap3A_48, %swap3A_49] : memref<8x64x512xf32, #tpu.memory_space<vmem>>, vector<1x64x512xf32>
    %swap3A_51 = vector.shape_cast %swap3A_50 : vector<1x64x512xf32> to vector<64x512xf32>
    %swap3A_52 = vector.shape_cast %slice3A_46 : vector<64x512xf32> to vector<1x64x512xf32>
    tpu.vector_store %arg3[%swap3A_47, %swap3A_48, %swap3A_49], %swap3A_52 {strides = array<i32>} : memref<8x64x512xf32, #tpu.memory_space<vmem>>, vector<1x64x512xf32>,
    %slice3A_53 = vector.extract_strided_slice %dot_general3A_5 {offsets = [0, 3584], sizes = [64, 512], strides = [1, 1]} : vector<64x4096xf32> to vector<64x512xf32>
    %swap3A_54 = arith.constant 7 : index
    %swap3A_55 = arith.constant 0 : index
    %swap3A_56 = arith.constant 0 : index
    %swap3A_57 = vector.load %arg3[%swap3A_54, %swap3A_55, %swap3A_56] : memref<8x64x512xf32, #tpu.memory_space<vmem>>, vector<1x64x512xf32>
    %swap3A_58 = vector.shape_cast %swap3A_57 : vector<1x64x512xf32> to vector<64x512xf32>
    %swap3A_59 = vector.shape_cast %slice3A_53 : vector<64x512xf32> to vector<1x64x512xf32>
    tpu.vector_store %arg3[%swap3A_54, %swap3A_55, %swap3A_56], %swap3A_59 {strides = array<i32>} : memref<8x64x512xf32, #tpu.memory_space<vmem>>, vector<1x64x512xf32>,
    return
  }
  func.func @transform_0(%arg0: i32) -> (i32, i32) {
    %c0_i32 = arith.constant 0 : i32
    %c0_i32_0 = arith.constant 0 : i32
    %c0_i32_1 = arith.constant 0 : i32
    return %c0_i32, %c0_i32_0 : i32, i32
  }
  func.func @transform_1(%arg0: i32) -> (i32, i32) {
    %add3A = arith.constant 0 : i32
    %add3A_0 = arith.addi %arg0, %add3A : i32
    %c0_i32 = arith.constant 0 : i32
    %c0_i32_1 = arith.constant 0 : i32
    return %add3A_0, %c0_i32 : i32, i32
  }
  func.func @transform_2(%arg0: i32) -> (i32, i32, i32) {
    %c0_i32 = arith.constant 0 : i32
    %c0_i32_0 = arith.constant 0 : i32
    %c0_i32_1 = arith.constant 0 : i32
    return %arg0, %c0_i32, %c0_i32_0 : i32, i32, i32
  }
}

</mosaic_0001>

<sc_bundles>
// kernel: kernel.6.cloned.1.call-start
scs
__scs_entry_jumppad:
0x0: {  	(pc) =	sbr.rel $0x88, $3  }
0x1: {  	(tag) =	ssettag $0x0;
	lr =	simm.s32 $0x1  }
0x2: {  	[smem:$0x3F9F] =	sst lr;
	_ =	strace $0xD0000000  }
0x3: {  	_ = 	snop  }
0x4: {  	_ = 	snop  }
0x5: {  	_ = 	snop  }
0x6: {  	_ = 	snop  }
0x7: {  	_ = 	snop  }
__scs_overlays_trampoline_lowered:
0x8: {  	[smem:$0x3FAE] =	sst s0  }
0x9: {  	[smem:$0x3FAF] =	sst s1  }
0xa: {  	[smem:$0x3FB0] =	sst s2  }
0xb: {  	[smem:$0x3FB1] =	sst s3  }
0xc: {  	[smem:$0x3FB2] =	sst s4  }
0xd: {  	[smem:$0x3FB3] =	sst s5  }
0xe: {  	[smem:$0x3FB4] =	sst s6  }
0xf: {  	[smem:$0x3FB5] =	sst s7  }
0x10: {  	[smem:$0x3FB6] =	sst s8  }
0x11: {  	[smem:$0x3FB7] =	sst s9;
	s0 =	simm.s32 @!p0 $0x0  }
0x12: {  	s1 =	sld [smem:$0x3F9D];
	s0 =	simm.s32 @p0 $0x1  }
0x13: {  	[smem:$0x3FB8] =	sst s0;
	s0 =	simm.s32 @!p1 $0x0  }
0x14: {  	s2 =	sld [smem:$0x3F9C];
	s0 =	simm.s32 @p1 $0x1  }
0x15: {  	[smem:$0x3FB9] =	sst s0;
	s0 =	simm.s32 @!p2 $0x0  }
0x16: {  	s3 =	sld [smem:$0x3FDB];
	s0 =	simm.s32 @p2 $0x1  }
0x17: {  	s4 =	simm.s32 $0x1BF5;
	[smem:$0x3FBB] =	sst s0  }
0x18: {  	s0 =	sld [smem:$0x3F9E];
	_ =	swait.ge [sflag:s4], $0x0  }
0x19: {  	s7 =	sld [smem:$0x3F9F]  }
0x1a: {  	s8 =	sadd.s32 $0xFFFFE003, lr  }
0x1b: {  	s9 =	sadd.s32 $0xFFFFFEF7, lr;
	s5 =	simm.s32 $0xFFFFFFFF;
	p2 =	slt.u32 s8, $0xFFFFF086  }
0x1c: {  	p1 =	slt.u32 s9, $0xF7A;
	s5 =	simm.s32 @!p2 $0x0  }
0x1d: {  	s5 =	simm.s32 @p1 $0x1;
	p0 =	seq.s32 s7, s2  }
0x1e: {  	s7 =	smul.u32 @!p0 $0xF7A, s2;
	p2 =	seq.s32 @!p0 s5, $0x0  }
0x1f: {  	s9 =	smul.u32 $0xF7A, s1;
	s8 =	simm.s32 @!p0 $0x1BF5;
	p2 =	por !p2, p0  }
0x20: {  	[sflag:s8] =	ssyncset.s32 @!p0 $0xFFFFF086;
	s6 =	sadd.s32 @!p0 s3, s7;
	s7 =	simm.s32 @!p0 $0x108  }
0x21: {  	s3 =	sadd.s32 s3, s9;
	s6 =	sadd.s32 @!p0 $0x88, s6;
	s7 =	simm.s32 @p2 $0x1082  }
0x22: {  	[simem:s7], [sflag:s8] =	dma.local @!p0 [hbm:s6], $0xF7A  }
0x23: {  	s9 =	sor.u32 $0xD0000000, s2;
	s6 =	simm.s32 $0x108;
	_ =	swait.ge @!p0 [sflag:s8], $0x0  }
0x24: {  	s3 =	sadd.s32 $0x88, s3;
	s6 =	simm.s32 @!p1 $0x1082;
	[sflag:s4] =	ssyncset.s32 $0xFFFFF086  }
0x25: {  	[simem:s6], [sflag:s4] =	dma.local [hbm:s3], $0xF7A  }
0x26: {  	[smem:$0x3F9F] =	sst s1;
	(tag) =	ssettag s2;
	_ =	strace s9  }
0x27: {  	s1 =	sld [smem:$0x3FAF]  }
0x28: {  	s2 =	sld [smem:$0x3FB0]  }
0x29: {  	s4 =	sld [smem:$0x3FB2]  }
0x2a: {  	p0 =	seq.s32 s5, $0x0;
	s5 =	sld [smem:$0x3FB3]  }
0x2b: {  	s6 =	sld [smem:$0x3FB4]  }
0x2c: {  	s7 =	sld [smem:$0x3FB5]  }
0x2d: {  	s3 =	simm.s32 $0x108;
	s8 =	sld [smem:$0x3FB6]  }
0x2e: {  	s3 =	simm.s32 @!p0 $0x1082;
	s9 =	sld [smem:$0x3FB7]  }
0x2f: {  	lr =	sadd.s32 s0, s3;
	s0 =	sld [smem:$0x3FAE]  }
0x30: {  	s3 =	sld [smem:$0x3FB1]  }
0x31: {  	[smem:$0x3FBA] =	sst s10  }
0x32: {  	s10 =	sld [smem:$0x3FB8];
	_ =	sdelay $0x3  }
0x33: {  	p0 =	seq.s32 s10, $0x1;
	s10 =	sld [smem:$0x3FBA];
	_ =	sdelay $0x3  }
0x34: {  	[smem:$0x3FBA] =	sst s10  }
0x35: {  	s10 =	sld [smem:$0x3FB9];
	_ =	sdelay $0x3  }
0x36: {  	p1 =	seq.s32 s10, $0x1;
	s10 =	sld [smem:$0x3FBA];
	_ =	sdelay $0x3  }
0x37: {  	[smem:$0x3FBA] =	sst s10  }
0x38: {  	s10 =	sld [smem:$0x3FBB]  }
0x39: {  	_ = 	snop;
	(pc) =	sbr.ind lr, $3  }
0x3a: {  	_ = 	snop  }
0x3b: {  	_ = 	snop  }
0x3c: {  	p2 =	seq.s32 s10, $0x1;
	s10 =	sld [smem:$0x3FBA]  }
0x3d: {  	_ =	shalt  }
0x3e: {  	_ =	shalt  }
0x3f: {  	_ =	shalt  }
0x40: {  	_ =	shalt  }
0x41: {  	_ =	shalt  }
0x42: {  	_ =	shalt  }
0x43: {  	_ =	shalt  }
0x44: {  	_ =	shalt  }
0x45: {  	_ =	shalt  }
0x46: {  	_ =	shalt  }
0x47: {  	_ =	shalt  }
0x48: {  	_ =	shalt  }
0x49: {  	_ =	shalt  }
0x4a: {  	_ =	shalt  }
0x4b: {  	_ =	shalt  }
0x4c: {  	_ =	shalt  }
0x4d: {  	_ =	shalt  }
0x4e: {  	_ =	shalt  }
0x4f: {  	_ =	shalt  }
0x50: {  	_ =	shalt  }
0x51: {  	_ =	shalt  }
0x52: {  	_ =	shalt  }
0x53: {  	_ =	shalt  }
0x54: {  	_ =	shalt  }
0x55: {  	_ =	shalt  }
0x56: {  	_ =	shalt  }
0x57: {  	_ =	shalt  }
0x58: {  	_ =	shalt  }
0x59: {  	_ =	shalt  }
0x5a: {  	_ =	shalt  }
0x5b: {  	_ =	shalt  }
0x5c: {  	_ =	shalt  }
0x5d: {  	_ =	shalt  }
0x5e: {  	_ =	shalt  }
0x5f: {  	_ =	shalt  }
0x60: {  	_ =	shalt  }
0x61: {  	_ =	shalt  }
0x62: {  	_ =	shalt  }
0x63: {  	_ =	shalt  }
0x64: {  	_ =	shalt  }
0x65: {  	_ =	shalt  }
0x66: {  	_ =	shalt  }
0x67: {  	_ =	shalt  }
0x68: {  	_ =	shalt  }
0x69: {  	_ =	shalt  }
0x6a: {  	_ =	shalt  }
0x6b: {  	_ =	shalt  }
0x6c: {  	_ =	shalt  }
0x6d: {  	_ =	shalt  }
0x6e: {  	_ =	shalt  }
0x6f: {  	_ =	shalt  }
0x70: {  	_ =	shalt  }
0x71: {  	_ =	shalt  }
0x72: {  	_ =	shalt  }
0x73: {  	_ =	shalt  }
0x74: {  	_ =	shalt  }
0x75: {  	_ =	shalt  }
0x76: {  	_ =	shalt  }
0x77: {  	_ =	shalt  }
0x78: {  	_ =	shalt  }
0x79: {  	_ =	shalt  }
0x7a: {  	_ =	shalt  }
0x7b: {  	_ =	shalt  }
0x7c: {  	_ =	shalt  }
0x7d: {  	_ =	shalt  }
0x7e: {  	_ =	shalt  }
0x7f: {  	_ =	shalt  }
0x80: {  	_ =	shalt  }
0x81: {  	_ =	shalt  }
0x82: {  	_ =	shalt  }
0x83: {  	_ =	shalt  }
0x84: {  	_ =	shalt  }
0x85: {  	_ =	shalt  }
0x86: {  	_ =	shalt  }
0x87: {  	_ =	shalt  }
.Lfunc_end0:
.L_simem_size_0:
called_computation_lowered:
.L_overlay_start_0:
0x88: {  	s2 =	sld [smem:$0x3FD9]  }
0x89: {  	s3 =	sld [smem:$0x3FFE];
	_ =	sdelay $0x1  }
0x8a: {  	s1 =	srdreg.scid  }
0x8b: {  	s0 =	sand.u32 $0x1, s1  }
0x8c: {  	s15 =	sshll.u32 s0, $0xA;
	s2 =	sadd.s32 s3, s2  }
0x8d: {  	s2 =	sadd.s32 s2, s15  }
0x8e: {  	[smem:$0x3FC6] =	sst s2  }
0x8f: {  	_ = 	snop  }
0x90: {  	s2 =	sld [smem:$0x3FD0];
	_ =	sdelay $0x2  }
0x91: {  	s16 =	simm.s32 $0xB;
	s4 =	simm.s32 $0x10  }
0x92: {  	[smem:s4], [sflag:s16] =	dma.local [hbm:s2], $0x1  }
0x93: {  	_ =	swait.eq [sflag:s16], $0x1  }
0x94: {  	[sflag:s16] =	ssyncset.done $0x0  }
0x95: {  	[sflag:s16] =	ssyncadd.s32 $0xFFFFFFFF  }
0x96: {  	s17 =	sld [smem:$0x11];
	(tm) =	ssettm $0x1  }
0x97: {  	s18 =	sld [smem:$0x3FFB];
	_ =	sdelay $0x3  }
0x98: {  	_ =	strace s18  }
0x99: {  	s2 =	sld [smem:$0x3FFC];
	_ =	sdelay $0x3  }
0x9a: {  	_ =	strace s2  }
0x9b: {  	s2 =	sld [smem:$0x3FFD];
	_ =	sdelay $0x3  }
0x9c: {  	_ =	strace s2  }
0x9d: {  	_ =	strace $0x8FFFFFFF  }
0x9e: {  	s19 =	sld [smem:$0x3FDB];
	_ =	sdelay $0x1  }
0x9f: {  	s20 =	simm.s32 $_scs_section_size  }
0xa0: {  	s5 =	simm.s32 $_size__tile_overlayer_lowered;
	s6 =	simm.s32 $_tile_overlayer_lowered  }
0xa1: {  	s7 =	simm.s32 $0x1BFF;
	s21 =	sshll.u32 s6, $0x1;
	s4 =	sadd.s32 s20, s19  }
0xa2: {  	s22 =	simm.s32 $0x0;
	s5 =	sshll.u32 s5, $0x1;
	s6 =	sadd.s32 s21, s4  }
0xa3: {  	[timem:s22], [sflag:s7] =	dma.local [hbm:s6], s5  }
0xa4: {  	_ =	swait.ge [sflag:s7], s5  }
0xa5: {  	s5 =	ssub.s32 $0x0, s5;
	[sflag:s7] =	ssyncset.done $0x0  }
0xa6: {  	[sflag:s7] =	ssyncadd.s32 s5;
	_ =	sdelay $0x1  }
0xa7: {  	s23 =	simm.s32 $0x1B8B  }
0xa8: {  	_ =	swait.ge [sflag:s23], $0x1  }
0xa9: {  	[sflag:s23] =	ssyncset.done $0x0  }
0xaa: {  	[sflag:s23] =	ssyncadd.s32 $0xFFFFFFFF  }
0xab: {  	s5 =	sld [smem:$0x0]  }
0xac: {  	s6 =	sand.u32 $0xFFFFFFFE, s1  }
0xad: {  	p0 =	sne.s32 s1, s6  }
0xae: {  	s6 =	sshll.u32 @p0 s6, $0xE  }
0xaf: {  	s6 =	sadd.s32 @p0 $0x11B8D, s6;
	s7 =	sshll.u32 @p0 s5, $0x11  }
0xb0: {  	s6 =	sor.u32 @p0 s7, s6  }
0xb1: {  	[sflag:s6] =	ssyncadd.remote.s32 @p0 $0x1;
	_ =	sdelay $0x1  }
0xb2: {  	s6 =	simm.s32 @p0 $0x1B8D  }
0xb3: {  	_ =	swait.eq @p0 [sflag:s6], $0x1  }
0xb4: {  	[sflag:s6] =	ssyncadd.s32 @p0 $0xFFFFFFFF  }
0xb5: {  	s7 =	sshll.u32 @!p0 s1, $0xE  }
0xb6: {  	s7 =	sor.u32 @!p0 $0x4000, s7;
	s6 =	simm.s32 @!p0 $0x1B8D  }
0xb7: {  	s5 =	sshll.u32 @!p0 s5, $0x11;
	s7 =	sadd.s32 @!p0 $0x11B8D, s7;
	_ =	swait.eq @!p0 [sflag:s6], $0x1  }
0xb8: {  	s5 =	sor.u32 @!p0 s5, s7;
	[sflag:s6] =	ssyncadd.s32 @!p0 $0xFFFFFFFF  }
0xb9: {  	s25 =	simm.s32 $0x1B8E;
	s24 =	sld [smem:$0x3FFE];
	[sflag:s5] =	ssyncadd.remote.s32 @!p0 $0x1  }
0xba: {  	s26 =	simm.s32 $execute0_lowered;
	[smem:$0x3FD2] =	sst s25  }
0xbb: {  	s6 =	sshll.u32 s26, $0x1;
	_ =	strace $0x80000049;
	[dreg:$0x1] =	wrdreg $0xFFFFFFFF  }
0xbc: {  	s28 =	simm.s32 $_size_execute0_lowered;
	s4 =	sadd.s32 s4, s6;
	[dreg:$0x0] =	wrdreg $0x0  }
0xbd: {  	s6 =	sshll.u32 s28, $0x1;
	[dreg:$0x2] =	wrdreg s4  }
0xbe: {  	[dreg:$0x3] =	wrdreg s6  }
0xbf: {  	[dreg:$0x4] =	wrdreg $0xC0  }
0xc0: {  	_ =	task [dreg:s22], $0x5FFFF  }
0xc1: {  	[dreg:$0x1] =	wrdreg $0xFFFFFFFF  }
0xc2: {  	[dreg:$0x0] =	wrdreg $0x60  }
0xc3: {  	[dreg:$0x2] =	wrdreg s24  }
0xc4: {  	[dreg:$0x3] =	wrdreg s17  }
0xc5: {  	[dreg:$0x4] =	wrdreg $0x9  }
0xc6: {  	_ =	task.clear_ibuf [dreg:s22], $0x5FFFF;
	_ =	strace $0x90000049  }
0xc7: {  	s29 =	simm.s32 $0x9;
	_ =	strace $0x8000004B  }
0xc8: {  	_ =	swait.ge [sflag:s29], $0x1  }
0xc9: {  	[sflag:s29] =	ssyncadd.s32 $0xFFFFFFFF  }
0xca: {  	_ =	strace $0x9000004B  }
0xcb: {  	_ =	sfence  }
0xcc: {  	s30 =	sld [smem:$0x0];
	_ =	sdelay $0x2  }
0xcd: {  	s31 =	sshll.u32 s1, $0xD;
	s1 =	sshrl.u32 s1, $0x2  }
0xce: {  	s4 =	sand.u32 $0x4000, s31;
	s1 =	sadd.s32 s1, s30  }
0xcf: {  	s0 =	sor.u32 s4, s0;
	s1 =	sshll.u32 s1, $0x11  }
0xd0: {  	s0 =	sor.u32 s1, s0  }
0xd1: {  	s0 =	sadd.s32 $0x8F2B, s0  }
0xd2: {  	[sflag:s0] =	ssyncadd.remote.s32 $0x1  }
0xd3: {  	_ =	sfence.sel $0xFFFF  }
0xd4: {  	[dreg:$0x0] =	wrdreg $0xFFFFFFFF;
	(pc) =	sbr.abs _section_cstart, $3  }
0xd5: {  	[dreg:$0x1] =	wrdreg $0xFFFFFFFF  }
0xd6: {  	_ =	task.clear_ibuf [dreg:s22], $0x2FFFF;
	_ =	strace $0x9FFFFFFF  }
0xd7: {  	(tm) =	ssettm $0x7FFFFFFF  }
tec
execute0_lowered:
.L_overlay_start_1:
0x0: {  	(tag) =	ssettag $0x1  }
0x1: {  	s3 =	rddreg [dreg:$0x0]  }
0x2: {  	s4 =	rddreg [dreg:$0x1]  }
0x3: {  	s0 =	rddreg [dreg:$0x2]  }
0x4: {  	s2 =	simm.s32 $0x0;
	s1 =	stileid.u32;
	s5 =	srdreg.scid  }
0x5: {  	s10 =	simm.s32 $0x400;
	s11 =	simm.s32 $0x1;
	s12 =	simm.s32 $0x8000  }
0x6: {  	s13 =	simm.s32 $0x8200;
	s14 =	simm.s32 $0x8400;
	s15 =	simm.s32 $0x8600  }
0x7: {  	s16 =	simm.s32 $0x0;
	s6 =	sshll.u32 s1, $0xD;
	s5 =	sand.u32 $0x1, s5  }
0x8: {  	s7 =	sshll.u32 s1, $0x1;
	[smem:$0x7FF] =	sst s2;
	s6 =	sand.u32 $0x18000, s6  }
0x9: {  	s7 =	sor.u32 s5, s7;
	_ =	strace $0x8000004A;
	s5 =	ssub.s32 $0x2, s5  }
0xa: {  	s6 =	sadd.s32 s6, s3;
	s8 =	sshll.u32 s7, $0x4;
	s7 =	sshll.u32 s7, $0x6  }
0xb: {  	s30 =	sshrl.u32 s5, $0x1;
	s8 =	sand.u32 $0x70, s8;
	s9 =	sadd.s32 s7, s3  }
0xc: {  	s31 =	ssub.s32 s5, s30;
	s4 =	sadd.s32 s4, s7;
	s6 =	sadd.s32 s8, s6  }
0xd: {  	s5 =	sadd.s32 $0x43200, s9;
	s7 =	sadd.s32 $0x44200, s9;
	s8 =	smax.u32 s31, $0x1  }
0xe: {  	v0 =	vimm.s32 $0x0;
	s3 =	sadd.s32 $0x23200, s6;
	s6 =	sadd.s32 $0x43A00, s9;
	s9 =	simm.s32 $0x80  }
.LBB2_1:
0xf: {  	[tilespmem:s2], [sflag:$0x1] =	stream.strided.gather [hbm4b:s3+s9], $0x8000, s10, s9, $0x38;
	[tilespmem:$0x8800] =	vst v63  }
0x10: {  	s17 =	simm.s32 $0x8600;
	s18 =	simm.s32 $0x8400;
	_ =	swait.ge [sflag:s11], $0x8000  }
0x11: {  	s19 =	simm.s32 $0x8200;
	s20 =	simm.s32 $0x8000;
	[sflag:s11] =	ssyncset.done $0x0  }
0x12: {  	s21 =	simm.s32 $0x0;
	s22 =	simm.s32 $0x0;
	[sflag:s11] =	ssyncadd.s32 $0xFFFF8000  }
.LBB2_2:
0x13: {  	v1 =	vld [tilespmem:s21+$0x0];
	s23 =	sand.u32 $0x1F0, s22  }
0x14: {  	v2 =	vld [tilespmem:s23+$0x200];
	_ =	sdelay $0x1  }
0x15: {  	v3 =	vld [tilespmem:s23+$0x400];
	_ =	sdelay $0x1  }
0x16: {  	v4 =	vld [tilespmem:s23+$0x600]  }
0x17: {  	vm0 =	vgt.f32 v2, v1;
	vm1 =	vlt.f32 v2, $-Inf;
	vm2 =	vgt.f32 v2, $-Inf  }
0x18: {  	v8 =	vld [tilespmem:s23+$0x800];
	v5 =	vmin.f32 v2, v1;
	v1 =	vmax.f32 v1, v2;
	vm3 =	vmneg vm0  }
0x19: {  	vm1 =	vmor vm2, vm1;
	v2 =	vsel vm0, $0x1, v0;
	vm12 =	vgt.f32 v3, v5  }
0x1a: {  	v18 =	vld [tilespmem:s23+$0xA00];
	vm13 =	vgt.f32 v3, v1;
	v7 =	vmin.f32 v3, v1;
	v1 =	vmax.f32 v1, v3  }
0x1b: {  	vm1 =	vmand vm3, vm1;
	v5 =	vmax.f32 v5, v7;
	vm15 =	vgt.f32 v4, v1  }
0x1c: {  	v3 =	vmin.f32 v4, v1;
	v1 =	vmax.f32 v1, v4;
	v6 =	vsel vm1, $0x1, v0  }
0x1d: {  	v20 =	vld [tilespmem:s23+$0xC00];
	vm14 =	vgt.f32 v4, v5;
	v3 =	vmax.f32 v5, v3;
	vm5 =	vgt.f32 v8, v1  }
0x1e: {  	v4 =	vmin.f32 v8, v1;
	v1 =	vmax.f32 v1, v8;
	v6 =	vsel vm12, $0x2, v6  }
0x1f: {  	v23 =	vld [tilespmem:s23+$0xE00];
	vm4 =	vgt.f32 v8, v3;
	v3 =	vmax.f32 v3, v4;
	vm7 =	vgt.f32 v18, v1  }
0x20: {  	v22 =	vmin.f32 v18, v1;
	v1 =	vmax.f32 v1, v18;
	v6 =	vsel vm13, v2, v6  }
0x21: {  	v25 =	vld [tilespmem:s23+$0x1000];
	v2 =	vsel vm13, $0x2, v2;
	vm6 =	vgt.f32 v18, v3;
	v3 =	vmax.f32 v3, v22  }
0x22: {  	vm9 =	vgt.f32 v20, v1;
	v24 =	vmin.f32 v20, v1;
	v1 =	vmax.f32 v1, v20  }
0x23: {  	v27 =	vld [tilespmem:s23+$0x1200];
	v6 =	vsel vm14, $0x3, v6;
	vm8 =	vgt.f32 v20, v3;
	v3 =	vmax.f32 v3, v24  }
0x24: {  	vm11 =	vgt.f32 v23, v1;
	v26 =	vmin.f32 v23, v1;
	v1 =	vmax.f32 v1, v23  }
0x25: {  	v29 =	vld [tilespmem:s23+$0x1400];
	v19 =	vsel vm15, v2, v6;
	v2 =	vsel vm15, $0x3, v2;
	vm10 =	vgt.f32 v23, v3  }
0x26: {  	v3 =	vmax.f32 v3, v26;
	vm13 =	vgt.f32 v25, v1;
	v28 =	vmin.f32 v25, v1  }
0x27: {  	v31 =	vld [tilespmem:s23+$0x1600];
	v1 =	vmax.f32 v1, v25;
	v5 =	vsel vm4, $0x4, v19;
	vm12 =	vgt.f32 v25, v3  }
0x28: {  	v3 =	vmax.f32 v3, v28;
	vm15 =	vgt.f32 v27, v1;
	v30 =	vmin.f32 v27, v1  }
0x29: {  	v1 =	vmax.f32 v1, v27;
	v21 =	vsel vm5, v2, v5;
	v2 =	vsel vm5, $0x4, v2  }
0x2a: {  	v33 =	vld [tilespmem:s23+$0x1800];
	vm14 =	vgt.f32 v27, v3;
	v3 =	vmax.f32 v3, v30;
	vm5 =	vgt.f32 v29, v1  }
0x2b: {  	v32 =	vmin.f32 v29, v1;
	v1 =	vmax.f32 v1, v29;
	v4 =	vsel vm6, $0x5, v21  }
0x2c: {  	vm4 =	vgt.f32 v29, v3;
	v3 =	vmax.f32 v3, v32;
	v34 =	vmin.f32 v31, v1  }
0x2d: {  	v35 =	vld [tilespmem:s23+$0x1A00];
	v4 =	vsel vm7, v2, v4;
	v2 =	vsel vm7, $0x5, v2;
	vm6 =	vgt.f32 v31, v3  }
0x2e: {  	vm7 =	vgt.f32 v31, v1;
	v3 =	vmax.f32 v3, v34;
	v1 =	vmax.f32 v1, v31  }
0x2f: {  	v37 =	vld [tilespmem:s23+$0x1C00];
	v4 =	vsel vm8, $0x6, v4;
	vm8 =	vgt.f32 v33, v3;
	v36 =	vmin.f32 v33, v1  }
0x30: {  	v4 =	vsel vm9, v2, v4;
	v2 =	vsel vm9, $0x6, v2;
	vm9 =	vgt.f32 v33, v1  }
0x31: {  	v3 =	vmax.f32 v3, v36;
	v1 =	vmax.f32 v1, v33;
	v4 =	vsel vm10, $0x7, v4  }
0x32: {  	v39 =	vld [tilespmem:s23+$0x1E00];
	vm10 =	vgt.f32 v35, v3;
	v38 =	vmin.f32 v35, v1;
	v4 =	vsel vm11, v2, v4  }
0x33: {  	v2 =	vsel vm11, $0x7, v2;
	vm11 =	vgt.f32 v35, v1;
	v3 =	vmax.f32 v3, v38  }
0x34: {  	v1 =	vmax.f32 v1, v35;
	v4 =	vsel vm12, $0x8, v4;
	vm12 =	vgt.f32 v37, v3  }
0x35: {  	v41 =	vld [tilespmem:s23+$0x2000];
	v40 =	vmin.f32 v37, v1;
	v4 =	vsel vm13, v2, v4;
	v2 =	vsel vm13, $0x8, v2  }
0x36: {  	vm13 =	vgt.f32 v37, v1;
	v3 =	vmax.f32 v3, v40;
	v1 =	vmax.f32 v1, v37  }
0x37: {  	v43 =	vld [tilespmem:s23+$0x2200];
	v4 =	vsel vm14, $0x9, v4;
	vm14 =	vgt.f32 v39, v3;
	v42 =	vmin.f32 v39, v1  }
0x38: {  	v4 =	vsel vm15, v2, v4;
	v2 =	vsel vm15, $0x9, v2;
	vm15 =	vgt.f32 v39, v1  }
0x39: {  	v3 =	vmax.f32 v3, v42;
	v1 =	vmax.f32 v1, v39;
	v4 =	vsel vm4, $0xA, v4  }
0x3a: {  	v45 =	vld [tilespmem:s23+$0x2400];
	vm4 =	vgt.f32 v41, v3;
	v44 =	vmin.f32 v41, v1;
	v4 =	vsel vm5, v2, v4  }
0x3b: {  	v2 =	vsel vm5, $0xA, v2;
	vm5 =	vgt.f32 v41, v1;
	v3 =	vmax.f32 v3, v44  }
0x3c: {  	v1 =	vmax.f32 v1, v41;
	v4 =	vsel vm6, $0xB, v4;
	vm6 =	vgt.f32 v43, v3  }
0x3d: {  	v47 =	vld [tilespmem:s23+$0x2600];
	v46 =	vmin.f32 v43, v1;
	v4 =	vsel vm7, v2, v4;
	v2 =	vsel vm7, $0xB, v2  }
0x3e: {  	vm7 =	vgt.f32 v43, v1;
	v3 =	vmax.f32 v3, v46;
	v1 =	vmax.f32 v1, v43  }
0x3f: {  	v49 =	vld [tilespmem:s23+$0x2800];
	v4 =	vsel vm8, $0xC, v4;
	vm8 =	vgt.f32 v45, v3;
	v48 =	vmin.f32 v45, v1  }
0x40: {  	v4 =	vsel vm9, v2, v4;
	v2 =	vsel vm9, $0xC, v2;
	vm9 =	vgt.f32 v45, v1  }
0x41: {  	v3 =	vmax.f32 v3, v48;
	v1 =	vmax.f32 v1, v45;
	v4 =	vsel vm10, $0xD, v4  }
0x42: {  	v51 =	vld [tilespmem:s23+$0x2A00];
	vm10 =	vgt.f32 v47, v3;
	v50 =	vmin.f32 v47, v1;
	v4 =	vsel vm11, v2, v4  }
0x43: {  	v2 =	vsel vm11, $0xD, v2;
	vm11 =	vgt.f32 v47, v1;
	v3 =	vmax.f32 v3, v50  }
0x44: {  	v1 =	vmax.f32 v1, v47;
	v4 =	vsel vm12, $0xE, v4;
	vm12 =	vgt.f32 v49, v3  }
0x45: {  	v53 =	vld [tilespmem:s23+$0x2C00];
	v52 =	vmin.f32 v49, v1;
	v4 =	vsel vm13, v2, v4;
	v2 =	vsel vm13, $0xE, v2  }
0x46: {  	vm13 =	vgt.f32 v49, v1;
	v3 =	vmax.f32 v3, v52;
	v1 =	vmax.f32 v1, v49  }
0x47: {  	v55 =	vld [tilespmem:s23+$0x2E00];
	v4 =	vsel vm14, $0xF, v4;
	vm14 =	vgt.f32 v51, v3;
	v54 =	vmin.f32 v51, v1  }
0x48: {  	v4 =	vsel vm15, v2, v4;
	v2 =	vsel vm15, $0xF, v2;
	vm15 =	vgt.f32 v51, v1  }
0x49: {  	v3 =	vmax.f32 v3, v54;
	v1 =	vmax.f32 v1, v51;
	v4 =	vsel vm4, $0x10, v4  }
0x4a: {  	v57 =	vld [tilespmem:s23+$0x3000];
	vm4 =	vgt.f32 v53, v3;
	v56 =	vmin.f32 v53, v1;
	v4 =	vsel vm5, v2, v4  }
0x4b: {  	v2 =	vsel vm5, $0x10, v2;
	vm5 =	vgt.f32 v53, v1;
	v3 =	vmax.f32 v3, v56  }
0x4c: {  	v1 =	vmax.f32 v1, v53;
	v4 =	vsel vm6, $0x11, v4;
	vm6 =	vgt.f32 v55, v3  }
0x4d: {  	v59 =	vld [tilespmem:s23+$0x3200];
	v58 =	vmin.f32 v55, v1;
	v4 =	vsel vm7, v2, v4;
	v2 =	vsel vm7, $0x11, v2  }
0x4e: {  	vm7 =	vgt.f32 v55, v1;
	v3 =	vmax.f32 v3, v58;
	v1 =	vmax.f32 v1, v55  }
0x4f: {  	v61 =	vld [tilespmem:s23+$0x3400];
	v4 =	vsel vm8, $0x12, v4;
	vm8 =	vgt.f32 v57, v3;
	v60 =	vmin.f32 v57, v1  }
0x50: {  	v4 =	vsel vm9, v2, v4;
	v2 =	vsel vm9, $0x12, v2;
	vm9 =	vgt.f32 v57, v1  }
0x51: {  	v3 =	vmax.f32 v3, v60;
	v1 =	vmax.f32 v1, v57;
	v4 =	vsel vm10, $0x13, v4  }
0x52: {  	v63 =	vld [tilespmem:s23+$0x3600];
	vm10 =	vgt.f32 v59, v3;
	v62 =	vmin.f32 v59, v1;
	v4 =	vsel vm11, v2, v4  }
0x53: {  	v2 =	vsel vm11, $0x13, v2;
	vm11 =	vgt.f32 v59, v1;
	v3 =	vmax.f32 v3, v62  }
0x54: {  	v1 =	vmax.f32 v1, v59;
	v4 =	vsel vm12, $0x14, v4;
	vm12 =	vgt.f32 v61, v3  }
0x55: {  	v13 =	vld [tilespmem:s23+$0x3800];
	v12 =	vmin.f32 v61, v1;
	v4 =	vsel vm13, v2, v4;
	v2 =	vsel vm13, $0x14, v2  }
0x56: {  	vm13 =	vgt.f32 v61, v1;
	v3 =	vmax.f32 v3, v12;
	v1 =	vmax.f32 v1, v61  }
0x57: {  	v15 =	vld [tilespmem:s23+$0x3A00];
	v4 =	vsel vm14, $0x15, v4;
	vm14 =	vgt.f32 v63, v3;
	v14 =	vmin.f32 v63, v1  }
0x58: {  	v4 =	vsel vm15, v2, v4;
	v2 =	vsel vm15, $0x15, v2;
	vm15 =	vgt.f32 v63, v1  }
0x59: {  	v3 =	vmax.f32 v3, v14;
	v1 =	vmax.f32 v1, v63;
	v4 =	vsel vm4, $0x16, v4  }
0x5a: {  	v17 =	vld [tilespmem:s23+$0x3C00];
	vm4 =	vgt.f32 v13, v3;
	v16 =	vmin.f32 v13, v1;
	v4 =	vsel vm5, v2, v4  }
0x5b: {  	v2 =	vsel vm5, $0x16, v2;
	vm5 =	vgt.f32 v13, v1;
	v3 =	vmax.f32 v3, v16  }
0x5c: {  	v1 =	vmax.f32 v1, v13;
	v4 =	vsel vm6, $0x17, v4;
	vm6 =	vgt.f32 v15, v3  }
0x5d: {  	v19 =	vld [tilespmem:s23+$0x3E00];
	v18 =	vmin.f32 v15, v1;
	v4 =	vsel vm7, v2, v4;
	v2 =	vsel vm7, $0x17, v2  }
0x5e: {  	vm7 =	vgt.f32 v15, v1;
	v3 =	vmax.f32 v3, v18;
	v1 =	vmax.f32 v1, v15  }
0x5f: {  	v21 =	vld [tilespmem:s23+$0x4000];
	v4 =	vsel vm8, $0x18, v4;
	vm8 =	vgt.f32 v17, v3;
	v20 =	vmin.f32 v17, v1  }
0x60: {  	v4 =	vsel vm9, v2, v4;
	v2 =	vsel vm9, $0x18, v2;
	vm9 =	vgt.f32 v17, v1  }
0x61: {  	v3 =	vmax.f32 v3, v20;
	v1 =	vmax.f32 v1, v17;
	v4 =	vsel vm10, $0x19, v4  }
0x62: {  	v23 =	vld [tilespmem:s23+$0x4200];
	vm10 =	vgt.f32 v19, v3;
	v22 =	vmin.f32 v19, v1;
	v4 =	vsel vm11, v2, v4  }
0x63: {  	v2 =	vsel vm11, $0x19, v2;
	vm11 =	vgt.f32 v19, v1;
	v3 =	vmax.f32 v3, v22  }
0x64: {  	v1 =	vmax.f32 v1, v19;
	v4 =	vsel vm12, $0x1A, v4;
	vm12 =	vgt.f32 v21, v3  }
0x65: {  	v25 =	vld [tilespmem:s23+$0x4400];
	v24 =	vmin.f32 v21, v1;
	v4 =	vsel vm13, v2, v4;
	v2 =	vsel vm13, $0x1A, v2  }
0x66: {  	vm13 =	vgt.f32 v21, v1;
	v3 =	vmax.f32 v3, v24;
	v1 =	vmax.f32 v1, v21  }
0x67: {  	v27 =	vld [tilespmem:s23+$0x4600];
	v4 =	vsel vm14, $0x1B, v4;
	vm14 =	vgt.f32 v23, v3;
	v26 =	vmin.f32 v23, v1  }
0x68: {  	v4 =	vsel vm15, v2, v4;
	v2 =	vsel vm15, $0x1B, v2;
	vm15 =	vgt.f32 v23, v1  }
0x69: {  	v3 =	vmax.f32 v3, v26;
	v1 =	vmax.f32 v1, v23;
	v4 =	vsel vm4, $0x1C, v4  }
0x6a: {  	v29 =	vld [tilespmem:s23+$0x4800];
	vm4 =	vgt.f32 v25, v3;
	v28 =	vmin.f32 v25, v1;
	v4 =	vsel vm5, v2, v4  }
0x6b: {  	v2 =	vsel vm5, $0x1C, v2;
	vm5 =	vgt.f32 v25, v1;
	v3 =	vmax.f32 v3, v28  }
0x6c: {  	v1 =	vmax.f32 v1, v25;
	v4 =	vsel vm6, $0x1D, v4;
	vm6 =	vgt.f32 v27, v3  }
0x6d: {  	v31 =	vld [tilespmem:s23+$0x4A00];
	v30 =	vmin.f32 v27, v1;
	v4 =	vsel vm7, v2, v4;
	v2 =	vsel vm7, $0x1D, v2  }
0x6e: {  	vm7 =	vgt.f32 v27, v1;
	v3 =	vmax.f32 v3, v30;
	v1 =	vmax.f32 v1, v27  }
0x6f: {  	v33 =	vld [tilespmem:s23+$0x4C00];
	v4 =	vsel vm8, $0x1E, v4;
	vm8 =	vgt.f32 v29, v3;
	v32 =	vmin.f32 v29, v1  }
0x70: {  	v4 =	vsel vm9, v2, v4;
	v2 =	vsel vm9, $0x1E, v2;
	vm9 =	vgt.f32 v29, v1  }
0x71: {  	v3 =	vmax.f32 v3, v32;
	v1 =	vmax.f32 v1, v29;
	v4 =	vsel vm10, $0x1F, v4  }
0x72: {  	v35 =	vld [tilespmem:s23+$0x4E00];
	vm10 =	vgt.f32 v31, v3;
	v34 =	vmin.f32 v31, v1;
	v4 =	vsel vm11, v2, v4  }
0x73: {  	v2 =	vsel vm11, $0x1F, v2;
	vm11 =	vgt.f32 v31, v1;
	v3 =	vmax.f32 v3, v34  }
0x74: {  	v1 =	vmax.f32 v1, v31;
	v4 =	vsel vm12, $0x20, v4;
	vm12 =	vgt.f32 v33, v3  }
0x75: {  	v37 =	vld [tilespmem:s23+$0x5000];
	v36 =	vmin.f32 v33, v1;
	v4 =	vsel vm13, v2, v4;
	v2 =	vsel vm13, $0x20, v2  }
0x76: {  	vm13 =	vgt.f32 v33, v1;
	v3 =	vmax.f32 v3, v36;
	v1 =	vmax.f32 v1, v33  }
0x77: {  	v39 =	vld [tilespmem:s23+$0x5200];
	v4 =	vsel vm14, $0x21, v4;
	vm14 =	vgt.f32 v35, v3;
	v38 =	vmin.f32 v35, v1  }
0x78: {  	v4 =	vsel vm15, v2, v4;
	v2 =	vsel vm15, $0x21, v2;
	vm15 =	vgt.f32 v35, v1  }
0x79: {  	v3 =	vmax.f32 v3, v38;
	v1 =	vmax.f32 v1, v35;
	v4 =	vsel vm4, $0x22, v4  }
0x7a: {  	v41 =	vld [tilespmem:s23+$0x5400];
	vm4 =	vgt.f32 v37, v3;
	v40 =	vmin.f32 v37, v1;
	v4 =	vsel vm5, v2, v4  }
0x7b: {  	v2 =	vsel vm5, $0x22, v2;
	vm5 =	vgt.f32 v37, v1;
	v3 =	vmax.f32 v3, v40  }
0x7c: {  	v1 =	vmax.f32 v1, v37;
	v4 =	vsel vm6, $0x23, v4;
	vm6 =	vgt.f32 v39, v3  }
0x7d: {  	v43 =	vld [tilespmem:s23+$0x5600];
	v42 =	vmin.f32 v39, v1;
	v4 =	vsel vm7, v2, v4;
	v2 =	vsel vm7, $0x23, v2  }
0x7e: {  	vm7 =	vgt.f32 v39, v1;
	v3 =	vmax.f32 v3, v42;
	v1 =	vmax.f32 v1, v39  }
0x7f: {  	v45 =	vld [tilespmem:s23+$0x5800];
	v4 =	vsel vm8, $0x24, v4;
	vm8 =	vgt.f32 v41, v3;
	v44 =	vmin.f32 v41, v1  }
0x80: {  	v4 =	vsel vm9, v2, v4;
	v2 =	vsel vm9, $0x24, v2;
	vm9 =	vgt.f32 v41, v1  }
0x81: {  	v3 =	vmax.f32 v3, v44;
	v1 =	vmax.f32 v1, v41;
	v4 =	vsel vm10, $0x25, v4  }
0x82: {  	v47 =	vld [tilespmem:s23+$0x5A00];
	vm10 =	vgt.f32 v43, v3;
	v46 =	vmin.f32 v43, v1;
	v4 =	vsel vm11, v2, v4  }
0x83: {  	v2 =	vsel vm11, $0x25, v2;
	vm11 =	vgt.f32 v43, v1;
	v3 =	vmax.f32 v3, v46  }
0x84: {  	v1 =	vmax.f32 v1, v43;
	v4 =	vsel vm12, $0x26, v4;
	vm12 =	vgt.f32 v45, v3  }
0x85: {  	v49 =	vld [tilespmem:s23+$0x5C00];
	v48 =	vmin.f32 v45, v1;
	v4 =	vsel vm13, v2, v4;
	v2 =	vsel vm13, $0x26, v2  }
0x86: {  	vm13 =	vgt.f32 v45, v1;
	v3 =	vmax.f32 v3, v48;
	v1 =	vmax.f32 v1, v45  }
0x87: {  	v51 =	vld [tilespmem:s23+$0x5E00];
	v4 =	vsel vm14, $0x27, v4;
	vm14 =	vgt.f32 v47, v3;
	v50 =	vmin.f32 v47, v1  }
0x88: {  	v4 =	vsel vm15, v2, v4;
	v2 =	vsel vm15, $0x27, v2;
	vm15 =	vgt.f32 v47, v1  }
0x89: {  	v3 =	vmax.f32 v3, v50;
	v1 =	vmax.f32 v1, v47;
	v4 =	vsel vm4, $0x28, v4  }
0x8a: {  	v53 =	vld [tilespmem:s23+$0x6000];
	vm4 =	vgt.f32 v49, v3;
	v52 =	vmin.f32 v49, v1;
	v4 =	vsel vm5, v2, v4  }
0x8b: {  	v2 =	vsel vm5, $0x28, v2;
	vm5 =	vgt.f32 v49, v1;
	v3 =	vmax.f32 v3, v52  }
0x8c: {  	v55 =	vld [tilespmem:s23+$0x6200];
	v1 =	vmax.f32 v1, v49;
	v4 =	vsel vm6, $0x29, v4;
	vm6 =	vgt.f32 v51, v3  }
0x8d: {  	v54 =	vmin.f32 v51, v1;
	v4 =	vsel vm7, v2, v4;
	v2 =	vsel vm7, $0x29, v2  }
0x8e: {  	vm7 =	vgt.f32 v51, v1;
	v3 =	vmax.f32 v3, v54;
	v1 =	vmax.f32 v1, v51  }
0x8f: {  	v56 =	vld [tilespmem:s23+$0x6400];
	v4 =	vsel vm8, $0x2A, v4;
	vm8 =	vgt.f32 v53, v1;
	v9 =	vmin.f32 v53, v1  }
0x90: {  	v57 =	vld [tilespmem:s23+$0x6600];
	v1 =	vmax.f32 v1, v53;
	v4 =	vsel vm9, v2, v4;
	v2 =	vsel vm9, $0x2A, v2  }
0x91: {  	vm9 =	vgt.f32 v53, v3;
	v3 =	vmax.f32 v3, v9;
	v59 =	vmin.f32 v55, v1  }
0x92: {  	v10 =	vld [tilespmem:s23+$0x6800];
	v4 =	vsel vm10, $0x2B, v4;
	vm10 =	vgt.f32 v55, v1;
	v1 =	vmax.f32 v1, v55  }
0x93: {  	v58 =	vld [tilespmem:s23+$0x6A00];
	v9 =	vmax.f32 v3, v59;
	v4 =	vsel vm11, v2, v4;
	v2 =	vsel vm11, $0x2B, v2  }
0x94: {  	v12 =	vmin.f32 v56, v1;
	v13 =	vmax.f32 v1, v56;
	vm11 =	vgt.f32 v55, v3  }
0x95: {  	v11 =	vld [tilespmem:s23+$0x6C00];
	v4 =	vsel vm12, $0x2C, v4;
	v12 =	vmax.f32 v9, v12;
	v15 =	vmin.f32 v57, v13  }
0x96: {  	v14 =	vld [tilespmem:s23+$0x6E00];
	v16 =	vmax.f32 v13, v57;
	v4 =	vsel vm13, v2, v4;
	v2 =	vsel vm13, $0x2C, v2  }
0x97: {  	v15 =	vmax.f32 v12, v15;
	v18 =	vmin.f32 v10, v16;
	v19 =	vmax.f32 v16, v10  }
0x98: {  	v17 =	vld [tilespmem:s23+$0x7000];
	v4 =	vsel vm14, $0x2D, v4;
	v18 =	vmax.f32 v15, v18;
	v21 =	vmin.f32 v58, v19  }
0x99: {  	v20 =	vld [tilespmem:s23+$0x7200];
	v22 =	vmax.f32 v19, v58;
	v4 =	vsel vm15, v2, v4;
	v2 =	vsel vm15, $0x2D, v2  }
0x9a: {  	v21 =	vmax.f32 v18, v21;
	v24 =	vmin.f32 v11, v22;
	v25 =	vmax.f32 v22, v11  }
0x9b: {  	v23 =	vld [tilespmem:s23+$0x7400];
	v4 =	vsel vm4, $0x2E, v4;
	v24 =	vmax.f32 v21, v24;
	v27 =	vmin.f32 v14, v25  }
0x9c: {  	v26 =	vld [tilespmem:s23+$0x7600];
	v28 =	vmax.f32 v25, v14;
	v4 =	vsel vm5, v2, v4;
	v2 =	vsel vm5, $0x2E, v2  }
0x9d: {  	v29 =	vld [tilespmem:s23+$0x7800];
	v27 =	vmax.f32 v24, v27;
	v30 =	vmin.f32 v17, v28;
	v31 =	vmax.f32 v28, v17  }
0x9e: {  	v32 =	vld [tilespmem:s23+$0x7A00];
	v4 =	vsel vm6, $0x2F, v4;
	v30 =	vmax.f32 v27, v30;
	v33 =	vmin.f32 v20, v31  }
0x9f: {  	v35 =	vld [tilespmem:s23+$0x7C00];
	v34 =	vmax.f32 v31, v20;
	v4 =	vsel vm7, v2, v4;
	v2 =	vsel vm7, $0x2F, v2  }
0xa0: {  	v38 =	vld [tilespmem:s23+$0x7E00];
	v33 =	vmax.f32 v30, v33;
	v36 =	vmin.f32 v23, v34;
	v37 =	vmax.f32 v34, v23  }
0xa1: {  	v36 =	vmax.f32 v33, v36;
	v39 =	vmin.f32 v26, v37;
	v40 =	vmax.f32 v37, v26  }
0xa2: {  	v39 =	vmax.f32 v36, v39;
	v41 =	vmin.f32 v29, v40;
	v42 =	vmax.f32 v40, v29  }
0xa3: {  	v41 =	vmax.f32 v39, v41;
	v43 =	vmin.f32 v32, v42;
	v44 =	vmax.f32 v42, v32  }
0xa4: {  	v43 =	vmax.f32 v41, v43;
	v45 =	vmin.f32 v35, v44;
	v46 =	vmax.f32 v44, v35  }
0xa5: {  	v4 =	vsel vm9, $0x30, v4;
	v3 =	vmax.f32 v43, v45;
	v60 =	vmin.f32 v38, v46  }
0xa6: {  	v4 =	vsel vm8, v2, v4;
	v61 =	vmax.f32 v46, v38;
	v8 =	vmax.f32 v3, v60  }
0xa7: {  	v2 =	vsel vm8, $0x30, v2;
	v4 =	vsel vm11, $0x31, v4;
	v8 =	vsub.f32 v8, v61  }
0xa8: {  	vm12 =	vgt.f32 v56, v1;
	vm13 =	vgt.f32 v56, v9;
	v1 =	vsel vm10, v2, v4  }
0xa9: {  	v2 =	vsel vm10, $0x31, v2;
	v1 =	vsel vm13, $0x32, v1;
	v62 =	vmul.f32 $1.442695020e+00, v8  }
0xaa: {  	vm14 =	vgt.f32 v57, v13;
	vm15 =	vgt.f32 v57, v12;
	v1 =	vsel vm12, v2, v1  }
0xab: {  	v2 =	vsel vm12, $0x32, v2;
	v1 =	vsel vm15, $0x33, v1;
	(erf) = vpow2.f32 v62  }
0xac: {  	vm4 =	vgt.f32 v10, v15;
	v1 =	vsel vm14, v2, v1  }
0xad: {  	vm5 =	vgt.f32 v10, v16;
	v2 =	vsel vm14, $0x33, v2;
	v1 =	vsel vm4, $0x34, v1  }
0xae: {  	vm6 =	vgt.f32 v58, v18;
	v1 =	vsel vm5, v2, v1  }
0xaf: {  	vm7 =	vgt.f32 v58, v19;
	v2 =	vsel vm5, $0x34, v2;
	v1 =	vsel vm6, $0x35, v1  }
0xb0: {  	vm8 =	vgt.f32 v11, v21;
	v1 =	vsel vm7, v2, v1  }
0xb1: {  	vm9 =	vgt.f32 v11, v22;
	v2 =	vsel vm7, $0x35, v2;
	v1 =	vsel vm8, $0x36, v1  }
0xb2: {  	vm10 =	vgt.f32 v14, v24;
	v1 =	vsel vm9, v2, v1  }
0xb3: {  	vm11 =	vgt.f32 v14, v25;
	v2 =	vsel vm9, $0x36, v2;
	v1 =	vsel vm10, $0x37, v1  }
0xb4: {  	vm13 =	vgt.f32 v17, v27;
	vm12 =	vgt.f32 v17, v28;
	v1 =	vsel vm11, v2, v1;
	v4 =	vpop (erf)  }
0xb5: {  	v2 =	vsel vm11, $0x37, v2;
	v1 =	vsel vm13, $0x38, v1;
	v4 =	vadd.f32 $1.000000000e+00, v4  }
0xb6: {  	vm15 =	vgt.f32 v20, v30;
	vm14 =	vgt.f32 v20, v31;
	v1 =	vsel vm12, v2, v1  }
0xb7: {  	v2 =	vsel vm12, $0x38, v2;
	v1 =	vsel vm15, $0x39, v1;
	(erf) = vrcp.f32 v4  }
0xb8: {  	vm4 =	vgt.f32 v23, v33;
	v1 =	vsel vm14, v2, v1  }
0xb9: {  	vm5 =	vgt.f32 v23, v34;
	v2 =	vsel vm14, $0x39, v2;
	v1 =	vsel vm4, $0x3A, v1  }
0xba: {  	vm6 =	vgt.f32 v26, v36;
	v1 =	vsel vm5, v2, v1  }
0xbb: {  	vm7 =	vgt.f32 v26, v37;
	v2 =	vsel vm5, $0x3A, v2;
	v1 =	vsel vm6, $0x3B, v1  }
0xbc: {  	vm8 =	vgt.f32 v29, v39;
	v1 =	vsel vm7, v2, v1  }
0xbd: {  	vm9 =	vgt.f32 v29, v40;
	v2 =	vsel vm7, $0x3B, v2;
	v1 =	vsel vm8, $0x3C, v1  }
0xbe: {  	vm10 =	vgt.f32 v32, v42;
	vm11 =	vgt.f32 v32, v41;
	v1 =	vsel vm9, v2, v1  }
0xbf: {  	vm13 =	vgt.f32 v35, v43;
	v2 =	vsel vm9, $0x3C, v2;
	v1 =	vsel vm11, $0x3D, v1  }
0xc0: {  	p0 =	sne.s32 s22, $0x1F0;
	vm12 =	vgt.f32 v35, v44;
	vm15 =	vgt.f32 v38, v3;
	v1 =	vsel vm10, v2, v1;
	v4 =	vpop (erf)  }
.Ltmp0:
0xc1: {  	v2 =	vsel vm10, $0x3D, v2;
	v1 =	vsel vm13, $0x3E, v1;
	v63 =	vsub.f32 $1.000000000e+00, v4;
	(pc) =	sbr.rel @p0 .LBB2_2-.Ltmp0, $4  }
0xc2: {  	vm14 =	vgt.f32 v38, v46;
	v1 =	vsel vm12, v2, v1;
	v2 =	vsel vm12, $0x3E, v2;
	[tilespmem:s20+$0x0] =	vst v4  }
0xc3: {  	v1 =	vsel vm15, $0x3F, v1;
	v3 =	vsel vm14, $0x3F, v2;
	[tilespmem:s19+$0x0] =	vst v63  }
0xc4: {  	s21 =	sadd.s32 $0x10, s21;
	s22 =	sadd.s32 $0x10, s22;
	v1 =	vsel vm14, v2, v1;
	s20 =	sadd.s32 $0x10, s20;
	[tilespmem:s18+$0x0] =	vst v3  }
0xc5: {  	s19 =	sadd.s32 $0x10, s19;
	s18 =	sadd.s32 $0x10, s18;
	[tilespmem:s17+$0x0] =	vst v1;
	s17 =	sadd.s32 $0x10, s17  }
0xc6: {  	[hbm4b:s4+s2] =	stream.linear.scatter [tilespmem:s12], [sflag:$0x1], $0x200, $0x38;
	[tilespmem:$0x8800] =	vst v63  }
0xc7: {  	_ =	swait.ge [sflag:s11], $0x200  }
0xc8: {  	[sflag:s11] =	ssyncset.done $0x0  }
0xc9: {  	[sflag:s11] =	ssyncadd.s32 $0xFFFFFE00  }
0xca: {  	[hbm4b:s5+s2] =	stream.linear.scatter [tilespmem:s13], [sflag:$0x1], $0x200, $0x38;
	[tilespmem:$0x8800] =	vst v63  }
0xcb: {  	_ =	swait.ge [sflag:s11], $0x200  }
0xcc: {  	[sflag:s11] =	ssyncset.done $0x0  }
0xcd: {  	[sflag:s11] =	ssyncadd.s32 $0xFFFFFE00  }
0xce: {  	[hbm4b:s6+s2] =	stream.linear.scatter [tilespmem:s14], [sflag:$0x1], $0x200, $0x38;
	[tilespmem:$0x8800] =	vst v63  }
0xcf: {  	s16 =	sadd.s32 $0x1, s16;
	_ =	swait.ge [sflag:s11], $0x200  }
0xd0: {  	p0 =	sne.s32 s16, s8;
	[sflag:s11] =	ssyncset.done $0x0  }
.Ltmp1:
0xd1: {  	[sflag:s11] =	ssyncadd.s32 $0xFFFFFE00;
	(pc) =	sbr.rel @p0 .LBB2_1-.Ltmp1, $4  }
0xd2: {  	[hbm4b:s7+s2] =	stream.linear.scatter [tilespmem:s15], [sflag:$0x1], $0x200, $0x38;
	[tilespmem:$0x8800] =	vst v63  }
0xd3: {  	_ =	swait.ge [sflag:s11], $0x200  }
0xd4: {  	[sflag:s11] =	ssyncset.done $0x0  }
0xd5: {  	[sflag:s11] =	ssyncadd.s32 $0xFFFFFE00  }
0xd6: {  	_ =	sfence.sel $0x180000  }
0xd7: {  	[bflag:$0x0] =	sbarrier.arrive $0xFFFF  }
0xd8: {  	p0 =	sne.s32 s1, $0x0;
	_ =	strace $0x9000004A  }
0xd9: {  	s0 =	sadd.s32 @!p0 $0x100000, s0;
	[bflag:$0x2] =	sbarrier.arrive $0xFFFF  }
0xda: {  	[sflag:s0] =	ssyncadd.tile.s32 @!p0 $0x1;
	_ =	shalt  }
.Lfunc_end2:
_tile_overlayer_lowered:
.L_overlay_start_2:
0xdb: {  	(tag) =	ssettag $0x2  }
0xdc: {  	s0 =	rddreg [dreg:$0x0];
	s2 =	stileid.u32  }
0xdd: {  	s1 =	rddreg [dreg:$0x1];
	p0 =	sne.s32 s2, $0x0  }
0xde: {  	s3 =	rddreg [dreg:$0x2];
	[bflag:$0x3] =	sbarrier.arrive $0xFFFF;
	s2 =	simm.s32 @!p0 $0x1C01  }
0xdf: {  	[timem:s3], [sflag:s2] =	dma.local @!p0 [hbm:s0], s1  }
0xe0: {  	s0 =	simm.s32 @!p0 $0x1  }
0xe1: {  	_ =	swait.ge @!p0 [sflag:s0], s1  }
0xe2: {  	s1 =	ssub.s32 @!p0 $0x0, s1;
	[sflag:s0] =	ssyncset.done @!p0 $0x0  }
0xe3: {  	[sflag:s0] =	ssyncadd.s32 @!p0 s1  }
0xe4: {  	[bflag:$0x3] =	sbarrier.arrive $0xFFFF  }
0xe5: {  	_ =	shalt  }

// kernel: kernel.9.cloned.1.call-start
scs
__scs_entry_jumppad:
0x0: {  	(pc) =	sbr.rel $0x88, $3  }
0x1: {  	(tag) =	ssettag $0x0;
	lr =	simm.s32 $0x1  }
0x2: {  	[smem:$0x3F9F] =	sst lr;
	_ =	strace $0xD0000000  }
0x3: {  	_ = 	snop  }
0x4: {  	_ = 	snop  }
0x5: {  	_ = 	snop  }
0x6: {  	_ = 	snop  }
0x7: {  	_ = 	snop  }
__scs_overlays_trampoline_lowered:
0x8: {  	[smem:$0x3FAE] =	sst s0  }
0x9: {  	[smem:$0x3FAF] =	sst s1  }
0xa: {  	[smem:$0x3FB0] =	sst s2  }
0xb: {  	[smem:$0x3FB1] =	sst s3  }
0xc: {  	[smem:$0x3FB2] =	sst s4  }
0xd: {  	[smem:$0x3FB3] =	sst s5  }
0xe: {  	[smem:$0x3FB4] =	sst s6  }
0xf: {  	[smem:$0x3FB5] =	sst s7  }
0x10: {  	[smem:$0x3FB6] =	sst s8  }
0x11: {  	[smem:$0x3FB7] =	sst s9;
	s0 =	simm.s32 @!p0 $0x0  }
0x12: {  	s1 =	sld [smem:$0x3F9D];
	s0 =	simm.s32 @p0 $0x1  }
0x13: {  	[smem:$0x3FB8] =	sst s0;
	s0 =	simm.s32 @!p1 $0x0  }
0x14: {  	s2 =	sld [smem:$0x3F9C];
	s0 =	simm.s32 @p1 $0x1  }
0x15: {  	[smem:$0x3FB9] =	sst s0;
	s0 =	simm.s32 @!p2 $0x0  }
0x16: {  	s3 =	sld [smem:$0x3FDB];
	s0 =	simm.s32 @p2 $0x1  }
0x17: {  	s4 =	simm.s32 $0x1BF5;
	[smem:$0x3FBB] =	sst s0  }
0x18: {  	s0 =	sld [smem:$0x3F9E];
	_ =	swait.ge [sflag:s4], $0x0  }
0x19: {  	s7 =	sld [smem:$0x3F9F]  }
0x1a: {  	s8 =	sadd.s32 $0xFFFFE003, lr  }
0x1b: {  	s9 =	sadd.s32 $0xFFFFFEF7, lr;
	s5 =	simm.s32 $0xFFFFFFFF;
	p2 =	slt.u32 s8, $0xFFFFF086  }
0x1c: {  	p1 =	slt.u32 s9, $0xF7A;
	s5 =	simm.s32 @!p2 $0x0  }
0x1d: {  	s5 =	simm.s32 @p1 $0x1;
	p0 =	seq.s32 s7, s2  }
0x1e: {  	s7 =	smul.u32 @!p0 $0xF7A, s2;
	p2 =	seq.s32 @!p0 s5, $0x0  }
0x1f: {  	s9 =	smul.u32 $0xF7A, s1;
	s8 =	simm.s32 @!p0 $0x1BF5;
	p2 =	por !p2, p0  }
0x20: {  	[sflag:s8] =	ssyncset.s32 @!p0 $0xFFFFF086;
	s6 =	sadd.s32 @!p0 s3, s7;
	s7 =	simm.s32 @!p0 $0x108  }
0x21: {  	s3 =	sadd.s32 s3, s9;
	s6 =	sadd.s32 @!p0 $0x88, s6;
	s7 =	simm.s32 @p2 $0x1082  }
0x22: {  	[simem:s7], [sflag:s8] =	dma.local @!p0 [hbm:s6], $0xF7A  }
0x23: {  	s9 =	sor.u32 $0xD0000000, s2;
	s6 =	simm.s32 $0x108;
	_ =	swait.ge @!p0 [sflag:s8], $0x0  }
0x24: {  	s3 =	sadd.s32 $0x88, s3;
	s6 =	simm.s32 @!p1 $0x1082;
	[sflag:s4] =	ssyncset.s32 $0xFFFFF086  }
0x25: {  	[simem:s6], [sflag:s4] =	dma.local [hbm:s3], $0xF7A  }
0x26: {  	[smem:$0x3F9F] =	sst s1;
	(tag) =	ssettag s2;
	_ =	strace s9  }
0x27: {  	s1 =	sld [smem:$0x3FAF]  }
0x28: {  	s2 =	sld [smem:$0x3FB0]  }
0x29: {  	s4 =	sld [smem:$0x3FB2]  }
0x2a: {  	p0 =	seq.s32 s5, $0x0;
	s5 =	sld [smem:$0x3FB3]  }
0x2b: {  	s6 =	sld [smem:$0x3FB4]  }
0x2c: {  	s7 =	sld [smem:$0x3FB5]  }
0x2d: {  	s3 =	simm.s32 $0x108;
	s8 =	sld [smem:$0x3FB6]  }
0x2e: {  	s3 =	simm.s32 @!p0 $0x1082;
	s9 =	sld [smem:$0x3FB7]  }
0x2f: {  	lr =	sadd.s32 s0, s3;
	s0 =	sld [smem:$0x3FAE]  }
0x30: {  	s3 =	sld [smem:$0x3FB1]  }
0x31: {  	[smem:$0x3FBA] =	sst s10  }
0x32: {  	s10 =	sld [smem:$0x3FB8];
	_ =	sdelay $0x3  }
0x33: {  	p0 =	seq.s32 s10, $0x1;
	s10 =	sld [smem:$0x3FBA];
	_ =	sdelay $0x3  }
0x34: {  	[smem:$0x3FBA] =	sst s10  }
0x35: {  	s10 =	sld [smem:$0x3FB9];
	_ =	sdelay $0x3  }
0x36: {  	p1 =	seq.s32 s10, $0x1;
	s10 =	sld [smem:$0x3FBA];
	_ =	sdelay $0x3  }
0x37: {  	[smem:$0x3FBA] =	sst s10  }
0x38: {  	s10 =	sld [smem:$0x3FBB]  }
0x39: {  	_ = 	snop;
	(pc) =	sbr.ind lr, $3  }
0x3a: {  	_ = 	snop  }
0x3b: {  	_ = 	snop  }
0x3c: {  	p2 =	seq.s32 s10, $0x1;
	s10 =	sld [smem:$0x3FBA]  }
0x3d: {  	_ =	shalt  }
0x3e: {  	_ =	shalt  }
0x3f: {  	_ =	shalt  }
0x40: {  	_ =	shalt  }
0x41: {  	_ =	shalt  }
0x42: {  	_ =	shalt  }
0x43: {  	_ =	shalt  }
0x44: {  	_ =	shalt  }
0x45: {  	_ =	shalt  }
0x46: {  	_ =	shalt  }
0x47: {  	_ =	shalt  }
0x48: {  	_ =	shalt  }
0x49: {  	_ =	shalt  }
0x4a: {  	_ =	shalt  }
0x4b: {  	_ =	shalt  }
0x4c: {  	_ =	shalt  }
0x4d: {  	_ =	shalt  }
0x4e: {  	_ =	shalt  }
0x4f: {  	_ =	shalt  }
0x50: {  	_ =	shalt  }
0x51: {  	_ =	shalt  }
0x52: {  	_ =	shalt  }
0x53: {  	_ =	shalt  }
0x54: {  	_ =	shalt  }
0x55: {  	_ =	shalt  }
0x56: {  	_ =	shalt  }
0x57: {  	_ =	shalt  }
0x58: {  	_ =	shalt  }
0x59: {  	_ =	shalt  }
0x5a: {  	_ =	shalt  }
0x5b: {  	_ =	shalt  }
0x5c: {  	_ =	shalt  }
0x5d: {  	_ =	shalt  }
0x5e: {  	_ =	shalt  }
0x5f: {  	_ =	shalt  }
0x60: {  	_ =	shalt  }
0x61: {  	_ =	shalt  }
0x62: {  	_ =	shalt  }
0x63: {  	_ =	shalt  }
0x64: {  	_ =	shalt  }
0x65: {  	_ =	shalt  }
0x66: {  	_ =	shalt  }
0x67: {  	_ =	shalt  }
0x68: {  	_ =	shalt  }
0x69: {  	_ =	shalt  }
0x6a: {  	_ =	shalt  }
0x6b: {  	_ =	shalt  }
0x6c: {  	_ =	shalt  }
0x6d: {  	_ =	shalt  }
0x6e: {  	_ =	shalt  }
0x6f: {  	_ =	shalt  }
0x70: {  	_ =	shalt  }
0x71: {  	_ =	shalt  }
0x72: {  	_ =	shalt  }
0x73: {  	_ =	shalt  }
0x74: {  	_ =	shalt  }
0x75: {  	_ =	shalt  }
0x76: {  	_ =	shalt  }
0x77: {  	_ =	shalt  }
0x78: {  	_ =	shalt  }
0x79: {  	_ =	shalt  }
0x7a: {  	_ =	shalt  }
0x7b: {  	_ =	shalt  }
0x7c: {  	_ =	shalt  }
0x7d: {  	_ =	shalt  }
0x7e: {  	_ =	shalt  }
0x7f: {  	_ =	shalt  }
0x80: {  	_ =	shalt  }
0x81: {  	_ =	shalt  }
0x82: {  	_ =	shalt  }
0x83: {  	_ =	shalt  }
0x84: {  	_ =	shalt  }
0x85: {  	_ =	shalt  }
0x86: {  	_ =	shalt  }
0x87: {  	_ =	shalt  }
.Lfunc_end0:
.L_simem_size_0:
called_computation.1_lowered:
.L_overlay_start_0:
0x88: {  	s2 =	sld [smem:$0x3FD9]  }
0x89: {  	s3 =	sld [smem:$0x3FFE];
	_ =	sdelay $0x1  }
0x8a: {  	s1 =	srdreg.scid  }
0x8b: {  	s0 =	sand.u32 $0x1, s1  }
0x8c: {  	s16 =	sshll.u32 s0, $0xA;
	s2 =	sadd.s32 s3, s2  }
0x8d: {  	s2 =	sadd.s32 s2, s16  }
0x8e: {  	[smem:$0x3FC6] =	sst s2  }
0x8f: {  	_ = 	snop  }
0x90: {  	(tm) =	ssettm $0x1  }
0x91: {  	s17 =	sld [smem:$0x3FFB];
	_ =	sdelay $0x3  }
0x92: {  	_ =	strace s17  }
0x93: {  	s2 =	sld [smem:$0x3FFC];
	_ =	sdelay $0x3  }
0x94: {  	_ =	strace s2  }
0x95: {  	s2 =	sld [smem:$0x3FFD];
	_ =	sdelay $0x3  }
0x96: {  	_ =	strace s2  }
0x97: {  	_ =	strace $0x8FFFFFFF  }
0x98: {  	s18 =	sld [smem:$0x3FDB];
	_ =	sdelay $0x1  }
0x99: {  	s19 =	simm.s32 $_scs_section_size  }
0x9a: {  	s4 =	simm.s32 $_size__tile_overlayer_lowered;
	s5 =	simm.s32 $_tile_overlayer_lowered  }
0x9b: {  	s22 =	simm.s32 $0x1BFF;
	s21 =	sshll.u32 s5, $0x1;
	s2 =	sadd.s32 s19, s18  }
0x9c: {  	s6 =	simm.s32 $0x0;
	s20 =	sshll.u32 s4, $0x1;
	s4 =	sadd.s32 s21, s2  }
0x9d: {  	[timem:s6], [sflag:s22] =	dma.local [hbm:s4], s20  }
0x9e: {  	_ =	swait.ge [sflag:s22], s20  }
0x9f: {  	s3 =	ssub.s32 $0x0, s20;
	[sflag:s22] =	ssyncset.done $0x0  }
0xa0: {  	[sflag:s22] =	ssyncadd.s32 s3;
	_ =	sdelay $0x1  }
0xa1: {  	s23 =	simm.s32 $0x1B8B  }
0xa2: {  	_ =	swait.ge [sflag:s23], $0x1  }
0xa3: {  	[sflag:s23] =	ssyncset.done $0x0  }
0xa4: {  	s25 =	simm.s32 $0x1B8E;
	s24 =	sld [smem:$0x3FFE];
	[sflag:s23] =	ssyncadd.s32 $0xFFFFFFFF  }
0xa5: {  	s26 =	simm.s32 $execute0_lowered;
	[smem:$0x3FD2] =	sst s25  }
0xa6: {  	s4 =	sshll.u32 s26, $0x1;
	_ =	strace $0x80000046;
	[dreg:$0x1] =	wrdreg $0xFFFFFFFF  }
0xa7: {  	s28 =	simm.s32 $_size_execute0_lowered;
	s2 =	sadd.s32 s2, s4;
	[dreg:$0x0] =	wrdreg $0x0  }
0xa8: {  	s4 =	sshll.u32 s28, $0x1;
	[dreg:$0x2] =	wrdreg s2  }
0xa9: {  	[dreg:$0x3] =	wrdreg s4  }
0xaa: {  	[dreg:$0x4] =	wrdreg $0xC0  }
0xab: {  	_ =	task [dreg:s6], $0x5FFFF  }
0xac: {  	[dreg:$0x1] =	wrdreg $0xFFFFFFFF  }
0xad: {  	[dreg:$0x0] =	wrdreg $0x60  }
0xae: {  	[dreg:$0x2] =	wrdreg s24  }
0xaf: {  	[dreg:$0x3] =	wrdreg $0xA  }
0xb0: {  	_ =	task.clear_ibuf [dreg:s6], $0x4FFFF;
	_ =	strace $0x90000046  }
0xb1: {  	s29 =	simm.s32 $0xA;
	_ =	strace $0x80000048  }
0xb2: {  	_ =	swait.ge [sflag:s29], $0x1  }
0xb3: {  	[sflag:s29] =	ssyncadd.s32 $0xFFFFFFFF  }
0xb4: {  	_ =	strace $0x90000048  }
0xb5: {  	_ =	sfence  }
0xb6: {  	s30 =	sld [smem:$0x0];
	_ =	sdelay $0x2  }
0xb7: {  	s31 =	sshll.u32 s1, $0xD;
	s1 =	sshrl.u32 s1, $0x2  }
0xb8: {  	s3 =	sand.u32 $0x4000, s31;
	s1 =	sadd.s32 s1, s30  }
0xb9: {  	s0 =	sor.u32 s3, s0;
	s1 =	sshll.u32 s1, $0x11  }
0xba: {  	s0 =	sor.u32 s1, s0  }
0xbb: {  	s0 =	sadd.s32 $0x8F2B, s0  }
0xbc: {  	[sflag:s0] =	ssyncadd.remote.s32 $0x1  }
0xbd: {  	_ =	sfence.sel $0xFFFF  }
0xbe: {  	[dreg:$0x0] =	wrdreg $0xFFFFFFFF;
	(pc) =	sbr.abs _section_cstart, $3  }
0xbf: {  	[dreg:$0x1] =	wrdreg $0xFFFFFFFF  }
0xc0: {  	_ =	task.clear_ibuf [dreg:s6], $0x2FFFF;
	_ =	strace $0x9FFFFFFF  }
0xc1: {  	(tm) =	ssettm $0x7FFFFFFF  }
tec
execute0_lowered:
.L_overlay_start_1:
0x0: {  	(tag) =	ssettag $0x1  }
0x1: {  	s3 =	rddreg [dreg:$0x0]  }
0x2: {  	s0 =	rddreg [dreg:$0x1]  }
0x3: {  	s2 =	simm.s32 $0x0;
	s1 =	stileid.u32;
	s4 =	srdreg.scid  }
0x4: {  	s10 =	simm.s32 $0x400;
	s11 =	simm.s32 $0x1;
	s12 =	simm.s32 $0x8000  }
0x5: {  	s13 =	simm.s32 $0x8200;
	s14 =	simm.s32 $0x8400;
	s15 =	simm.s32 $0x8600  }
0x6: {  	s16 =	simm.s32 $0x0;
	s5 =	sshll.u32 s1, $0xD;
	s4 =	sand.u32 $0x1, s4  }
0x7: {  	s6 =	sshll.u32 s1, $0x1;
	[smem:$0x7FF] =	sst s2;
	s5 =	sand.u32 $0x18000, s5  }
0x8: {  	s6 =	sor.u32 s4, s6;
	_ =	strace $0x80000047;
	s4 =	ssub.s32 $0x2, s4  }
0x9: {  	s5 =	sadd.s32 s5, s3;
	s7 =	sshll.u32 s6, $0x4;
	s6 =	sshll.u32 s6, $0x6  }
0xa: {  	s31 =	sshrl.u32 s4, $0x1;
	s7 =	sand.u32 $0x70, s7;
	s8 =	sadd.s32 s6, s3  }
0xb: {  	s9 =	ssub.s32 s4, s31;
	s5 =	sadd.s32 s7, s5;
	s4 =	sadd.s32 $0x21200, s8  }
0xc: {  	s6 =	sadd.s32 $0x22200, s8;
	s7 =	sadd.s32 $0x22A00, s8;
	s3 =	sadd.s32 $0x1200, s5  }
0xd: {  	v0 =	vimm.s32 $0x0;
	s5 =	sadd.s32 $0x21A00, s8;
	s8 =	smax.u32 s9, $0x1;
	s9 =	simm.s32 $0x80  }
.LBB2_1:
0xe: {  	[tilespmem:s2], [sflag:$0x1] =	stream.strided.gather [hbm4b:s3+s9], $0x8000, s10, s9, $0x38;
	[tilespmem:$0x8800] =	vst v63  }
0xf: {  	s17 =	simm.s32 $0x8600;
	s18 =	simm.s32 $0x8400;
	_ =	swait.ge [sflag:s11], $0x8000  }
0x10: {  	s19 =	simm.s32 $0x8200;
	s20 =	simm.s32 $0x8000;
	[sflag:s11] =	ssyncset.done $0x0  }
0x11: {  	s21 =	simm.s32 $0x0;
	s22 =	simm.s32 $0x0;
	[sflag:s11] =	ssyncadd.s32 $0xFFFF8000  }
.LBB2_2:
0x12: {  	v1 =	vld [tilespmem:s21+$0x0];
	s23 =	sand.u32 $0x1F0, s22  }
0x13: {  	v2 =	vld [tilespmem:s23+$0x200];
	_ =	sdelay $0x1  }
0x14: {  	v3 =	vld [tilespmem:s23+$0x400];
	_ =	sdelay $0x1  }
0x15: {  	v4 =	vld [tilespmem:s23+$0x600]  }
0x16: {  	vm0 =	vgt.f32 v2, v1;
	vm1 =	vlt.f32 v2, $-Inf;
	vm2 =	vgt.f32 v2, $-Inf  }
0x17: {  	v8 =	vld [tilespmem:s23+$0x800];
	v5 =	vmin.f32 v2, v1;
	v1 =	vmax.f32 v1, v2;
	vm3 =	vmneg vm0  }
0x18: {  	vm1 =	vmor vm2, vm1;
	v2 =	vsel vm0, $0x1, v0;
	vm12 =	vgt.f32 v3, v5  }
0x19: {  	v18 =	vld [tilespmem:s23+$0xA00];
	vm13 =	vgt.f32 v3, v1;
	v7 =	vmin.f32 v3, v1;
	v1 =	vmax.f32 v1, v3  }
0x1a: {  	vm1 =	vmand vm3, vm1;
	v5 =	vmax.f32 v5, v7;
	vm15 =	vgt.f32 v4, v1  }
0x1b: {  	v3 =	vmin.f32 v4, v1;
	v1 =	vmax.f32 v1, v4;
	v6 =	vsel vm1, $0x1, v0  }
0x1c: {  	v20 =	vld [tilespmem:s23+$0xC00];
	vm14 =	vgt.f32 v4, v5;
	v3 =	vmax.f32 v5, v3;
	vm5 =	vgt.f32 v8, v1  }
0x1d: {  	v4 =	vmin.f32 v8, v1;
	v1 =	vmax.f32 v1, v8;
	v6 =	vsel vm12, $0x2, v6  }
0x1e: {  	v23 =	vld [tilespmem:s23+$0xE00];
	vm4 =	vgt.f32 v8, v3;
	v3 =	vmax.f32 v3, v4;
	vm7 =	vgt.f32 v18, v1  }
0x1f: {  	v22 =	vmin.f32 v18, v1;
	v1 =	vmax.f32 v1, v18;
	v6 =	vsel vm13, v2, v6  }
0x20: {  	v25 =	vld [tilespmem:s23+$0x1000];
	v2 =	vsel vm13, $0x2, v2;
	vm6 =	vgt.f32 v18, v3;
	v3 =	vmax.f32 v3, v22  }
0x21: {  	vm9 =	vgt.f32 v20, v1;
	v24 =	vmin.f32 v20, v1;
	v1 =	vmax.f32 v1, v20  }
0x22: {  	v27 =	vld [tilespmem:s23+$0x1200];
	v6 =	vsel vm14, $0x3, v6;
	vm8 =	vgt.f32 v20, v3;
	v3 =	vmax.f32 v3, v24  }
0x23: {  	vm11 =	vgt.f32 v23, v1;
	v26 =	vmin.f32 v23, v1;
	v1 =	vmax.f32 v1, v23  }
0x24: {  	v29 =	vld [tilespmem:s23+$0x1400];
	v19 =	vsel vm15, v2, v6;
	v2 =	vsel vm15, $0x3, v2;
	vm10 =	vgt.f32 v23, v3  }
0x25: {  	v3 =	vmax.f32 v3, v26;
	vm13 =	vgt.f32 v25, v1;
	v28 =	vmin.f32 v25, v1  }
0x26: {  	v31 =	vld [tilespmem:s23+$0x1600];
	v1 =	vmax.f32 v1, v25;
	v5 =	vsel vm4, $0x4, v19;
	vm12 =	vgt.f32 v25, v3  }
0x27: {  	v3 =	vmax.f32 v3, v28;
	vm15 =	vgt.f32 v27, v1;
	v30 =	vmin.f32 v27, v1  }
0x28: {  	v1 =	vmax.f32 v1, v27;
	v21 =	vsel vm5, v2, v5;
	v2 =	vsel vm5, $0x4, v2  }
0x29: {  	v33 =	vld [tilespmem:s23+$0x1800];
	vm14 =	vgt.f32 v27, v3;
	v3 =	vmax.f32 v3, v30;
	vm5 =	vgt.f32 v29, v1  }
0x2a: {  	v32 =	vmin.f32 v29, v1;
	v1 =	vmax.f32 v1, v29;
	v4 =	vsel vm6, $0x5, v21  }
0x2b: {  	vm4 =	vgt.f32 v29, v3;
	v3 =	vmax.f32 v3, v32;
	v34 =	vmin.f32 v31, v1  }
0x2c: {  	v35 =	vld [tilespmem:s23+$0x1A00];
	v4 =	vsel vm7, v2, v4;
	v2 =	vsel vm7, $0x5, v2;
	vm6 =	vgt.f32 v31, v3  }
0x2d: {  	vm7 =	vgt.f32 v31, v1;
	v3 =	vmax.f32 v3, v34;
	v1 =	vmax.f32 v1, v31  }
0x2e: {  	v37 =	vld [tilespmem:s23+$0x1C00];
	v4 =	vsel vm8, $0x6, v4;
	vm8 =	vgt.f32 v33, v3;
	v36 =	vmin.f32 v33, v1  }
0x2f: {  	v4 =	vsel vm9, v2, v4;
	v2 =	vsel vm9, $0x6, v2;
	vm9 =	vgt.f32 v33, v1  }
0x30: {  	v3 =	vmax.f32 v3, v36;
	v1 =	vmax.f32 v1, v33;
	v4 =	vsel vm10, $0x7, v4  }
0x31: {  	v39 =	vld [tilespmem:s23+$0x1E00];
	vm10 =	vgt.f32 v35, v3;
	v38 =	vmin.f32 v35, v1;
	v4 =	vsel vm11, v2, v4  }
0x32: {  	v2 =	vsel vm11, $0x7, v2;
	vm11 =	vgt.f32 v35, v1;
	v3 =	vmax.f32 v3, v38  }
0x33: {  	v1 =	vmax.f32 v1, v35;
	v4 =	vsel vm12, $0x8, v4;
	vm12 =	vgt.f32 v37, v3  }
0x34: {  	v41 =	vld [tilespmem:s23+$0x2000];
	v40 =	vmin.f32 v37, v1;
	v4 =	vsel vm13, v2, v4;
	v2 =	vsel vm13, $0x8, v2  }
0x35: {  	vm13 =	vgt.f32 v37, v1;
	v3 =	vmax.f32 v3, v40;
	v1 =	vmax.f32 v1, v37  }
0x36: {  	v43 =	vld [tilespmem:s23+$0x2200];
	v4 =	vsel vm14, $0x9, v4;
	vm14 =	vgt.f32 v39, v3;
	v42 =	vmin.f32 v39, v1  }
0x37: {  	v4 =	vsel vm15, v2, v4;
	v2 =	vsel vm15, $0x9, v2;
	vm15 =	vgt.f32 v39, v1  }
0x38: {  	v3 =	vmax.f32 v3, v42;
	v1 =	vmax.f32 v1, v39;
	v4 =	vsel vm4, $0xA, v4  }
0x39: {  	v45 =	vld [tilespmem:s23+$0x2400];
	vm4 =	vgt.f32 v41, v3;
	v44 =	vmin.f32 v41, v1;
	v4 =	vsel vm5, v2, v4  }
0x3a: {  	v2 =	vsel vm5, $0xA, v2;
	vm5 =	vgt.f32 v41, v1;
	v3 =	vmax.f32 v3, v44  }
0x3b: {  	v1 =	vmax.f32 v1, v41;
	v4 =	vsel vm6, $0xB, v4;
	vm6 =	vgt.f32 v43, v3  }
0x3c: {  	v47 =	vld [tilespmem:s23+$0x2600];
	v46 =	vmin.f32 v43, v1;
	v4 =	vsel vm7, v2, v4;
	v2 =	vsel vm7, $0xB, v2  }
0x3d: {  	vm7 =	vgt.f32 v43, v1;
	v3 =	vmax.f32 v3, v46;
	v1 =	vmax.f32 v1, v43  }
0x3e: {  	v49 =	vld [tilespmem:s23+$0x2800];
	v4 =	vsel vm8, $0xC, v4;
	vm8 =	vgt.f32 v45, v3;
	v48 =	vmin.f32 v45, v1  }
0x3f: {  	v4 =	vsel vm9, v2, v4;
	v2 =	vsel vm9, $0xC, v2;
	vm9 =	vgt.f32 v45, v1  }
0x40: {  	v3 =	vmax.f32 v3, v48;
	v1 =	vmax.f32 v1, v45;
	v4 =	vsel vm10, $0xD, v4  }
0x41: {  	v51 =	vld [tilespmem:s23+$0x2A00];
	vm10 =	vgt.f32 v47, v3;
	v50 =	vmin.f32 v47, v1;
	v4 =	vsel vm11, v2, v4  }
0x42: {  	v2 =	vsel vm11, $0xD, v2;
	vm11 =	vgt.f32 v47, v1;
	v3 =	vmax.f32 v3, v50  }
0x43: {  	v1 =	vmax.f32 v1, v47;
	v4 =	vsel vm12, $0xE, v4;
	vm12 =	vgt.f32 v49, v3  }
0x44: {  	v53 =	vld [tilespmem:s23+$0x2C00];
	v52 =	vmin.f32 v49, v1;
	v4 =	vsel vm13, v2, v4;
	v2 =	vsel vm13, $0xE, v2  }
0x45: {  	vm13 =	vgt.f32 v49, v1;
	v3 =	vmax.f32 v3, v52;
	v1 =	vmax.f32 v1, v49  }
0x46: {  	v55 =	vld [tilespmem:s23+$0x2E00];
	v4 =	vsel vm14, $0xF, v4;
	vm14 =	vgt.f32 v51, v3;
	v54 =	vmin.f32 v51, v1  }
0x47: {  	v4 =	vsel vm15, v2, v4;
	v2 =	vsel vm15, $0xF, v2;
	vm15 =	vgt.f32 v51, v1  }
0x48: {  	v3 =	vmax.f32 v3, v54;
	v1 =	vmax.f32 v1, v51;
	v4 =	vsel vm4, $0x10, v4  }
0x49: {  	v57 =	vld [tilespmem:s23+$0x3000];
	vm4 =	vgt.f32 v53, v3;
	v56 =	vmin.f32 v53, v1;
	v4 =	vsel vm5, v2, v4  }
0x4a: {  	v2 =	vsel vm5, $0x10, v2;
	vm5 =	vgt.f32 v53, v1;
	v3 =	vmax.f32 v3, v56  }
0x4b: {  	v1 =	vmax.f32 v1, v53;
	v4 =	vsel vm6, $0x11, v4;
	vm6 =	vgt.f32 v55, v3  }
0x4c: {  	v59 =	vld [tilespmem:s23+$0x3200];
	v58 =	vmin.f32 v55, v1;
	v4 =	vsel vm7, v2, v4;
	v2 =	vsel vm7, $0x11, v2  }
0x4d: {  	vm7 =	vgt.f32 v55, v1;
	v3 =	vmax.f32 v3, v58;
	v1 =	vmax.f32 v1, v55  }
0x4e: {  	v61 =	vld [tilespmem:s23+$0x3400];
	v4 =	vsel vm8, $0x12, v4;
	vm8 =	vgt.f32 v57, v3;
	v60 =	vmin.f32 v57, v1  }
0x4f: {  	v4 =	vsel vm9, v2, v4;
	v2 =	vsel vm9, $0x12, v2;
	vm9 =	vgt.f32 v57, v1  }
0x50: {  	v3 =	vmax.f32 v3, v60;
	v1 =	vmax.f32 v1, v57;
	v4 =	vsel vm10, $0x13, v4  }
0x51: {  	v63 =	vld [tilespmem:s23+$0x3600];
	vm10 =	vgt.f32 v59, v3;
	v62 =	vmin.f32 v59, v1;
	v4 =	vsel vm11, v2, v4  }
0x52: {  	v2 =	vsel vm11, $0x13, v2;
	vm11 =	vgt.f32 v59, v1;
	v3 =	vmax.f32 v3, v62  }
0x53: {  	v1 =	vmax.f32 v1, v59;
	v4 =	vsel vm12, $0x14, v4;
	vm12 =	vgt.f32 v61, v3  }
0x54: {  	v13 =	vld [tilespmem:s23+$0x3800];
	v12 =	vmin.f32 v61, v1;
	v4 =	vsel vm13, v2, v4;
	v2 =	vsel vm13, $0x14, v2  }
0x55: {  	vm13 =	vgt.f32 v61, v1;
	v3 =	vmax.f32 v3, v12;
	v1 =	vmax.f32 v1, v61  }
0x56: {  	v15 =	vld [tilespmem:s23+$0x3A00];
	v4 =	vsel vm14, $0x15, v4;
	vm14 =	vgt.f32 v63, v3;
	v14 =	vmin.f32 v63, v1  }
0x57: {  	v4 =	vsel vm15, v2, v4;
	v2 =	vsel vm15, $0x15, v2;
	vm15 =	vgt.f32 v63, v1  }
0x58: {  	v3 =	vmax.f32 v3, v14;
	v1 =	vmax.f32 v1, v63;
	v4 =	vsel vm4, $0x16, v4  }
0x59: {  	v17 =	vld [tilespmem:s23+$0x3C00];
	vm4 =	vgt.f32 v13, v3;
	v16 =	vmin.f32 v13, v1;
	v4 =	vsel vm5, v2, v4  }
0x5a: {  	v2 =	vsel vm5, $0x16, v2;
	vm5 =	vgt.f32 v13, v1;
	v3 =	vmax.f32 v3, v16  }
0x5b: {  	v1 =	vmax.f32 v1, v13;
	v4 =	vsel vm6, $0x17, v4;
	vm6 =	vgt.f32 v15, v3  }
0x5c: {  	v19 =	vld [tilespmem:s23+$0x3E00];
	v18 =	vmin.f32 v15, v1;
	v4 =	vsel vm7, v2, v4;
	v2 =	vsel vm7, $0x17, v2  }
0x5d: {  	vm7 =	vgt.f32 v15, v1;
	v3 =	vmax.f32 v3, v18;
	v1 =	vmax.f32 v1, v15  }
0x5e: {  	v21 =	vld [tilespmem:s23+$0x4000];
	v4 =	vsel vm8, $0x18, v4;
	vm8 =	vgt.f32 v17, v3;
	v20 =	vmin.f32 v17, v1  }
0x5f: {  	v4 =	vsel vm9, v2, v4;
	v2 =	vsel vm9, $0x18, v2;
	vm9 =	vgt.f32 v17, v1  }
0x60: {  	v3 =	vmax.f32 v3, v20;
	v1 =	vmax.f32 v1, v17;
	v4 =	vsel vm10, $0x19, v4  }
0x61: {  	v23 =	vld [tilespmem:s23+$0x4200];
	vm10 =	vgt.f32 v19, v3;
	v22 =	vmin.f32 v19, v1;
	v4 =	vsel vm11, v2, v4  }
0x62: {  	v2 =	vsel vm11, $0x19, v2;
	vm11 =	vgt.f32 v19, v1;
	v3 =	vmax.f32 v3, v22  }
0x63: {  	v1 =	vmax.f32 v1, v19;
	v4 =	vsel vm12, $0x1A, v4;
	vm12 =	vgt.f32 v21, v3  }
0x64: {  	v25 =	vld [tilespmem:s23+$0x4400];
	v24 =	vmin.f32 v21, v1;
	v4 =	vsel vm13, v2, v4;
	v2 =	vsel vm13, $0x1A, v2  }
0x65: {  	vm13 =	vgt.f32 v21, v1;
	v3 =	vmax.f32 v3, v24;
	v1 =	vmax.f32 v1, v21  }
0x66: {  	v27 =	vld [tilespmem:s23+$0x4600];
	v4 =	vsel vm14, $0x1B, v4;
	vm14 =	vgt.f32 v23, v3;
	v26 =	vmin.f32 v23, v1  }
0x67: {  	v4 =	vsel vm15, v2, v4;
	v2 =	vsel vm15, $0x1B, v2;
	vm15 =	vgt.f32 v23, v1  }
0x68: {  	v3 =	vmax.f32 v3, v26;
	v1 =	vmax.f32 v1, v23;
	v4 =	vsel vm4, $0x1C, v4  }
0x69: {  	v29 =	vld [tilespmem:s23+$0x4800];
	vm4 =	vgt.f32 v25, v3;
	v28 =	vmin.f32 v25, v1;
	v4 =	vsel vm5, v2, v4  }
0x6a: {  	v2 =	vsel vm5, $0x1C, v2;
	vm5 =	vgt.f32 v25, v1;
	v3 =	vmax.f32 v3, v28  }
0x6b: {  	v1 =	vmax.f32 v1, v25;
	v4 =	vsel vm6, $0x1D, v4;
	vm6 =	vgt.f32 v27, v3  }
0x6c: {  	v31 =	vld [tilespmem:s23+$0x4A00];
	v30 =	vmin.f32 v27, v1;
	v4 =	vsel vm7, v2, v4;
	v2 =	vsel vm7, $0x1D, v2  }
0x6d: {  	vm7 =	vgt.f32 v27, v1;
	v3 =	vmax.f32 v3, v30;
	v1 =	vmax.f32 v1, v27  }
0x6e: {  	v33 =	vld [tilespmem:s23+$0x4C00];
	v4 =	vsel vm8, $0x1E, v4;
	vm8 =	vgt.f32 v29, v3;
	v32 =	vmin.f32 v29, v1  }
0x6f: {  	v4 =	vsel vm9, v2, v4;
	v2 =	vsel vm9, $0x1E, v2;
	vm9 =	vgt.f32 v29, v1  }
0x70: {  	v3 =	vmax.f32 v3, v32;
	v1 =	vmax.f32 v1, v29;
	v4 =	vsel vm10, $0x1F, v4  }
0x71: {  	v35 =	vld [tilespmem:s23+$0x4E00];
	vm10 =	vgt.f32 v31, v3;
	v34 =	vmin.f32 v31, v1;
	v4 =	vsel vm11, v2, v4  }
0x72: {  	v2 =	vsel vm11, $0x1F, v2;
	vm11 =	vgt.f32 v31, v1;
	v3 =	vmax.f32 v3, v34  }
0x73: {  	v1 =	vmax.f32 v1, v31;
	v4 =	vsel vm12, $0x20, v4;
	vm12 =	vgt.f32 v33, v3  }
0x74: {  	v37 =	vld [tilespmem:s23+$0x5000];
	v36 =	vmin.f32 v33, v1;
	v4 =	vsel vm13, v2, v4;
	v2 =	vsel vm13, $0x20, v2  }
0x75: {  	vm13 =	vgt.f32 v33, v1;
	v3 =	vmax.f32 v3, v36;
	v1 =	vmax.f32 v1, v33  }
0x76: {  	v39 =	vld [tilespmem:s23+$0x5200];
	v4 =	vsel vm14, $0x21, v4;
	vm14 =	vgt.f32 v35, v3;
	v38 =	vmin.f32 v35, v1  }
0x77: {  	v4 =	vsel vm15, v2, v4;
	v2 =	vsel vm15, $0x21, v2;
	vm15 =	vgt.f32 v35, v1  }
0x78: {  	v3 =	vmax.f32 v3, v38;
	v1 =	vmax.f32 v1, v35;
	v4 =	vsel vm4, $0x22, v4  }
0x79: {  	v41 =	vld [tilespmem:s23+$0x5400];
	vm4 =	vgt.f32 v37, v3;
	v40 =	vmin.f32 v37, v1;
	v4 =	vsel vm5, v2, v4  }
0x7a: {  	v2 =	vsel vm5, $0x22, v2;
	vm5 =	vgt.f32 v37, v1;
	v3 =	vmax.f32 v3, v40  }
0x7b: {  	v1 =	vmax.f32 v1, v37;
	v4 =	vsel vm6, $0x23, v4;
	vm6 =	vgt.f32 v39, v3  }
0x7c: {  	v43 =	vld [tilespmem:s23+$0x5600];
	v42 =	vmin.f32 v39, v1;
	v4 =	vsel vm7, v2, v4;
	v2 =	vsel vm7, $0x23, v2  }
0x7d: {  	vm7 =	vgt.f32 v39, v1;
	v3 =	vmax.f32 v3, v42;
	v1 =	vmax.f32 v1, v39  }
0x7e: {  	v45 =	vld [tilespmem:s23+$0x5800];
	v4 =	vsel vm8, $0x24, v4;
	vm8 =	vgt.f32 v41, v3;
	v44 =	vmin.f32 v41, v1  }
0x7f: {  	v4 =	vsel vm9, v2, v4;
	v2 =	vsel vm9, $0x24, v2;
	vm9 =	vgt.f32 v41, v1  }
0x80: {  	v3 =	vmax.f32 v3, v44;
	v1 =	vmax.f32 v1, v41;
	v4 =	vsel vm10, $0x25, v4  }
0x81: {  	v47 =	vld [tilespmem:s23+$0x5A00];
	vm10 =	vgt.f32 v43, v3;
	v46 =	vmin.f32 v43, v1;
	v4 =	vsel vm11, v2, v4  }
0x82: {  	v2 =	vsel vm11, $0x25, v2;
	vm11 =	vgt.f32 v43, v1;
	v3 =	vmax.f32 v3, v46  }
0x83: {  	v1 =	vmax.f32 v1, v43;
	v4 =	vsel vm12, $0x26, v4;
	vm12 =	vgt.f32 v45, v3  }
0x84: {  	v49 =	vld [tilespmem:s23+$0x5C00];
	v48 =	vmin.f32 v45, v1;
	v4 =	vsel vm13, v2, v4;
	v2 =	vsel vm13, $0x26, v2  }
0x85: {  	vm13 =	vgt.f32 v45, v1;
	v3 =	vmax.f32 v3, v48;
	v1 =	vmax.f32 v1, v45  }
0x86: {  	v51 =	vld [tilespmem:s23+$0x5E00];
	v4 =	vsel vm14, $0x27, v4;
	vm14 =	vgt.f32 v47, v3;
	v50 =	vmin.f32 v47, v1  }
0x87: {  	v4 =	vsel vm15, v2, v4;
	v2 =	vsel vm15, $0x27, v2;
	vm15 =	vgt.f32 v47, v1  }
0x88: {  	v3 =	vmax.f32 v3, v50;
	v1 =	vmax.f32 v1, v47;
	v4 =	vsel vm4, $0x28, v4  }
0x89: {  	v53 =	vld [tilespmem:s23+$0x6000];
	vm4 =	vgt.f32 v49, v3;
	v52 =	vmin.f32 v49, v1;
	v4 =	vsel vm5, v2, v4  }
0x8a: {  	v2 =	vsel vm5, $0x28, v2;
	vm5 =	vgt.f32 v49, v1;
	v3 =	vmax.f32 v3, v52  }
0x8b: {  	v55 =	vld [tilespmem:s23+$0x6200];
	v1 =	vmax.f32 v1, v49;
	v4 =	vsel vm6, $0x29, v4;
	vm6 =	vgt.f32 v51, v3  }
0x8c: {  	v54 =	vmin.f32 v51, v1;
	v4 =	vsel vm7, v2, v4;
	v2 =	vsel vm7, $0x29, v2  }
0x8d: {  	vm7 =	vgt.f32 v51, v1;
	v3 =	vmax.f32 v3, v54;
	v1 =	vmax.f32 v1, v51  }
0x8e: {  	v56 =	vld [tilespmem:s23+$0x6400];
	v4 =	vsel vm8, $0x2A, v4;
	vm8 =	vgt.f32 v53, v1;
	v9 =	vmin.f32 v53, v1  }
0x8f: {  	v57 =	vld [tilespmem:s23+$0x6600];
	v1 =	vmax.f32 v1, v53;
	v4 =	vsel vm9, v2, v4;
	v2 =	vsel vm9, $0x2A, v2  }
0x90: {  	vm9 =	vgt.f32 v53, v3;
	v3 =	vmax.f32 v3, v9;
	v59 =	vmin.f32 v55, v1  }
0x91: {  	v10 =	vld [tilespmem:s23+$0x6800];
	v4 =	vsel vm10, $0x2B, v4;
	vm10 =	vgt.f32 v55, v1;
	v1 =	vmax.f32 v1, v55  }
0x92: {  	v58 =	vld [tilespmem:s23+$0x6A00];
	v9 =	vmax.f32 v3, v59;
	v4 =	vsel vm11, v2, v4;
	v2 =	vsel vm11, $0x2B, v2  }
0x93: {  	v12 =	vmin.f32 v56, v1;
	v13 =	vmax.f32 v1, v56;
	vm11 =	vgt.f32 v55, v3  }
0x94: {  	v11 =	vld [tilespmem:s23+$0x6C00];
	v4 =	vsel vm12, $0x2C, v4;
	v12 =	vmax.f32 v9, v12;
	v15 =	vmin.f32 v57, v13  }
0x95: {  	v14 =	vld [tilespmem:s23+$0x6E00];
	v16 =	vmax.f32 v13, v57;
	v4 =	vsel vm13, v2, v4;
	v2 =	vsel vm13, $0x2C, v2  }
0x96: {  	v15 =	vmax.f32 v12, v15;
	v18 =	vmin.f32 v10, v16;
	v19 =	vmax.f32 v16, v10  }
0x97: {  	v17 =	vld [tilespmem:s23+$0x7000];
	v4 =	vsel vm14, $0x2D, v4;
	v18 =	vmax.f32 v15, v18;
	v21 =	vmin.f32 v58, v19  }
0x98: {  	v20 =	vld [tilespmem:s23+$0x7200];
	v22 =	vmax.f32 v19, v58;
	v4 =	vsel vm15, v2, v4;
	v2 =	vsel vm15, $0x2D, v2  }
0x99: {  	v21 =	vmax.f32 v18, v21;
	v24 =	vmin.f32 v11, v22;
	v25 =	vmax.f32 v22, v11  }
0x9a: {  	v23 =	vld [tilespmem:s23+$0x7400];
	v4 =	vsel vm4, $0x2E, v4;
	v24 =	vmax.f32 v21, v24;
	v27 =	vmin.f32 v14, v25  }
0x9b: {  	v26 =	vld [tilespmem:s23+$0x7600];
	v28 =	vmax.f32 v25, v14;
	v4 =	vsel vm5, v2, v4;
	v2 =	vsel vm5, $0x2E, v2  }
0x9c: {  	v29 =	vld [tilespmem:s23+$0x7800];
	v27 =	vmax.f32 v24, v27;
	v30 =	vmin.f32 v17, v28;
	v31 =	vmax.f32 v28, v17  }
0x9d: {  	v32 =	vld [tilespmem:s23+$0x7A00];
	v4 =	vsel vm6, $0x2F, v4;
	v30 =	vmax.f32 v27, v30;
	v33 =	vmin.f32 v20, v31  }
0x9e: {  	v35 =	vld [tilespmem:s23+$0x7C00];
	v34 =	vmax.f32 v31, v20;
	v4 =	vsel vm7, v2, v4;
	v2 =	vsel vm7, $0x2F, v2  }
0x9f: {  	v38 =	vld [tilespmem:s23+$0x7E00];
	v33 =	vmax.f32 v30, v33;
	v36 =	vmin.f32 v23, v34;
	v37 =	vmax.f32 v34, v23  }
0xa0: {  	v36 =	vmax.f32 v33, v36;
	v39 =	vmin.f32 v26, v37;
	v40 =	vmax.f32 v37, v26  }
0xa1: {  	v39 =	vmax.f32 v36, v39;
	v41 =	vmin.f32 v29, v40;
	v42 =	vmax.f32 v40, v29  }
0xa2: {  	v41 =	vmax.f32 v39, v41;
	v43 =	vmin.f32 v32, v42;
	v44 =	vmax.f32 v42, v32  }
0xa3: {  	v43 =	vmax.f32 v41, v43;
	v45 =	vmin.f32 v35, v44;
	v46 =	vmax.f32 v44, v35  }
0xa4: {  	v4 =	vsel vm9, $0x30, v4;
	v3 =	vmax.f32 v43, v45;
	v60 =	vmin.f32 v38, v46  }
0xa5: {  	v4 =	vsel vm8, v2, v4;
	v61 =	vmax.f32 v46, v38;
	v8 =	vmax.f32 v3, v60  }
0xa6: {  	v2 =	vsel vm8, $0x30, v2;
	v4 =	vsel vm11, $0x31, v4;
	v8 =	vsub.f32 v8, v61  }
0xa7: {  	vm12 =	vgt.f32 v56, v1;
	vm13 =	vgt.f32 v56, v9;
	v1 =	vsel vm10, v2, v4  }
0xa8: {  	v2 =	vsel vm10, $0x31, v2;
	v1 =	vsel vm13, $0x32, v1;
	v62 =	vmul.f32 $1.442695020e+00, v8  }
0xa9: {  	vm14 =	vgt.f32 v57, v13;
	vm15 =	vgt.f32 v57, v12;
	v1 =	vsel vm12, v2, v1  }
0xaa: {  	v2 =	vsel vm12, $0x32, v2;
	v1 =	vsel vm15, $0x33, v1;
	(erf) = vpow2.f32 v62  }
0xab: {  	vm4 =	vgt.f32 v10, v15;
	v1 =	vsel vm14, v2, v1  }
0xac: {  	vm5 =	vgt.f32 v10, v16;
	v2 =	vsel vm14, $0x33, v2;
	v1 =	vsel vm4, $0x34, v1  }
0xad: {  	vm6 =	vgt.f32 v58, v18;
	v1 =	vsel vm5, v2, v1  }
0xae: {  	vm7 =	vgt.f32 v58, v19;
	v2 =	vsel vm5, $0x34, v2;
	v1 =	vsel vm6, $0x35, v1  }
0xaf: {  	vm8 =	vgt.f32 v11, v21;
	v1 =	vsel vm7, v2, v1  }
0xb0: {  	vm9 =	vgt.f32 v11, v22;
	v2 =	vsel vm7, $0x35, v2;
	v1 =	vsel vm8, $0x36, v1  }
0xb1: {  	vm10 =	vgt.f32 v14, v24;
	v1 =	vsel vm9, v2, v1  }
0xb2: {  	vm11 =	vgt.f32 v14, v25;
	v2 =	vsel vm9, $0x36, v2;
	v1 =	vsel vm10, $0x37, v1  }
0xb3: {  	vm13 =	vgt.f32 v17, v27;
	vm12 =	vgt.f32 v17, v28;
	v1 =	vsel vm11, v2, v1;
	v4 =	vpop (erf)  }
0xb4: {  	v2 =	vsel vm11, $0x37, v2;
	v1 =	vsel vm13, $0x38, v1;
	v4 =	vadd.f32 $1.000000000e+00, v4  }
0xb5: {  	vm15 =	vgt.f32 v20, v30;
	vm14 =	vgt.f32 v20, v31;
	v1 =	vsel vm12, v2, v1  }
0xb6: {  	v2 =	vsel vm12, $0x38, v2;
	v1 =	vsel vm15, $0x39, v1;
	(erf) = vrcp.f32 v4  }
0xb7: {  	vm4 =	vgt.f32 v23, v33;
	v1 =	vsel vm14, v2, v1  }
0xb8: {  	vm5 =	vgt.f32 v23, v34;
	v2 =	vsel vm14, $0x39, v2;
	v1 =	vsel vm4, $0x3A, v1  }
0xb9: {  	vm6 =	vgt.f32 v26, v36;
	v1 =	vsel vm5, v2, v1  }
0xba: {  	vm7 =	vgt.f32 v26, v37;
	v2 =	vsel vm5, $0x3A, v2;
	v1 =	vsel vm6, $0x3B, v1  }
0xbb: {  	vm8 =	vgt.f32 v29, v39;
	v1 =	vsel vm7, v2, v1  }
0xbc: {  	vm9 =	vgt.f32 v29, v40;
	v2 =	vsel vm7, $0x3B, v2;
	v1 =	vsel vm8, $0x3C, v1  }
0xbd: {  	vm10 =	vgt.f32 v32, v42;
	vm11 =	vgt.f32 v32, v41;
	v1 =	vsel vm9, v2, v1  }
0xbe: {  	vm13 =	vgt.f32 v35, v43;
	v2 =	vsel vm9, $0x3C, v2;
	v1 =	vsel vm11, $0x3D, v1  }
0xbf: {  	p0 =	sne.s32 s22, $0x1F0;
	vm12 =	vgt.f32 v35, v44;
	vm15 =	vgt.f32 v38, v3;
	v1 =	vsel vm10, v2, v1;
	v4 =	vpop (erf)  }
.Ltmp0:
0xc0: {  	v2 =	vsel vm10, $0x3D, v2;
	v1 =	vsel vm13, $0x3E, v1;
	v63 =	vsub.f32 $1.000000000e+00, v4;
	(pc) =	sbr.rel @p0 .LBB2_2-.Ltmp0, $4  }
0xc1: {  	vm14 =	vgt.f32 v38, v46;
	v1 =	vsel vm12, v2, v1;
	v2 =	vsel vm12, $0x3E, v2;
	[tilespmem:s20+$0x0] =	vst v4  }
0xc2: {  	v1 =	vsel vm15, $0x3F, v1;
	v3 =	vsel vm14, $0x3F, v2;
	[tilespmem:s19+$0x0] =	vst v63  }
0xc3: {  	s21 =	sadd.s32 $0x10, s21;
	s22 =	sadd.s32 $0x10, s22;
	v1 =	vsel vm14, v2, v1;
	s20 =	sadd.s32 $0x10, s20;
	[tilespmem:s18+$0x0] =	vst v3  }
0xc4: {  	s19 =	sadd.s32 $0x10, s19;
	s18 =	sadd.s32 $0x10, s18;
	[tilespmem:s17+$0x0] =	vst v1;
	s17 =	sadd.s32 $0x10, s17  }
0xc5: {  	[hbm4b:s4+s2] =	stream.linear.scatter [tilespmem:s12], [sflag:$0x1], $0x200, $0x38;
	[tilespmem:$0x8800] =	vst v63  }
0xc6: {  	_ =	swait.ge [sflag:s11], $0x200  }
0xc7: {  	[sflag:s11] =	ssyncset.done $0x0  }
0xc8: {  	[sflag:s11] =	ssyncadd.s32 $0xFFFFFE00  }
0xc9: {  	[hbm4b:s5+s2] =	stream.linear.scatter [tilespmem:s13], [sflag:$0x1], $0x200, $0x38;
	[tilespmem:$0x8800] =	vst v63  }
0xca: {  	_ =	swait.ge [sflag:s11], $0x200  }
0xcb: {  	[sflag:s11] =	ssyncset.done $0x0  }
0xcc: {  	[sflag:s11] =	ssyncadd.s32 $0xFFFFFE00  }
0xcd: {  	[hbm4b:s6+s2] =	stream.linear.scatter [tilespmem:s14], [sflag:$0x1], $0x200, $0x38;
	[tilespmem:$0x8800] =	vst v63  }
0xce: {  	s16 =	sadd.s32 $0x1, s16;
	_ =	swait.ge [sflag:s11], $0x200  }
0xcf: {  	p0 =	sne.s32 s16, s8;
	[sflag:s11] =	ssyncset.done $0x0  }
.Ltmp1:
0xd0: {  	[sflag:s11] =	ssyncadd.s32 $0xFFFFFE00;
	(pc) =	sbr.rel @p0 .LBB2_1-.Ltmp1, $4  }
0xd1: {  	[hbm4b:s7+s2] =	stream.linear.scatter [tilespmem:s15], [sflag:$0x1], $0x200, $0x38;
	[tilespmem:$0x8800] =	vst v63  }
0xd2: {  	_ =	swait.ge [sflag:s11], $0x200  }
0xd3: {  	[sflag:s11] =	ssyncset.done $0x0  }
0xd4: {  	[sflag:s11] =	ssyncadd.s32 $0xFFFFFE00  }
0xd5: {  	_ =	sfence.sel $0x180000  }
0xd6: {  	[bflag:$0x0] =	sbarrier.arrive $0xFFFF  }
0xd7: {  	p0 =	sne.s32 s1, $0x0;
	_ =	strace $0x90000047  }
0xd8: {  	s0 =	sadd.s32 @!p0 $0x100000, s0;
	[bflag:$0x2] =	sbarrier.arrive $0xFFFF  }
0xd9: {  	[sflag:s0] =	ssyncadd.tile.s32 @!p0 $0x1;
	_ =	shalt  }
.Lfunc_end2:
_tile_overlayer_lowered:
.L_overlay_start_2:
0xda: {  	(tag) =	ssettag $0x2  }
0xdb: {  	s0 =	rddreg [dreg:$0x0];
	s2 =	stileid.u32  }
0xdc: {  	s1 =	rddreg [dreg:$0x1];
	p0 =	sne.s32 s2, $0x0  }
0xdd: {  	s3 =	rddreg [dreg:$0x2];
	[bflag:$0x3] =	sbarrier.arrive $0xFFFF;
	s2 =	simm.s32 @!p0 $0x1C01  }
0xde: {  	[timem:s3], [sflag:s2] =	dma.local @!p0 [hbm:s0], s1  }
0xdf: {  	s0 =	simm.s32 @!p0 $0x1  }
0xe0: {  	_ =	swait.ge @!p0 [sflag:s0], s1  }
0xe1: {  	s1 =	ssub.s32 @!p0 $0x0, s1;
	[sflag:s0] =	ssyncset.done @!p0 $0x0  }
0xe2: {  	[sflag:s0] =	ssyncadd.s32 @!p0 s1  }
0xe3: {  	[bflag:$0x3] =	sbarrier.arrive $0xFFFF  }
0xe4: {  	_ =	shalt  }

</sc_bundles>
